<compile_context>
chip_gen: v7x
topology: tpu7x:2x2x1
jax: 0.10.2.dev20260603
libtpu: 0.0.44.dev20260713+nightly
codegen_flags: <defaults>
</compile_context>

<pallas_src>
import functools

import jax
import jax.numpy as jnp
from jax import lax
from jax.experimental import pallas as pl
from jax.experimental.pallas import tpu as pltpu
from jax.experimental.pallas import tpu_sc as plsc

C = 32
K = 27
NC = 2
NS = 16
NW = NC * NS
CH = 128
SCH = 512


def _sc_gather(table, idx_flat, n_rows, width, sch, dtype=jnp.float32):
    q_n = sch // CH
    n_sc = n_rows // sch
    t_max = -(-n_sc // NW) + 2
    mesh = plsc.VectorSubcoreMesh(core_axis_name="c", subcore_axis_name="s")

    @functools.partial(
        pl.kernel,
        mesh=mesh,
        compiler_params=pltpu.CompilerParams(use_tc_tiling_on_sc=False),
        out_type=jax.ShapeDtypeStruct((n_rows, width), dtype),
        scratch_types=[
            pltpu.VMEM((2 * q_n, CH), jnp.int32),
            pltpu.VMEM((2, sch, width), dtype),
        ]
        + [pltpu.SemaphoreType.DMA] * 4,
    )
    def k(tab, idxh, outh, iv, rows, g0, g1, w0, w1):
        gs, ws = (g0, g1), (w0, w1)
        wid = lax.axis_index("s") * NC + lax.axis_index("c")
        dummy = outh.at[pl.ds(0, sch)]

        def body(g, carry):
            for b in range(2):
                t = 2 * g + b
                j = wid + t * NW
                @pl.when((t >= 2) & (j - 2 * NW < n_sc))
                def _(b=b):
                    pltpu.make_async_copy(rows.at[b], dummy, ws[b]).wait()

                @pl.when(j < n_sc)
                def _(b=b, j=j):
                    pltpu.sync_copy(
                        idxh.at[pl.ds(j * q_n, q_n)],
                        iv.at[pl.ds(b * q_n, q_n)],
                    )
                    for q in range(q_n):
                        pltpu.async_copy(
                            tab.at[iv.at[b * q_n + q]],
                            rows.at[b, pl.ds(q * CH, CH)],
                            gs[b],
                        )

                @pl.when((t >= 1) & (j - NW < n_sc))
                def _(b=b, j=j):
                    pltpu.make_async_copy(
                        dummy, rows.at[1 - b], gs[1 - b]
                    ).wait()
                    pltpu.async_copy(
                        rows.at[1 - b],
                        outh.at[pl.ds((j - NW) * sch, sch)],
                        ws[1 - b],
                    )

            return carry

        lax.fori_loop(0, (t_max + 1) // 2, body, 0)

    return k(table, idx_flat)


def _conv_gemm(g3, w, b, n_merged, relu_mask, out_c, npad, bn, out_dtype=jnp.float32):
    nb = npad // bn

    def body(nm_ref, g_ref, w_ref, b_ref, o_ref):
        i = pl.program_id(0)
        k = pl.program_id(1)
        part = jnp.dot(g_ref[0].astype(jnp.float32), w_ref[0],
                       preferred_element_type=jnp.float32)

        @pl.when(k == 0)
        def _():
            o_ref[...] = (part + b_ref[0]).astype(o_ref.dtype)

        @pl.when(k > 0)
        def _():
            o_ref[...] = (o_ref[...].astype(jnp.float32) + part).astype(o_ref.dtype)

        if relu_mask:
            @pl.when(k == K - 1)
            def _():
                rows = i * bn + lax.broadcasted_iota(jnp.int32, (bn, 1), 0)
                o_ref[...] = jnp.where(
                    rows < nm_ref[0],
                    jnp.maximum(o_ref[...], jnp.zeros((), o_ref.dtype)),
                    jnp.zeros((), o_ref.dtype),
                )

    grid_spec = pltpu.PrefetchScalarGridSpec(
        num_scalar_prefetch=1,
        grid=(nb, K),
        in_specs=[
            pl.BlockSpec((1, bn, 2 * C), lambda i, k, nm: (k, i, 0)),
            pl.BlockSpec((1, 2 * C, out_c), lambda i, k, nm: (k, 0, 0)),
            pl.BlockSpec((1, out_c), lambda i, k, nm: (0, 0)),
        ],
        out_specs=pl.BlockSpec((bn, out_c), lambda i, k, nm: (i, 0)),
    )
    return pl.pallas_call(
        body,
        grid_spec=grid_spec,
        out_shape=jax.ShapeDtypeStruct((npad, out_c), out_dtype),
    )(jnp.asarray(n_merged, jnp.int32).reshape(1), g3, w, b.reshape(1, -1))


def kernel(ref_feats, pred_feats, W0, b0, W1, b1, ref_to_merged,
           pred_to_merged, edge_src, edge_dst, k_offsets, n_merged, stride):
    n_ref = ref_feats.shape[0]
    n_pred = pred_feats.shape[0]
    n_max = n_ref + n_pred
    npad = ((n_max + SCH - 1) // SCH) * SCH
    e_tot = edge_src.shape[0]
    i32 = jnp.int32

    ref_to_merged = ref_to_merged.astype(i32)
    pred_to_merged = pred_to_merged.astype(i32)
    edge_src = edge_src.astype(i32)
    edge_dst = edge_dst.astype(i32)

    kf = jnp.asarray(k_offsets, dtype=i32)
    k_of_edge = (
        jnp.searchsorted(kf, jnp.arange(e_tot, dtype=i32), side="right") - 1
    ).astype(i32)
    sent = npad - 1
    nbr = jnp.full((K * npad,), sent, i32).at[
        k_of_edge * npad + edge_dst
    ].set(edge_src, indices_are_sorted=True, unique_indices=True)
    inv_ref = jnp.full((npad,), n_ref, i32).at[ref_to_merged].set(
        jnp.arange(n_ref, dtype=i32), unique_indices=True
    )
    inv_pred = jnp.full((npad,), n_pred, i32).at[pred_to_merged].set(
        jnp.arange(n_pred, dtype=i32), unique_indices=True
    )
    table0 = jnp.concatenate(
        [
            ref_feats,
            jnp.zeros((16, C), jnp.float32),
            pred_feats,
            jnp.zeros((16, C), jnp.float32),
        ]
    ).astype(jnp.bfloat16)
    poff = n_ref + 16
    idx_m = jnp.stack([inv_ref, inv_pred + poff], axis=1).ravel()
    idx_m = jnp.pad(idx_m, (0, 8 * 4 * CH)).reshape(-1, CH)
    idx1 = jnp.pad(nbr, (0, 8 * 4 * CH)).reshape(-1, CH)
    np_pad = ((n_pred + SCH - 1) // SCH) * SCH
    idx2 = jnp.pad(pred_to_merged, (0, np_pad - n_pred + 8 * 4 * CH))
    idx2 = idx2.reshape(-1, CH)

    m_tab = _sc_gather(table0, idx_m, 2 * npad, C, 512, jnp.bfloat16)
    m_tab = m_tab.reshape(npad, 2 * C)
    g0 = _sc_gather(m_tab, idx1, K * npad, 2 * C, 512, jnp.bfloat16)
    g0 = g0.reshape(K, npad, 2 * C)
    h0 = _conv_gemm(g0, W0, b0, n_merged, True, 2 * C, npad, SCH,
                    jnp.bfloat16)
    g1 = _sc_gather(h0, idx1, K * npad, 2 * C, 512, jnp.bfloat16)
    g1 = g1.reshape(K, npad, 2 * C)
    h1 = _conv_gemm(g1, W1, b1, n_merged, False, C, npad, SCH)
    out = _sc_gather(h1, idx2, np_pad, C, 512)
    return out[:n_pred]

# --- scband reference (transcript-rebuilt; emitter-appended) ---
"""Pipeline reference for scband-motion-feature-extraction-84645215470250 (READ-ONLY COPY).

The authoritative reference and input builder live on the scoring server;
editing this copy changes nothing except your own understanding.
"""

import jax, jax.numpy as jnp
import numpy as np
from itertools import product

N_REF = 50000
N_PRED = 50000
L = 64
C = 32
K = 27
B = L + 2


def _coords(rng, n):
    lin = rng.choice(L ** 3, size=n, replace=False)
    x = lin // (L * L)
    y = (lin // L) % L
    z = lin % L
    return np.stack([x, y, z], 1).astype(np.int64)


def _key(c):
    return ((c[:, 0] + 1) * B + (c[:, 1] + 1)) * B + (c[:, 2] + 1)


def setup_inputs(seed: int = 0) -> dict:
    rng = np.random.default_rng(0)
    ref_c = _coords(rng, N_REF)
    pred_c = _coords(rng, N_PRED)
    ref_k = _key(ref_c)
    pred_k = _key(pred_c)
    merged_keys = np.unique(np.concatenate([ref_k, pred_k]))
    n_merged = int(merged_keys.shape[0])
    ref_to_merged = np.searchsorted(merged_keys, ref_k).astype(np.int64)
    pred_to_merged = np.searchsorted(merged_keys, pred_k).astype(np.int64)
    # decode merged coordinates from keys
    mz = merged_keys % B - 1
    my = (merged_keys // B) % B - 1
    mx = merged_keys // (B * B) - 1
    mc = np.stack([mx, my, mz], 1)
    stride = 1
    # build 3x3x3 kernel maps (MinkowskiConvolution kernel_size=3, stride=1)
    srcs, dsts, k_offsets = [], [], [0]
    for dx, dy, dz in product((-1, 0, 1), repeat=3):
        nb = mc + np.array([dx * stride, dy * stride, dz * stride], dtype=np.int64)
        nbk = _key(nb)
        pos = np.searchsorted(merged_keys, nbk)
        pos = np.clip(pos, 0, n_merged - 1)
        valid = merged_keys[pos] == nbk
        srcs.append(pos[valid].astype(np.int64))
        dsts.append(np.nonzero(valid)[0].astype(np.int64))
        k_offsets.append(k_offsets[-1] + int(valid.sum()))
    edge_src = jnp.asarray(np.concatenate(srcs))
    edge_dst = jnp.asarray(np.concatenate(dsts))

    key = jax.random.key(seed)
    k1, k2, k3, k4 = jax.random.split(key, 4)
    ref_feats = jax.random.normal(k1, (N_REF, C), jnp.float32)
    pred_feats = jax.random.normal(k2, (N_PRED, C), jnp.float32)
    W0 = jax.random.normal(k3, (K, 2 * C, 2 * C), jnp.float32) * (2.0 / (K * 2 * C)) ** 0.5
    b0 = jnp.zeros((2 * C,), jnp.float32)
    W1 = jax.random.normal(k4, (K, 2 * C, C), jnp.float32) * (2.0 / (K * 2 * C)) ** 0.5
    b1 = jnp.zeros((C,), jnp.float32)
    return {
        "ref_feats": ref_feats,
        "pred_feats": pred_feats,
        "W0": W0,
        "b0": b0,
        "W1": W1,
        "b1": b1,
        "ref_to_merged": jnp.asarray(ref_to_merged),
        "pred_to_merged": jnp.asarray(pred_to_merged),
        "edge_src": edge_src,
        "edge_dst": edge_dst,
        "k_offsets": k_offsets,
        "n_merged": n_merged,
        "stride": stride,
    }


def _sparse_conv(feats, W, b, edge_src, edge_dst, k_offsets, n_out):
    out = jnp.zeros((n_out, W.shape[2]), feats.dtype)
    eidx = jnp.arange(edge_src.shape[0])
    gathered = feats[edge_src]
    for k in range(K):
        s, e = k_offsets[k], k_offsets[k + 1]
        seg_mask = (eidx >= s) & (eidx < e)
        msg = gathered @ W[k]
        msg = jnp.where(seg_mask[:, None], msg, jnp.zeros((), feats.dtype))
        out = out.at[edge_dst].add(msg)
    return out + b


def reference(ref_feats, pred_feats, W0, b0, W1, b1, ref_to_merged, pred_to_merged, edge_src, edge_dst, k_offsets, n_merged, stride):
    # merge_two_frames: zero-padded concat of the two frames scattered onto the
    # union coordinate set (sparse tensor addition)
    n_max = ref_feats.shape[0] + pred_feats.shape[0]
    merged = jnp.zeros((n_max, 2 * C), ref_feats.dtype)
    merged = merged.at[ref_to_merged, :C].add(ref_feats)
    merged = merged.at[pred_to_merged, C:].add(pred_feats)
    row_valid = (jnp.arange(n_max) < n_merged)[:, None]
    merged = jnp.where(row_valid, merged, jnp.zeros((), ref_feats.dtype))
    # conv0 (2C -> 2C) + ReLU
    h = jax.nn.relu(_sparse_conv(merged, W0, b0, edge_src, edge_dst, k_offsets, n_max))
    # conv1 (2C -> C)
    h = _sparse_conv(h, W1, b1, edge_src, edge_dst, k_offsets, n_max)
    # pruning to pred coordinates + reorder to pred's coordinate map
    pred_out = h[pred_to_merged]
    return pred_out

if __name__ == "__main__":
    import jax
    _d = setup_inputs()
    print(jax.jit(kernel)(*tuple(_d.values())))

</pallas_src>

<mosaic_0001>
#map = affine_map<(d0, d1) -> (0, 0)>
module attributes {stable_mosaic.version = 14 : i64} {
  func.func @k(%arg0: i32, %arg1: i32, %arg2: memref<100352x64xbf16, #tpu.memory_space<hbm>>, %arg3: memref<21200x128xi32, #tpu.memory_space<hbm>>, %arg4: memref<2709504x64xbf16, #tpu.memory_space<hbm>>, %arg5: memref<8x128xi32, #tpu.memory_space<vmem>>, %arg6: memref<2x512x64xbf16, #tpu.memory_space<vmem>>, %arg7: memref<!tpu.dma_semaphore, #tpu.memory_space<semaphore_mem>>, %arg8: memref<!tpu.dma_semaphore, #tpu.memory_space<semaphore_mem>>, %arg9: memref<!tpu.dma_semaphore, #tpu.memory_space<semaphore_mem>>, %arg10: memref<!tpu.dma_semaphore, #tpu.memory_space<semaphore_mem>>) attributes {dimension_semantics = [#tpu.dimension_semantics<core_parallel>, #tpu.dimension_semantics<subcore_parallel>], iteration_bounds = array<i64: 2, 16>, scalar_prefetch = 0 : i64, scratch_operands = 6 : i64, tpu.core_type = #tpu.core_type<sc_vector_subcore>, window_params = [{transform_indices = #map}, {transform_indices = #map}, {transform_indices = #map}]} {
    %mul3A = arith.constant 2 : i32
    %mul3A_0 = arith.muli %arg1, %mul3A : i32
    %add3A = arith.addi %mul3A_0, %arg0 : i32
    %scan3A = arith.constant 0 : i32
    %scan3A_1 = arith.constant 0 : i32
    %scan3A_2 = arith.constant 84 : i32
    %scan3A_3 = arith.addi %scan3A_1, %scan3A_2 : i32
    %scan3A_4 = arith.constant 1 : i32
    scf.for %scan3A_6 = %scan3A_1 to %scan3A_3 step %scan3A_4  : i32 {
      %mul3A_7 = arith.constant 2 : i32
      %mul3A_8 = arith.muli %mul3A_7, %scan3A_6 : i32
      %add3A_9 = arith.constant 0 : i32
      %add3A_10 = arith.addi %mul3A_8, %add3A_9 : i32
      %mul3A_11 = arith.constant 32 : i32
      %mul3A_12 = arith.muli %add3A_10, %mul3A_11 : i32
      %add3A_13 = arith.addi %add3A, %mul3A_12 : i32
      %ge3A = arith.constant 2 : i32
      %ge3A_14 = arith.cmpi sge, %add3A_10, %ge3A : i32
      %sub3A = arith.constant 64 : i32
      %sub3A_15 = arith.subi %add3A_13, %sub3A : i32
      %lt3A = arith.constant 5292 : i32
      %lt3A_16 = arith.cmpi slt, %sub3A_15, %lt3A : i32
      %and3A = arith.andi %ge3A_14, %lt3A_16 : i1
      %convert_element_type3A = arith.extui %and3A : i1 to i32
      %cond3A = arith.constant 0 : i32
      %cond3A_17 = arith.cmpi ne, %convert_element_type3A, %cond3A : i32
      scf.if %cond3A_17 {
        %dma_wait3A = arith.constant 0 : i32
        %dma_wait3A_65 = arith.constant 0 : i32
        %dma_wait3A_66 = arith.constant 0 : i32
        %dma_wait3A_67 = tpu.memref_slice %arg6[%dma_wait3A, %dma_wait3A_65, %dma_wait3A_66] : memref<2x512x64xbf16, #tpu.memory_space<vmem>> -> memref<1x512x64xbf16, #tpu.memory_space<vmem>>
        %dma_wait3A_68 = tpu.memref_squeeze %dma_wait3A_67 : memref<1x512x64xbf16, #tpu.memory_space<vmem>> -> memref<512x64xbf16, #tpu.memory_space<vmem>>
        %dma_wait3A_69 = arith.constant 0 : i32
        %dma_wait3A_70 = arith.constant 0 : i32
        %dma_wait3A_71 = tpu.memref_slice %arg4[%dma_wait3A_69, %dma_wait3A_70] : memref<2709504x64xbf16, #tpu.memory_space<hbm>> -> memref<512x64xbf16, #tpu.memory_space<hbm>>
        %dma_wait3A_72 = arith.constant 0 : i32
        %dma_wait3A_73 = arith.constant 0 : i32
        %dma_wait3A_74 = tpu.memref_slice %arg4[%dma_wait3A_72, %dma_wait3A_73] : memref<2709504x64xbf16, #tpu.memory_space<hbm>> -> memref<512x64xbf16, #tpu.memory_space<hbm>>
        %dma_wait3A_75 = arith.constant 0 : i32
        %dma_wait3A_76 = arith.constant 0 : i32
        %dma_wait3A_77 = tpu.memref_slice %arg6[%dma_wait3A, %dma_wait3A_75, %dma_wait3A_76] : memref<2x512x64xbf16, #tpu.memory_space<vmem>> -> memref<1x512x64xbf16, #tpu.memory_space<vmem>>
        %dma_wait3A_78 = tpu.memref_squeeze %dma_wait3A_77 : memref<1x512x64xbf16, #tpu.memory_space<vmem>> -> memref<512x64xbf16, #tpu.memory_space<vmem>>
        tpu.wait_dma2 semaphore(%arg9 : memref<!tpu.dma_semaphore, #tpu.memory_space<semaphore_mem>>) src(%dma_wait3A_78 : memref<512x64xbf16, #tpu.memory_space<vmem>>) dst(%dma_wait3A_74 : memref<512x64xbf16, #tpu.memory_space<hbm>>)
      } else {
      }
      %lt3A_18 = arith.constant 5292 : i32
      %lt3A_19 = arith.cmpi slt, %add3A_13, %lt3A_18 : i32
      %convert_element_type3A_20 = arith.extui %lt3A_19 : i1 to i32
      %cond3A_21 = arith.constant 0 : i32
      %cond3A_22 = arith.cmpi ne, %convert_element_type3A_20, %cond3A_21 : i32
      scf.if %cond3A_22 {
        %mul3A_65 = arith.constant 4 : i32
        %mul3A_66 = arith.muli %add3A_13, %mul3A_65 : i32
        "tpu.region"() ({
          %run_scoped3A = tpu.sem_alloc : memref<!tpu.dma_semaphore, #tpu.memory_space<semaphore_mem>>
          %dma_start3A_114 = arith.constant 0 : i32
          %dma_start3A_115 = arith.constant 0 : i32
          %dma_start3A_116 = tpu.memref_slice %arg5[%dma_start3A_114, %dma_start3A_115] : memref<8x128xi32, #tpu.memory_space<vmem>> -> memref<4x128xi32, #tpu.memory_space<vmem>>
          %dma_start3A_117 = arith.constant 0 : i32
          %dma_start3A_118 = tpu.memref_slice %arg3[%mul3A_66, %dma_start3A_117] : memref<21200x128xi32, #tpu.memory_space<hbm>> -> memref<4x128xi32, #tpu.memory_space<hbm>>
          %dma_start3A_119 = arith.constant 0 : i32
          %dma_start3A_120 = arith.constant 0 : i32
          %dma_start3A_121 = tpu.memref_slice %arg5[%dma_start3A_119, %dma_start3A_120] : memref<8x128xi32, #tpu.memory_space<vmem>> -> memref<4x128xi32, #tpu.memory_space<vmem>>
          %dma_start3A_122 = arith.constant 0 : i32
          %dma_start3A_123 = tpu.memref_slice %arg3[%mul3A_66, %dma_start3A_122] : memref<21200x128xi32, #tpu.memory_space<hbm>> -> memref<4x128xi32, #tpu.memory_space<hbm>>
          tpu.enqueue_dma source(%dma_start3A_123 : memref<4x128xi32, #tpu.memory_space<hbm>>) target(%dma_start3A_121 : memref<4x128xi32, #tpu.memory_space<vmem>>) target_semaphore(%run_scoped3A : memref<!tpu.dma_semaphore, #tpu.memory_space<semaphore_mem>>)
          %dma_wait3A = arith.constant 0 : i32
          %dma_wait3A_124 = arith.constant 0 : i32
          %dma_wait3A_125 = tpu.memref_slice %arg5[%dma_wait3A, %dma_wait3A_124] : memref<8x128xi32, #tpu.memory_space<vmem>> -> memref<4x128xi32, #tpu.memory_space<vmem>>
          %dma_wait3A_126 = arith.constant 0 : i32
          %dma_wait3A_127 = tpu.memref_slice %arg3[%mul3A_66, %dma_wait3A_126] : memref<21200x128xi32, #tpu.memory_space<hbm>> -> memref<4x128xi32, #tpu.memory_space<hbm>>
          %dma_wait3A_128 = arith.constant 0 : i32
          %dma_wait3A_129 = arith.constant 0 : i32
          %dma_wait3A_130 = tpu.memref_slice %arg5[%dma_wait3A_128, %dma_wait3A_129] : memref<8x128xi32, #tpu.memory_space<vmem>> -> memref<4x128xi32, #tpu.memory_space<vmem>>
          %dma_wait3A_131 = arith.constant 0 : i32
          %dma_wait3A_132 = tpu.memref_slice %arg3[%mul3A_66, %dma_wait3A_131] : memref<21200x128xi32, #tpu.memory_space<hbm>> -> memref<4x128xi32, #tpu.memory_space<hbm>>
          tpu.wait_dma2 semaphore(%run_scoped3A : memref<!tpu.dma_semaphore, #tpu.memory_space<semaphore_mem>>) src(%dma_wait3A_132 : memref<4x128xi32, #tpu.memory_space<hbm>>) dst(%dma_wait3A_130 : memref<4x128xi32, #tpu.memory_space<vmem>>)
          tpu.yield
        }) : () -> ()
        %dma_start3A = arith.constant 0 : i32
        %dma_start3A_67 = arith.constant 0 : i32
        %dma_start3A_68 = arith.constant 0 : i32
        %dma_start3A_69 = arith.constant 0 : i32
        %dma_start3A_70 = tpu.memref_slice %arg6[%dma_start3A_67, %dma_start3A_68, %dma_start3A_69] : memref<2x512x64xbf16, #tpu.memory_space<vmem>> -> memref<1x128x64xbf16, #tpu.memory_space<vmem>>
        %dma_start3A_71 = tpu.memref_squeeze %dma_start3A_70 : memref<1x128x64xbf16, #tpu.memory_space<vmem>> -> memref<128x64xbf16, #tpu.memory_space<vmem>>
        %dma_start3A_72 = arith.constant 0 : i32
        %dma_start3A_73 = tpu.memref_slice %arg5[%dma_start3A, %dma_start3A_72] : memref<8x128xi32, #tpu.memory_space<vmem>> -> memref<1x128xi32, #tpu.memory_space<vmem>>
        %dma_start3A_74 = tpu.memref_squeeze %dma_start3A_73 : memref<1x128xi32, #tpu.memory_space<vmem>> -> memref<128xi32, #tpu.memory_space<vmem>>
        %dma_start3A_75 = arith.constant 0 : i32
        %dma_start3A_76 = arith.constant 0 : i32
        %dma_start3A_77 = tpu.memref_slice %arg2[%dma_start3A_75, %dma_start3A_76] : memref<100352x64xbf16, #tpu.memory_space<hbm>> -> memref<100352x64xbf16, #tpu.memory_space<hbm>>
        tpu.enqueue_indirect_dma source(%dma_start3A_77 : memref<100352x64xbf16, #tpu.memory_space<hbm>>) target(%dma_start3A_71 : memref<128x64xbf16, #tpu.memory_space<vmem>>) offsets(%dma_start3A_74 : memref<128xi32, #tpu.memory_space<vmem>>) semaphore(%arg7 : memref<!tpu.dma_semaphore, #tpu.memory_space<semaphore_mem>>)
        %dma_start3A_78 = arith.constant 1 : i32
        %dma_start3A_79 = arith.constant 0 : i32
        %dma_start3A_80 = arith.constant 128 : i32
        %dma_start3A_81 = arith.constant 0 : i32
        %dma_start3A_82 = tpu.memref_slice %arg6[%dma_start3A_79, %dma_start3A_80, %dma_start3A_81] : memref<2x512x64xbf16, #tpu.memory_space<vmem>> -> memref<1x128x64xbf16, #tpu.memory_space<vmem>>
        %dma_start3A_83 = tpu.memref_squeeze %dma_start3A_82 : memref<1x128x64xbf16, #tpu.memory_space<vmem>> -> memref<128x64xbf16, #tpu.memory_space<vmem>>
        %dma_start3A_84 = arith.constant 0 : i32
        %dma_start3A_85 = tpu.memref_slice %arg5[%dma_start3A_78, %dma_start3A_84] : memref<8x128xi32, #tpu.memory_space<vmem>> -> memref<1x128xi32, #tpu.memory_space<vmem>>
        %dma_start3A_86 = tpu.memref_squeeze %dma_start3A_85 : memref<1x128xi32, #tpu.memory_space<vmem>> -> memref<128xi32, #tpu.memory_space<vmem>>
        %dma_start3A_87 = arith.constant 0 : i32
        %dma_start3A_88 = arith.constant 0 : i32
        %dma_start3A_89 = tpu.memref_slice %arg2[%dma_start3A_87, %dma_start3A_88] : memref<100352x64xbf16, #tpu.memory_space<hbm>> -> memref<100352x64xbf16, #tpu.memory_space<hbm>>
        tpu.enqueue_indirect_dma source(%dma_start3A_89 : memref<100352x64xbf16, #tpu.memory_space<hbm>>) target(%dma_start3A_83 : memref<128x64xbf16, #tpu.memory_space<vmem>>) offsets(%dma_start3A_86 : memref<128xi32, #tpu.memory_space<vmem>>) semaphore(%arg7 : memref<!tpu.dma_semaphore, #tpu.memory_space<semaphore_mem>>)
        %dma_start3A_90 = arith.constant 2 : i32
        %dma_start3A_91 = arith.constant 0 : i32
        %dma_start3A_92 = arith.constant 256 : i32
        %dma_start3A_93 = arith.constant 0 : i32
        %dma_start3A_94 = tpu.memref_slice %arg6[%dma_start3A_91, %dma_start3A_92, %dma_start3A_93] : memref<2x512x64xbf16, #tpu.memory_space<vmem>> -> memref<1x128x64xbf16, #tpu.memory_space<vmem>>
        %dma_start3A_95 = tpu.memref_squeeze %dma_start3A_94 : memref<1x128x64xbf16, #tpu.memory_space<vmem>> -> memref<128x64xbf16, #tpu.memory_space<vmem>>
        %dma_start3A_96 = arith.constant 0 : i32
        %dma_start3A_97 = tpu.memref_slice %arg5[%dma_start3A_90, %dma_start3A_96] : memref<8x128xi32, #tpu.memory_space<vmem>> -> memref<1x128xi32, #tpu.memory_space<vmem>>
        %dma_start3A_98 = tpu.memref_squeeze %dma_start3A_97 : memref<1x128xi32, #tpu.memory_space<vmem>> -> memref<128xi32, #tpu.memory_space<vmem>>
        %dma_start3A_99 = arith.constant 0 : i32
        %dma_start3A_100 = arith.constant 0 : i32
        %dma_start3A_101 = tpu.memref_slice %arg2[%dma_start3A_99, %dma_start3A_100] : memref<100352x64xbf16, #tpu.memory_space<hbm>> -> memref<100352x64xbf16, #tpu.memory_space<hbm>>
        tpu.enqueue_indirect_dma source(%dma_start3A_101 : memref<100352x64xbf16, #tpu.memory_space<hbm>>) target(%dma_start3A_95 : memref<128x64xbf16, #tpu.memory_space<vmem>>) offsets(%dma_start3A_98 : memref<128xi32, #tpu.memory_space<vmem>>) semaphore(%arg7 : memref<!tpu.dma_semaphore, #tpu.memory_space<semaphore_mem>>)
        %dma_start3A_102 = arith.constant 3 : i32
        %dma_start3A_103 = arith.constant 0 : i32
        %dma_start3A_104 = arith.constant 384 : i32
        %dma_start3A_105 = arith.constant 0 : i32
        %dma_start3A_106 = tpu.memref_slice %arg6[%dma_start3A_103, %dma_start3A_104, %dma_start3A_105] : memref<2x512x64xbf16, #tpu.memory_space<vmem>> -> memref<1x128x64xbf16, #tpu.memory_space<vmem>>
        %dma_start3A_107 = tpu.memref_squeeze %dma_start3A_106 : memref<1x128x64xbf16, #tpu.memory_space<vmem>> -> memref<128x64xbf16, #tpu.memory_space<vmem>>
        %dma_start3A_108 = arith.constant 0 : i32
        %dma_start3A_109 = tpu.memref_slice %arg5[%dma_start3A_102, %dma_start3A_108] : memref<8x128xi32, #tpu.memory_space<vmem>> -> memref<1x128xi32, #tpu.memory_space<vmem>>
        %dma_start3A_110 = tpu.memref_squeeze %dma_start3A_109 : memref<1x128xi32, #tpu.memory_space<vmem>> -> memref<128xi32, #tpu.memory_space<vmem>>
        %dma_start3A_111 = arith.constant 0 : i32
        %dma_start3A_112 = arith.constant 0 : i32
        %dma_start3A_113 = tpu.memref_slice %arg2[%dma_start3A_111, %dma_start3A_112] : memref<100352x64xbf16, #tpu.memory_space<hbm>> -> memref<100352x64xbf16, #tpu.memory_space<hbm>>
        tpu.enqueue_indirect_dma source(%dma_start3A_113 : memref<100352x64xbf16, #tpu.memory_space<hbm>>) target(%dma_start3A_107 : memref<128x64xbf16, #tpu.memory_space<vmem>>) offsets(%dma_start3A_110 : memref<128xi32, #tpu.memory_space<vmem>>) semaphore(%arg7 : memref<!tpu.dma_semaphore, #tpu.memory_space<semaphore_mem>>)
      } else {
      }
      %ge3A_23 = arith.constant 1 : i32
      %ge3A_24 = arith.cmpi sge, %add3A_10, %ge3A_23 : i32
      %sub3A_25 = arith.constant 32 : i32
      %sub3A_26 = arith.subi %add3A_13, %sub3A_25 : i32
      %lt3A_27 = arith.constant 5292 : i32
      %lt3A_28 = arith.cmpi slt, %sub3A_26, %lt3A_27 : i32
      %and3A_29 = arith.andi %ge3A_24, %lt3A_28 : i1
      %convert_element_type3A_30 = arith.extui %and3A_29 : i1 to i32
      %cond3A_31 = arith.constant 0 : i32
      %cond3A_32 = arith.cmpi ne, %convert_element_type3A_30, %cond3A_31 : i32
      scf.if %cond3A_32 {
        %dma_wait3A = arith.constant 1 : i32
        %dma_wait3A_65 = arith.constant 0 : i32
        %dma_wait3A_66 = arith.constant 0 : i32
        %dma_wait3A_67 = tpu.memref_slice %arg6[%dma_wait3A, %dma_wait3A_65, %dma_wait3A_66] : memref<2x512x64xbf16, #tpu.memory_space<vmem>> -> memref<1x512x64xbf16, #tpu.memory_space<vmem>>
        %dma_wait3A_68 = tpu.memref_squeeze %dma_wait3A_67 : memref<1x512x64xbf16, #tpu.memory_space<vmem>> -> memref<512x64xbf16, #tpu.memory_space<vmem>>
        %dma_wait3A_69 = arith.constant 0 : i32
        %dma_wait3A_70 = arith.constant 0 : i32
        %dma_wait3A_71 = tpu.memref_slice %arg4[%dma_wait3A_69, %dma_wait3A_70] : memref<2709504x64xbf16, #tpu.memory_space<hbm>> -> memref<512x64xbf16, #tpu.memory_space<hbm>>
        %dma_wait3A_72 = arith.constant 0 : i32
        %dma_wait3A_73 = arith.constant 0 : i32
        %dma_wait3A_74 = tpu.memref_slice %arg6[%dma_wait3A, %dma_wait3A_72, %dma_wait3A_73] : memref<2x512x64xbf16, #tpu.memory_space<vmem>> -> memref<1x512x64xbf16, #tpu.memory_space<vmem>>
        %dma_wait3A_75 = tpu.memref_squeeze %dma_wait3A_74 : memref<1x512x64xbf16, #tpu.memory_space<vmem>> -> memref<512x64xbf16, #tpu.memory_space<vmem>>
        %dma_wait3A_76 = arith.constant 0 : i32
        %dma_wait3A_77 = arith.constant 0 : i32
        %dma_wait3A_78 = tpu.memref_slice %arg4[%dma_wait3A_76, %dma_wait3A_77] : memref<2709504x64xbf16, #tpu.memory_space<hbm>> -> memref<512x64xbf16, #tpu.memory_space<hbm>>
        tpu.wait_dma2 semaphore(%arg8 : memref<!tpu.dma_semaphore, #tpu.memory_space<semaphore_mem>>) src(%dma_wait3A_78 : memref<512x64xbf16, #tpu.memory_space<hbm>>) dst(%dma_wait3A_75 : memref<512x64xbf16, #tpu.memory_space<vmem>>)
        %sub3A_79 = arith.constant 32 : i32
        %sub3A_80 = arith.subi %add3A_13, %sub3A_79 : i32
        %mul3A_81 = arith.constant 512 : i32
        %mul3A_82 = arith.muli %sub3A_80, %mul3A_81 : i32
        %dma_start3A = arith.constant 1 : i32
        %dma_start3A_83 = arith.constant 0 : i32
        %dma_start3A_84 = arith.constant 0 : i32
        %dma_start3A_85 = tpu.memref_slice %arg6[%dma_start3A, %dma_start3A_83, %dma_start3A_84] : memref<2x512x64xbf16, #tpu.memory_space<vmem>> -> memref<1x512x64xbf16, #tpu.memory_space<vmem>>
        %dma_start3A_86 = tpu.memref_squeeze %dma_start3A_85 : memref<1x512x64xbf16, #tpu.memory_space<vmem>> -> memref<512x64xbf16, #tpu.memory_space<vmem>>
        %dma_start3A_87 = arith.constant 0 : i32
        %dma_start3A_88 = tpu.memref_slice %arg4[%mul3A_82, %dma_start3A_87] : memref<2709504x64xbf16, #tpu.memory_space<hbm>> -> memref<512x64xbf16, #tpu.memory_space<hbm>>
        %dma_start3A_89 = arith.constant 0 : i32
        %dma_start3A_90 = tpu.memref_slice %arg4[%mul3A_82, %dma_start3A_89] : memref<2709504x64xbf16, #tpu.memory_space<hbm>> -> memref<512x64xbf16, #tpu.memory_space<hbm>>
        %dma_start3A_91 = arith.constant 0 : i32
        %dma_start3A_92 = arith.constant 0 : i32
        %dma_start3A_93 = tpu.memref_slice %arg6[%dma_start3A, %dma_start3A_91, %dma_start3A_92] : memref<2x512x64xbf16, #tpu.memory_space<vmem>> -> memref<1x512x64xbf16, #tpu.memory_space<vmem>>
        %dma_start3A_94 = tpu.memref_squeeze %dma_start3A_93 : memref<1x512x64xbf16, #tpu.memory_space<vmem>> -> memref<512x64xbf16, #tpu.memory_space<vmem>>
        tpu.enqueue_dma source(%dma_start3A_94 : memref<512x64xbf16, #tpu.memory_space<vmem>>) target(%dma_start3A_90 : memref<512x64xbf16, #tpu.memory_space<hbm>>) target_semaphore(%arg10 : memref<!tpu.dma_semaphore, #tpu.memory_space<semaphore_mem>>)
      } else {
      }
      %mul3A_33 = arith.constant 2 : i32
      %mul3A_34 = arith.muli %mul3A_33, %scan3A_6 : i32
      %add3A_35 = arith.constant 1 : i32
      %add3A_36 = arith.addi %mul3A_34, %add3A_35 : i32
      %mul3A_37 = arith.constant 32 : i32
      %mul3A_38 = arith.muli %add3A_36, %mul3A_37 : i32
      %add3A_39 = arith.addi %add3A, %mul3A_38 : i32
      %ge3A_40 = arith.constant 2 : i32
      %ge3A_41 = arith.cmpi sge, %add3A_36, %ge3A_40 : i32
      %sub3A_42 = arith.constant 64 : i32
      %sub3A_43 = arith.subi %add3A_39, %sub3A_42 : i32
      %lt3A_44 = arith.constant 5292 : i32
      %lt3A_45 = arith.cmpi slt, %sub3A_43, %lt3A_44 : i32
      %and3A_46 = arith.andi %ge3A_41, %lt3A_45 : i1
      %convert_element_type3A_47 = arith.extui %and3A_46 : i1 to i32
      %cond3A_48 = arith.constant 0 : i32
      %cond3A_49 = arith.cmpi ne, %convert_element_type3A_47, %cond3A_48 : i32
      scf.if %cond3A_49 {
        %dma_wait3A = arith.constant 1 : i32
        %dma_wait3A_65 = arith.constant 0 : i32
        %dma_wait3A_66 = arith.constant 0 : i32
        %dma_wait3A_67 = tpu.memref_slice %arg6[%dma_wait3A, %dma_wait3A_65, %dma_wait3A_66] : memref<2x512x64xbf16, #tpu.memory_space<vmem>> -> memref<1x512x64xbf16, #tpu.memory_space<vmem>>
        %dma_wait3A_68 = tpu.memref_squeeze %dma_wait3A_67 : memref<1x512x64xbf16, #tpu.memory_space<vmem>> -> memref<512x64xbf16, #tpu.memory_space<vmem>>
        %dma_wait3A_69 = arith.constant 0 : i32
        %dma_wait3A_70 = arith.constant 0 : i32
        %dma_wait3A_71 = tpu.memref_slice %arg4[%dma_wait3A_69, %dma_wait3A_70] : memref<2709504x64xbf16, #tpu.memory_space<hbm>> -> memref<512x64xbf16, #tpu.memory_space<hbm>>
        %dma_wait3A_72 = arith.constant 0 : i32
        %dma_wait3A_73 = arith.constant 0 : i32
        %dma_wait3A_74 = tpu.memref_slice %arg4[%dma_wait3A_72, %dma_wait3A_73] : memref<2709504x64xbf16, #tpu.memory_space<hbm>> -> memref<512x64xbf16, #tpu.memory_space<hbm>>
        %dma_wait3A_75 = arith.constant 0 : i32
        %dma_wait3A_76 = arith.constant 0 : i32
        %dma_wait3A_77 = tpu.memref_slice %arg6[%dma_wait3A, %dma_wait3A_75, %dma_wait3A_76] : memref<2x512x64xbf16, #tpu.memory_space<vmem>> -> memref<1x512x64xbf16, #tpu.memory_space<vmem>>
        %dma_wait3A_78 = tpu.memref_squeeze %dma_wait3A_77 : memref<1x512x64xbf16, #tpu.memory_space<vmem>> -> memref<512x64xbf16, #tpu.memory_space<vmem>>
        tpu.wait_dma2 semaphore(%arg10 : memref<!tpu.dma_semaphore, #tpu.memory_space<semaphore_mem>>) src(%dma_wait3A_78 : memref<512x64xbf16, #tpu.memory_space<vmem>>) dst(%dma_wait3A_74 : memref<512x64xbf16, #tpu.memory_space<hbm>>)
      } else {
      }
      %lt3A_50 = arith.constant 5292 : i32
      %lt3A_51 = arith.cmpi slt, %add3A_39, %lt3A_50 : i32
      %convert_element_type3A_52 = arith.extui %lt3A_51 : i1 to i32
      %cond3A_53 = arith.constant 0 : i32
      %cond3A_54 = arith.cmpi ne, %convert_element_type3A_52, %cond3A_53 : i32
      scf.if %cond3A_54 {
        %mul3A_65 = arith.constant 4 : i32
        %mul3A_66 = arith.muli %add3A_39, %mul3A_65 : i32
        "tpu.region"() ({
          %run_scoped3A = tpu.sem_alloc : memref<!tpu.dma_semaphore, #tpu.memory_space<semaphore_mem>>
          %dma_start3A_114 = arith.constant 4 : i32
          %dma_start3A_115 = arith.constant 0 : i32
          %dma_start3A_116 = tpu.memref_slice %arg5[%dma_start3A_114, %dma_start3A_115] : memref<8x128xi32, #tpu.memory_space<vmem>> -> memref<4x128xi32, #tpu.memory_space<vmem>>
          %dma_start3A_117 = arith.constant 0 : i32
          %dma_start3A_118 = tpu.memref_slice %arg3[%mul3A_66, %dma_start3A_117] : memref<21200x128xi32, #tpu.memory_space<hbm>> -> memref<4x128xi32, #tpu.memory_space<hbm>>
          %dma_start3A_119 = arith.constant 4 : i32
          %dma_start3A_120 = arith.constant 0 : i32
          %dma_start3A_121 = tpu.memref_slice %arg5[%dma_start3A_119, %dma_start3A_120] : memref<8x128xi32, #tpu.memory_space<vmem>> -> memref<4x128xi32, #tpu.memory_space<vmem>>
          %dma_start3A_122 = arith.constant 0 : i32
          %dma_start3A_123 = tpu.memref_slice %arg3[%mul3A_66, %dma_start3A_122] : memref<21200x128xi32, #tpu.memory_space<hbm>> -> memref<4x128xi32, #tpu.memory_space<hbm>>
          tpu.enqueue_dma source(%dma_start3A_123 : memref<4x128xi32, #tpu.memory_space<hbm>>) target(%dma_start3A_121 : memref<4x128xi32, #tpu.memory_space<vmem>>) target_semaphore(%run_scoped3A : memref<!tpu.dma_semaphore, #tpu.memory_space<semaphore_mem>>)
          %dma_wait3A = arith.constant 4 : i32
          %dma_wait3A_124 = arith.constant 0 : i32
          %dma_wait3A_125 = tpu.memref_slice %arg5[%dma_wait3A, %dma_wait3A_124] : memref<8x128xi32, #tpu.memory_space<vmem>> -> memref<4x128xi32, #tpu.memory_space<vmem>>
          %dma_wait3A_126 = arith.constant 0 : i32
          %dma_wait3A_127 = tpu.memref_slice %arg3[%mul3A_66, %dma_wait3A_126] : memref<21200x128xi32, #tpu.memory_space<hbm>> -> memref<4x128xi32, #tpu.memory_space<hbm>>
          %dma_wait3A_128 = arith.constant 4 : i32
          %dma_wait3A_129 = arith.constant 0 : i32
          %dma_wait3A_130 = tpu.memref_slice %arg5[%dma_wait3A_128, %dma_wait3A_129] : memref<8x128xi32, #tpu.memory_space<vmem>> -> memref<4x128xi32, #tpu.memory_space<vmem>>
          %dma_wait3A_131 = arith.constant 0 : i32
          %dma_wait3A_132 = tpu.memref_slice %arg3[%mul3A_66, %dma_wait3A_131] : memref<21200x128xi32, #tpu.memory_space<hbm>> -> memref<4x128xi32, #tpu.memory_space<hbm>>
          tpu.wait_dma2 semaphore(%run_scoped3A : memref<!tpu.dma_semaphore, #tpu.memory_space<semaphore_mem>>) src(%dma_wait3A_132 : memref<4x128xi32, #tpu.memory_space<hbm>>) dst(%dma_wait3A_130 : memref<4x128xi32, #tpu.memory_space<vmem>>)
          tpu.yield
        }) : () -> ()
        %dma_start3A = arith.constant 4 : i32
        %dma_start3A_67 = arith.constant 1 : i32
        %dma_start3A_68 = arith.constant 0 : i32
        %dma_start3A_69 = arith.constant 0 : i32
        %dma_start3A_70 = tpu.memref_slice %arg6[%dma_start3A_67, %dma_start3A_68, %dma_start3A_69] : memref<2x512x64xbf16, #tpu.memory_space<vmem>> -> memref<1x128x64xbf16, #tpu.memory_space<vmem>>
        %dma_start3A_71 = tpu.memref_squeeze %dma_start3A_70 : memref<1x128x64xbf16, #tpu.memory_space<vmem>> -> memref<128x64xbf16, #tpu.memory_space<vmem>>
        %dma_start3A_72 = arith.constant 0 : i32
        %dma_start3A_73 = tpu.memref_slice %arg5[%dma_start3A, %dma_start3A_72] : memref<8x128xi32, #tpu.memory_space<vmem>> -> memref<1x128xi32, #tpu.memory_space<vmem>>
        %dma_start3A_74 = tpu.memref_squeeze %dma_start3A_73 : memref<1x128xi32, #tpu.memory_space<vmem>> -> memref<128xi32, #tpu.memory_space<vmem>>
        %dma_start3A_75 = arith.constant 0 : i32
        %dma_start3A_76 = arith.constant 0 : i32
        %dma_start3A_77 = tpu.memref_slice %arg2[%dma_start3A_75, %dma_start3A_76] : memref<100352x64xbf16, #tpu.memory_space<hbm>> -> memref<100352x64xbf16, #tpu.memory_space<hbm>>
        tpu.enqueue_indirect_dma source(%dma_start3A_77 : memref<100352x64xbf16, #tpu.memory_space<hbm>>) target(%dma_start3A_71 : memref<128x64xbf16, #tpu.memory_space<vmem>>) offsets(%dma_start3A_74 : memref<128xi32, #tpu.memory_space<vmem>>) semaphore(%arg8 : memref<!tpu.dma_semaphore, #tpu.memory_space<semaphore_mem>>)
        %dma_start3A_78 = arith.constant 5 : i32
        %dma_start3A_79 = arith.constant 1 : i32
        %dma_start3A_80 = arith.constant 128 : i32
        %dma_start3A_81 = arith.constant 0 : i32
        %dma_start3A_82 = tpu.memref_slice %arg6[%dma_start3A_79, %dma_start3A_80, %dma_start3A_81] : memref<2x512x64xbf16, #tpu.memory_space<vmem>> -> memref<1x128x64xbf16, #tpu.memory_space<vmem>>
        %dma_start3A_83 = tpu.memref_squeeze %dma_start3A_82 : memref<1x128x64xbf16, #tpu.memory_space<vmem>> -> memref<128x64xbf16, #tpu.memory_space<vmem>>
        %dma_start3A_84 = arith.constant 0 : i32
        %dma_start3A_85 = tpu.memref_slice %arg5[%dma_start3A_78, %dma_start3A_84] : memref<8x128xi32, #tpu.memory_space<vmem>> -> memref<1x128xi32, #tpu.memory_space<vmem>>
        %dma_start3A_86 = tpu.memref_squeeze %dma_start3A_85 : memref<1x128xi32, #tpu.memory_space<vmem>> -> memref<128xi32, #tpu.memory_space<vmem>>
        %dma_start3A_87 = arith.constant 0 : i32
        %dma_start3A_88 = arith.constant 0 : i32
        %dma_start3A_89 = tpu.memref_slice %arg2[%dma_start3A_87, %dma_start3A_88] : memref<100352x64xbf16, #tpu.memory_space<hbm>> -> memref<100352x64xbf16, #tpu.memory_space<hbm>>
        tpu.enqueue_indirect_dma source(%dma_start3A_89 : memref<100352x64xbf16, #tpu.memory_space<hbm>>) target(%dma_start3A_83 : memref<128x64xbf16, #tpu.memory_space<vmem>>) offsets(%dma_start3A_86 : memref<128xi32, #tpu.memory_space<vmem>>) semaphore(%arg8 : memref<!tpu.dma_semaphore, #tpu.memory_space<semaphore_mem>>)
        %dma_start3A_90 = arith.constant 6 : i32
        %dma_start3A_91 = arith.constant 1 : i32
        %dma_start3A_92 = arith.constant 256 : i32
        %dma_start3A_93 = arith.constant 0 : i32
        %dma_start3A_94 = tpu.memref_slice %arg6[%dma_start3A_91, %dma_start3A_92, %dma_start3A_93] : memref<2x512x64xbf16, #tpu.memory_space<vmem>> -> memref<1x128x64xbf16, #tpu.memory_space<vmem>>
        %dma_start3A_95 = tpu.memref_squeeze %dma_start3A_94 : memref<1x128x64xbf16, #tpu.memory_space<vmem>> -> memref<128x64xbf16, #tpu.memory_space<vmem>>
        %dma_start3A_96 = arith.constant 0 : i32
        %dma_start3A_97 = tpu.memref_slice %arg5[%dma_start3A_90, %dma_start3A_96] : memref<8x128xi32, #tpu.memory_space<vmem>> -> memref<1x128xi32, #tpu.memory_space<vmem>>
        %dma_start3A_98 = tpu.memref_squeeze %dma_start3A_97 : memref<1x128xi32, #tpu.memory_space<vmem>> -> memref<128xi32, #tpu.memory_space<vmem>>
        %dma_start3A_99 = arith.constant 0 : i32
        %dma_start3A_100 = arith.constant 0 : i32
        %dma_start3A_101 = tpu.memref_slice %arg2[%dma_start3A_99, %dma_start3A_100] : memref<100352x64xbf16, #tpu.memory_space<hbm>> -> memref<100352x64xbf16, #tpu.memory_space<hbm>>
        tpu.enqueue_indirect_dma source(%dma_start3A_101 : memref<100352x64xbf16, #tpu.memory_space<hbm>>) target(%dma_start3A_95 : memref<128x64xbf16, #tpu.memory_space<vmem>>) offsets(%dma_start3A_98 : memref<128xi32, #tpu.memory_space<vmem>>) semaphore(%arg8 : memref<!tpu.dma_semaphore, #tpu.memory_space<semaphore_mem>>)
        %dma_start3A_102 = arith.constant 7 : i32
        %dma_start3A_103 = arith.constant 1 : i32
        %dma_start3A_104 = arith.constant 384 : i32
        %dma_start3A_105 = arith.constant 0 : i32
        %dma_start3A_106 = tpu.memref_slice %arg6[%dma_start3A_103, %dma_start3A_104, %dma_start3A_105] : memref<2x512x64xbf16, #tpu.memory_space<vmem>> -> memref<1x128x64xbf16, #tpu.memory_space<vmem>>
        %dma_start3A_107 = tpu.memref_squeeze %dma_start3A_106 : memref<1x128x64xbf16, #tpu.memory_space<vmem>> -> memref<128x64xbf16, #tpu.memory_space<vmem>>
        %dma_start3A_108 = arith.constant 0 : i32
        %dma_start3A_109 = tpu.memref_slice %arg5[%dma_start3A_102, %dma_start3A_108] : memref<8x128xi32, #tpu.memory_space<vmem>> -> memref<1x128xi32, #tpu.memory_space<vmem>>
        %dma_start3A_110 = tpu.memref_squeeze %dma_start3A_109 : memref<1x128xi32, #tpu.memory_space<vmem>> -> memref<128xi32, #tpu.memory_space<vmem>>
        %dma_start3A_111 = arith.constant 0 : i32
        %dma_start3A_112 = arith.constant 0 : i32
        %dma_start3A_113 = tpu.memref_slice %arg2[%dma_start3A_111, %dma_start3A_112] : memref<100352x64xbf16, #tpu.memory_space<hbm>> -> memref<100352x64xbf16, #tpu.memory_space<hbm>>
        tpu.enqueue_indirect_dma source(%dma_start3A_113 : memref<100352x64xbf16, #tpu.memory_space<hbm>>) target(%dma_start3A_107 : memref<128x64xbf16, #tpu.memory_space<vmem>>) offsets(%dma_start3A_110 : memref<128xi32, #tpu.memory_space<vmem>>) semaphore(%arg8 : memref<!tpu.dma_semaphore, #tpu.memory_space<semaphore_mem>>)
      } else {
      }
      %ge3A_55 = arith.constant 1 : i32
      %ge3A_56 = arith.cmpi sge, %add3A_36, %ge3A_55 : i32
      %sub3A_57 = arith.constant 32 : i32
      %sub3A_58 = arith.subi %add3A_39, %sub3A_57 : i32
      %lt3A_59 = arith.constant 5292 : i32
      %lt3A_60 = arith.cmpi slt, %sub3A_58, %lt3A_59 : i32
      %and3A_61 = arith.andi %ge3A_56, %lt3A_60 : i1
      %convert_element_type3A_62 = arith.extui %and3A_61 : i1 to i32
      %cond3A_63 = arith.constant 0 : i32
      %cond3A_64 = arith.cmpi ne, %convert_element_type3A_62, %cond3A_63 : i32
      scf.if %cond3A_64 {
        %dma_wait3A = arith.constant 0 : i32
        %dma_wait3A_65 = arith.constant 0 : i32
        %dma_wait3A_66 = arith.constant 0 : i32
        %dma_wait3A_67 = tpu.memref_slice %arg6[%dma_wait3A, %dma_wait3A_65, %dma_wait3A_66] : memref<2x512x64xbf16, #tpu.memory_space<vmem>> -> memref<1x512x64xbf16, #tpu.memory_space<vmem>>
        %dma_wait3A_68 = tpu.memref_squeeze %dma_wait3A_67 : memref<1x512x64xbf16, #tpu.memory_space<vmem>> -> memref<512x64xbf16, #tpu.memory_space<vmem>>
        %dma_wait3A_69 = arith.constant 0 : i32
        %dma_wait3A_70 = arith.constant 0 : i32
        %dma_wait3A_71 = tpu.memref_slice %arg4[%dma_wait3A_69, %dma_wait3A_70] : memref<2709504x64xbf16, #tpu.memory_space<hbm>> -> memref<512x64xbf16, #tpu.memory_space<hbm>>
        %dma_wait3A_72 = arith.constant 0 : i32
        %dma_wait3A_73 = arith.constant 0 : i32
        %dma_wait3A_74 = tpu.memref_slice %arg6[%dma_wait3A, %dma_wait3A_72, %dma_wait3A_73] : memref<2x512x64xbf16, #tpu.memory_space<vmem>> -> memref<1x512x64xbf16, #tpu.memory_space<vmem>>
        %dma_wait3A_75 = tpu.memref_squeeze %dma_wait3A_74 : memref<1x512x64xbf16, #tpu.memory_space<vmem>> -> memref<512x64xbf16, #tpu.memory_space<vmem>>
        %dma_wait3A_76 = arith.constant 0 : i32
        %dma_wait3A_77 = arith.constant 0 : i32
        %dma_wait3A_78 = tpu.memref_slice %arg4[%dma_wait3A_76, %dma_wait3A_77] : memref<2709504x64xbf16, #tpu.memory_space<hbm>> -> memref<512x64xbf16, #tpu.memory_space<hbm>>
        tpu.wait_dma2 semaphore(%arg7 : memref<!tpu.dma_semaphore, #tpu.memory_space<semaphore_mem>>) src(%dma_wait3A_78 : memref<512x64xbf16, #tpu.memory_space<hbm>>) dst(%dma_wait3A_75 : memref<512x64xbf16, #tpu.memory_space<vmem>>)
        %sub3A_79 = arith.constant 32 : i32
        %sub3A_80 = arith.subi %add3A_39, %sub3A_79 : i32
        %mul3A_81 = arith.constant 512 : i32
        %mul3A_82 = arith.muli %sub3A_80, %mul3A_81 : i32
        %dma_start3A = arith.constant 0 : i32
        %dma_start3A_83 = arith.constant 0 : i32
        %dma_start3A_84 = arith.constant 0 : i32
        %dma_start3A_85 = tpu.memref_slice %arg6[%dma_start3A, %dma_start3A_83, %dma_start3A_84] : memref<2x512x64xbf16, #tpu.memory_space<vmem>> -> memref<1x512x64xbf16, #tpu.memory_space<vmem>>
        %dma_start3A_86 = tpu.memref_squeeze %dma_start3A_85 : memref<1x512x64xbf16, #tpu.memory_space<vmem>> -> memref<512x64xbf16, #tpu.memory_space<vmem>>
        %dma_start3A_87 = arith.constant 0 : i32
        %dma_start3A_88 = tpu.memref_slice %arg4[%mul3A_82, %dma_start3A_87] : memref<2709504x64xbf16, #tpu.memory_space<hbm>> -> memref<512x64xbf16, #tpu.memory_space<hbm>>
        %dma_start3A_89 = arith.constant 0 : i32
        %dma_start3A_90 = tpu.memref_slice %arg4[%mul3A_82, %dma_start3A_89] : memref<2709504x64xbf16, #tpu.memory_space<hbm>> -> memref<512x64xbf16, #tpu.memory_space<hbm>>
        %dma_start3A_91 = arith.constant 0 : i32
        %dma_start3A_92 = arith.constant 0 : i32
        %dma_start3A_93 = tpu.memref_slice %arg6[%dma_start3A, %dma_start3A_91, %dma_start3A_92] : memref<2x512x64xbf16, #tpu.memory_space<vmem>> -> memref<1x512x64xbf16, #tpu.memory_space<vmem>>
        %dma_start3A_94 = tpu.memref_squeeze %dma_start3A_93 : memref<1x512x64xbf16, #tpu.memory_space<vmem>> -> memref<512x64xbf16, #tpu.memory_space<vmem>>
        tpu.enqueue_dma source(%dma_start3A_94 : memref<512x64xbf16, #tpu.memory_space<vmem>>) target(%dma_start3A_90 : memref<512x64xbf16, #tpu.memory_space<hbm>>) target_semaphore(%arg9 : memref<!tpu.dma_semaphore, #tpu.memory_space<semaphore_mem>>)
      } else {
      }
    }
    %scan3A_5 = arith.constant 84 : i32
    return
  }
}

#map = affine_map<(d0, d1) -> (0, 0)>
module attributes {stable_mosaic.version = 14 : i64} {
  func.func @k(%arg0: i32, %arg1: i32, %arg2: memref<100032x32xbf16, #tpu.memory_space<hbm>>, %arg3: memref<1600x128xi32, #tpu.memory_space<hbm>>, %arg4: memref<200704x32xbf16, #tpu.memory_space<hbm>>, %arg5: memref<8x128xi32, #tpu.memory_space<vmem>>, %arg6: memref<2x512x32xbf16, #tpu.memory_space<vmem>>, %arg7: memref<!tpu.dma_semaphore, #tpu.memory_space<semaphore_mem>>, %arg8: memref<!tpu.dma_semaphore, #tpu.memory_space<semaphore_mem>>, %arg9: memref<!tpu.dma_semaphore, #tpu.memory_space<semaphore_mem>>, %arg10: memref<!tpu.dma_semaphore, #tpu.memory_space<semaphore_mem>>) attributes {dimension_semantics = [#tpu.dimension_semantics<core_parallel>, #tpu.dimension_semantics<subcore_parallel>], iteration_bounds = array<i64: 2, 16>, scalar_prefetch = 0 : i64, scratch_operands = 6 : i64, tpu.core_type = #tpu.core_type<sc_vector_subcore>, window_params = [{transform_indices = #map}, {transform_indices = #map}, {transform_indices = #map}]} {
    %mul3A = arith.constant 2 : i32
    %mul3A_0 = arith.muli %arg1, %mul3A : i32
    %add3A = arith.addi %mul3A_0, %arg0 : i32
    %scan3A = arith.constant 0 : i32
    %scan3A_1 = arith.constant 0 : i32
    %scan3A_2 = arith.constant 8 : i32
    %scan3A_3 = arith.addi %scan3A_1, %scan3A_2 : i32
    %scan3A_4 = arith.constant 1 : i32
    scf.for %scan3A_6 = %scan3A_1 to %scan3A_3 step %scan3A_4  : i32 {
      %mul3A_7 = arith.constant 2 : i32
      %mul3A_8 = arith.muli %mul3A_7, %scan3A_6 : i32
      %add3A_9 = arith.constant 0 : i32
      %add3A_10 = arith.addi %mul3A_8, %add3A_9 : i32
      %mul3A_11 = arith.constant 32 : i32
      %mul3A_12 = arith.muli %add3A_10, %mul3A_11 : i32
      %add3A_13 = arith.addi %add3A, %mul3A_12 : i32
      %ge3A = arith.constant 2 : i32
      %ge3A_14 = arith.cmpi sge, %add3A_10, %ge3A : i32
      %sub3A = arith.constant 64 : i32
      %sub3A_15 = arith.subi %add3A_13, %sub3A : i32
      %lt3A = arith.constant 392 : i32
      %lt3A_16 = arith.cmpi slt, %sub3A_15, %lt3A : i32
      %and3A = arith.andi %ge3A_14, %lt3A_16 : i1
      %convert_element_type3A = arith.extui %and3A : i1 to i32
      %cond3A = arith.constant 0 : i32
      %cond3A_17 = arith.cmpi ne, %convert_element_type3A, %cond3A : i32
      scf.if %cond3A_17 {
        %dma_wait3A = arith.constant 0 : i32
        %dma_wait3A_65 = arith.constant 0 : i32
        %dma_wait3A_66 = arith.constant 0 : i32
        %dma_wait3A_67 = tpu.memref_slice %arg6[%dma_wait3A, %dma_wait3A_65, %dma_wait3A_66] : memref<2x512x32xbf16, #tpu.memory_space<vmem>> -> memref<1x512x32xbf16, #tpu.memory_space<vmem>>
        %dma_wait3A_68 = tpu.memref_squeeze %dma_wait3A_67 : memref<1x512x32xbf16, #tpu.memory_space<vmem>> -> memref<512x32xbf16, #tpu.memory_space<vmem>>
        %dma_wait3A_69 = arith.constant 0 : i32
        %dma_wait3A_70 = arith.constant 0 : i32
        %dma_wait3A_71 = tpu.memref_slice %arg4[%dma_wait3A_69, %dma_wait3A_70] : memref<200704x32xbf16, #tpu.memory_space<hbm>> -> memref<512x32xbf16, #tpu.memory_space<hbm>>
        %dma_wait3A_72 = arith.constant 0 : i32
        %dma_wait3A_73 = arith.constant 0 : i32
        %dma_wait3A_74 = tpu.memref_slice %arg4[%dma_wait3A_72, %dma_wait3A_73] : memref<200704x32xbf16, #tpu.memory_space<hbm>> -> memref<512x32xbf16, #tpu.memory_space<hbm>>
        %dma_wait3A_75 = arith.constant 0 : i32
        %dma_wait3A_76 = arith.constant 0 : i32
        %dma_wait3A_77 = tpu.memref_slice %arg6[%dma_wait3A, %dma_wait3A_75, %dma_wait3A_76] : memref<2x512x32xbf16, #tpu.memory_space<vmem>> -> memref<1x512x32xbf16, #tpu.memory_space<vmem>>
        %dma_wait3A_78 = tpu.memref_squeeze %dma_wait3A_77 : memref<1x512x32xbf16, #tpu.memory_space<vmem>> -> memref<512x32xbf16, #tpu.memory_space<vmem>>
        tpu.wait_dma2 semaphore(%arg9 : memref<!tpu.dma_semaphore, #tpu.memory_space<semaphore_mem>>) src(%dma_wait3A_78 : memref<512x32xbf16, #tpu.memory_space<vmem>>) dst(%dma_wait3A_74 : memref<512x32xbf16, #tpu.memory_space<hbm>>)
      } else {
      }
      %lt3A_18 = arith.constant 392 : i32
      %lt3A_19 = arith.cmpi slt, %add3A_13, %lt3A_18 : i32
      %convert_element_type3A_20 = arith.extui %lt3A_19 : i1 to i32
      %cond3A_21 = arith.constant 0 : i32
      %cond3A_22 = arith.cmpi ne, %convert_element_type3A_20, %cond3A_21 : i32
      scf.if %cond3A_22 {
        %mul3A_65 = arith.constant 4 : i32
        %mul3A_66 = arith.muli %add3A_13, %mul3A_65 : i32
        "tpu.region"() ({
          %run_scoped3A = tpu.sem_alloc : memref<!tpu.dma_semaphore, #tpu.memory_space<semaphore_mem>>
          %dma_start3A_114 = arith.constant 0 : i32
          %dma_start3A_115 = arith.constant 0 : i32
          %dma_start3A_116 = tpu.memref_slice %arg5[%dma_start3A_114, %dma_start3A_115] : memref<8x128xi32, #tpu.memory_space<vmem>> -> memref<4x128xi32, #tpu.memory_space<vmem>>
          %dma_start3A_117 = arith.constant 0 : i32
          %dma_start3A_118 = tpu.memref_slice %arg3[%mul3A_66, %dma_start3A_117] : memref<1600x128xi32, #tpu.memory_space<hbm>> -> memref<4x128xi32, #tpu.memory_space<hbm>>
          %dma_start3A_119 = arith.constant 0 : i32
          %dma_start3A_120 = arith.constant 0 : i32
          %dma_start3A_121 = tpu.memref_slice %arg5[%dma_start3A_119, %dma_start3A_120] : memref<8x128xi32, #tpu.memory_space<vmem>> -> memref<4x128xi32, #tpu.memory_space<vmem>>
          %dma_start3A_122 = arith.constant 0 : i32
          %dma_start3A_123 = tpu.memref_slice %arg3[%mul3A_66, %dma_start3A_122] : memref<1600x128xi32, #tpu.memory_space<hbm>> -> memref<4x128xi32, #tpu.memory_space<hbm>>
          tpu.enqueue_dma source(%dma_start3A_123 : memref<4x128xi32, #tpu.memory_space<hbm>>) target(%dma_start3A_121 : memref<4x128xi32, #tpu.memory_space<vmem>>) target_semaphore(%run_scoped3A : memref<!tpu.dma_semaphore, #tpu.memory_space<semaphore_mem>>)
          %dma_wait3A = arith.constant 0 : i32
          %dma_wait3A_124 = arith.constant 0 : i32
          %dma_wait3A_125 = tpu.memref_slice %arg5[%dma_wait3A, %dma_wait3A_124] : memref<8x128xi32, #tpu.memory_space<vmem>> -> memref<4x128xi32, #tpu.memory_space<vmem>>
          %dma_wait3A_126 = arith.constant 0 : i32
          %dma_wait3A_127 = tpu.memref_slice %arg3[%mul3A_66, %dma_wait3A_126] : memref<1600x128xi32, #tpu.memory_space<hbm>> -> memref<4x128xi32, #tpu.memory_space<hbm>>
          %dma_wait3A_128 = arith.constant 0 : i32
          %dma_wait3A_129 = arith.constant 0 : i32
          %dma_wait3A_130 = tpu.memref_slice %arg5[%dma_wait3A_128, %dma_wait3A_129] : memref<8x128xi32, #tpu.memory_space<vmem>> -> memref<4x128xi32, #tpu.memory_space<vmem>>
          %dma_wait3A_131 = arith.constant 0 : i32
          %dma_wait3A_132 = tpu.memref_slice %arg3[%mul3A_66, %dma_wait3A_131] : memref<1600x128xi32, #tpu.memory_space<hbm>> -> memref<4x128xi32, #tpu.memory_space<hbm>>
          tpu.wait_dma2 semaphore(%run_scoped3A : memref<!tpu.dma_semaphore, #tpu.memory_space<semaphore_mem>>) src(%dma_wait3A_132 : memref<4x128xi32, #tpu.memory_space<hbm>>) dst(%dma_wait3A_130 : memref<4x128xi32, #tpu.memory_space<vmem>>)
          tpu.yield
        }) : () -> ()
        %dma_start3A = arith.constant 0 : i32
        %dma_start3A_67 = arith.constant 0 : i32
        %dma_start3A_68 = arith.constant 0 : i32
        %dma_start3A_69 = arith.constant 0 : i32
        %dma_start3A_70 = tpu.memref_slice %arg6[%dma_start3A_67, %dma_start3A_68, %dma_start3A_69] : memref<2x512x32xbf16, #tpu.memory_space<vmem>> -> memref<1x128x32xbf16, #tpu.memory_space<vmem>>
        %dma_start3A_71 = tpu.memref_squeeze %dma_start3A_70 : memref<1x128x32xbf16, #tpu.memory_space<vmem>> -> memref<128x32xbf16, #tpu.memory_space<vmem>>
        %dma_start3A_72 = arith.constant 0 : i32
        %dma_start3A_73 = tpu.memref_slice %arg5[%dma_start3A, %dma_start3A_72] : memref<8x128xi32, #tpu.memory_space<vmem>> -> memref<1x128xi32, #tpu.memory_space<vmem>>
        %dma_start3A_74 = tpu.memref_squeeze %dma_start3A_73 : memref<1x128xi32, #tpu.memory_space<vmem>> -> memref<128xi32, #tpu.memory_space<vmem>>
        %dma_start3A_75 = arith.constant 0 : i32
        %dma_start3A_76 = arith.constant 0 : i32
        %dma_start3A_77 = tpu.memref_slice %arg2[%dma_start3A_75, %dma_start3A_76] : memref<100032x32xbf16, #tpu.memory_space<hbm>> -> memref<100032x32xbf16, #tpu.memory_space<hbm>>
        tpu.enqueue_indirect_dma source(%dma_start3A_77 : memref<100032x32xbf16, #tpu.memory_space<hbm>>) target(%dma_start3A_71 : memref<128x32xbf16, #tpu.memory_space<vmem>>) offsets(%dma_start3A_74 : memref<128xi32, #tpu.memory_space<vmem>>) semaphore(%arg7 : memref<!tpu.dma_semaphore, #tpu.memory_space<semaphore_mem>>)
        %dma_start3A_78 = arith.constant 1 : i32
        %dma_start3A_79 = arith.constant 0 : i32
        %dma_start3A_80 = arith.constant 128 : i32
        %dma_start3A_81 = arith.constant 0 : i32
        %dma_start3A_82 = tpu.memref_slice %arg6[%dma_start3A_79, %dma_start3A_80, %dma_start3A_81] : memref<2x512x32xbf16, #tpu.memory_space<vmem>> -> memref<1x128x32xbf16, #tpu.memory_space<vmem>>
        %dma_start3A_83 = tpu.memref_squeeze %dma_start3A_82 : memref<1x128x32xbf16, #tpu.memory_space<vmem>> -> memref<128x32xbf16, #tpu.memory_space<vmem>>
        %dma_start3A_84 = arith.constant 0 : i32
        %dma_start3A_85 = tpu.memref_slice %arg5[%dma_start3A_78, %dma_start3A_84] : memref<8x128xi32, #tpu.memory_space<vmem>> -> memref<1x128xi32, #tpu.memory_space<vmem>>
        %dma_start3A_86 = tpu.memref_squeeze %dma_start3A_85 : memref<1x128xi32, #tpu.memory_space<vmem>> -> memref<128xi32, #tpu.memory_space<vmem>>
        %dma_start3A_87 = arith.constant 0 : i32
        %dma_start3A_88 = arith.constant 0 : i32
        %dma_start3A_89 = tpu.memref_slice %arg2[%dma_start3A_87, %dma_start3A_88] : memref<100032x32xbf16, #tpu.memory_space<hbm>> -> memref<100032x32xbf16, #tpu.memory_space<hbm>>
        tpu.enqueue_indirect_dma source(%dma_start3A_89 : memref<100032x32xbf16, #tpu.memory_space<hbm>>) target(%dma_start3A_83 : memref<128x32xbf16, #tpu.memory_space<vmem>>) offsets(%dma_start3A_86 : memref<128xi32, #tpu.memory_space<vmem>>) semaphore(%arg7 : memref<!tpu.dma_semaphore, #tpu.memory_space<semaphore_mem>>)
        %dma_start3A_90 = arith.constant 2 : i32
        %dma_start3A_91 = arith.constant 0 : i32
        %dma_start3A_92 = arith.constant 256 : i32
        %dma_start3A_93 = arith.constant 0 : i32
        %dma_start3A_94 = tpu.memref_slice %arg6[%dma_start3A_91, %dma_start3A_92, %dma_start3A_93] : memref<2x512x32xbf16, #tpu.memory_space<vmem>> -> memref<1x128x32xbf16, #tpu.memory_space<vmem>>
        %dma_start3A_95 = tpu.memref_squeeze %dma_start3A_94 : memref<1x128x32xbf16, #tpu.memory_space<vmem>> -> memref<128x32xbf16, #tpu.memory_space<vmem>>
        %dma_start3A_96 = arith.constant 0 : i32
        %dma_start3A_97 = tpu.memref_slice %arg5[%dma_start3A_90, %dma_start3A_96] : memref<8x128xi32, #tpu.memory_space<vmem>> -> memref<1x128xi32, #tpu.memory_space<vmem>>
        %dma_start3A_98 = tpu.memref_squeeze %dma_start3A_97 : memref<1x128xi32, #tpu.memory_space<vmem>> -> memref<128xi32, #tpu.memory_space<vmem>>
        %dma_start3A_99 = arith.constant 0 : i32
        %dma_start3A_100 = arith.constant 0 : i32
        %dma_start3A_101 = tpu.memref_slice %arg2[%dma_start3A_99, %dma_start3A_100] : memref<100032x32xbf16, #tpu.memory_space<hbm>> -> memref<100032x32xbf16, #tpu.memory_space<hbm>>
        tpu.enqueue_indirect_dma source(%dma_start3A_101 : memref<100032x32xbf16, #tpu.memory_space<hbm>>) target(%dma_start3A_95 : memref<128x32xbf16, #tpu.memory_space<vmem>>) offsets(%dma_start3A_98 : memref<128xi32, #tpu.memory_space<vmem>>) semaphore(%arg7 : memref<!tpu.dma_semaphore, #tpu.memory_space<semaphore_mem>>)
        %dma_start3A_102 = arith.constant 3 : i32
        %dma_start3A_103 = arith.constant 0 : i32
        %dma_start3A_104 = arith.constant 384 : i32
        %dma_start3A_105 = arith.constant 0 : i32
        %dma_start3A_106 = tpu.memref_slice %arg6[%dma_start3A_103, %dma_start3A_104, %dma_start3A_105] : memref<2x512x32xbf16, #tpu.memory_space<vmem>> -> memref<1x128x32xbf16, #tpu.memory_space<vmem>>
        %dma_start3A_107 = tpu.memref_squeeze %dma_start3A_106 : memref<1x128x32xbf16, #tpu.memory_space<vmem>> -> memref<128x32xbf16, #tpu.memory_space<vmem>>
        %dma_start3A_108 = arith.constant 0 : i32
        %dma_start3A_109 = tpu.memref_slice %arg5[%dma_start3A_102, %dma_start3A_108] : memref<8x128xi32, #tpu.memory_space<vmem>> -> memref<1x128xi32, #tpu.memory_space<vmem>>
        %dma_start3A_110 = tpu.memref_squeeze %dma_start3A_109 : memref<1x128xi32, #tpu.memory_space<vmem>> -> memref<128xi32, #tpu.memory_space<vmem>>
        %dma_start3A_111 = arith.constant 0 : i32
        %dma_start3A_112 = arith.constant 0 : i32
        %dma_start3A_113 = tpu.memref_slice %arg2[%dma_start3A_111, %dma_start3A_112] : memref<100032x32xbf16, #tpu.memory_space<hbm>> -> memref<100032x32xbf16, #tpu.memory_space<hbm>>
        tpu.enqueue_indirect_dma source(%dma_start3A_113 : memref<100032x32xbf16, #tpu.memory_space<hbm>>) target(%dma_start3A_107 : memref<128x32xbf16, #tpu.memory_space<vmem>>) offsets(%dma_start3A_110 : memref<128xi32, #tpu.memory_space<vmem>>) semaphore(%arg7 : memref<!tpu.dma_semaphore, #tpu.memory_space<semaphore_mem>>)
      } else {
      }
      %ge3A_23 = arith.constant 1 : i32
      %ge3A_24 = arith.cmpi sge, %add3A_10, %ge3A_23 : i32
      %sub3A_25 = arith.constant 32 : i32
      %sub3A_26 = arith.subi %add3A_13, %sub3A_25 : i32
      %lt3A_27 = arith.constant 392 : i32
      %lt3A_28 = arith.cmpi slt, %sub3A_26, %lt3A_27 : i32
      %and3A_29 = arith.andi %ge3A_24, %lt3A_28 : i1
      %convert_element_type3A_30 = arith.extui %and3A_29 : i1 to i32
      %cond3A_31 = arith.constant 0 : i32
      %cond3A_32 = arith.cmpi ne, %convert_element_type3A_30, %cond3A_31 : i32
      scf.if %cond3A_32 {
        %dma_wait3A = arith.constant 1 : i32
        %dma_wait3A_65 = arith.constant 0 : i32
        %dma_wait3A_66 = arith.constant 0 : i32
        %dma_wait3A_67 = tpu.memref_slice %arg6[%dma_wait3A, %dma_wait3A_65, %dma_wait3A_66] : memref<2x512x32xbf16, #tpu.memory_space<vmem>> -> memref<1x512x32xbf16, #tpu.memory_space<vmem>>
        %dma_wait3A_68 = tpu.memref_squeeze %dma_wait3A_67 : memref<1x512x32xbf16, #tpu.memory_space<vmem>> -> memref<512x32xbf16, #tpu.memory_space<vmem>>
        %dma_wait3A_69 = arith.constant 0 : i32
        %dma_wait3A_70 = arith.constant 0 : i32
        %dma_wait3A_71 = tpu.memref_slice %arg4[%dma_wait3A_69, %dma_wait3A_70] : memref<200704x32xbf16, #tpu.memory_space<hbm>> -> memref<512x32xbf16, #tpu.memory_space<hbm>>
        %dma_wait3A_72 = arith.constant 0 : i32
        %dma_wait3A_73 = arith.constant 0 : i32
        %dma_wait3A_74 = tpu.memref_slice %arg6[%dma_wait3A, %dma_wait3A_72, %dma_wait3A_73] : memref<2x512x32xbf16, #tpu.memory_space<vmem>> -> memref<1x512x32xbf16, #tpu.memory_space<vmem>>
        %dma_wait3A_75 = tpu.memref_squeeze %dma_wait3A_74 : memref<1x512x32xbf16, #tpu.memory_space<vmem>> -> memref<512x32xbf16, #tpu.memory_space<vmem>>
        %dma_wait3A_76 = arith.constant 0 : i32
        %dma_wait3A_77 = arith.constant 0 : i32
        %dma_wait3A_78 = tpu.memref_slice %arg4[%dma_wait3A_76, %dma_wait3A_77] : memref<200704x32xbf16, #tpu.memory_space<hbm>> -> memref<512x32xbf16, #tpu.memory_space<hbm>>
        tpu.wait_dma2 semaphore(%arg8 : memref<!tpu.dma_semaphore, #tpu.memory_space<semaphore_mem>>) src(%dma_wait3A_78 : memref<512x32xbf16, #tpu.memory_space<hbm>>) dst(%dma_wait3A_75 : memref<512x32xbf16, #tpu.memory_space<vmem>>)
        %sub3A_79 = arith.constant 32 : i32
        %sub3A_80 = arith.subi %add3A_13, %sub3A_79 : i32
        %mul3A_81 = arith.constant 512 : i32
        %mul3A_82 = arith.muli %sub3A_80, %mul3A_81 : i32
        %dma_start3A = arith.constant 1 : i32
        %dma_start3A_83 = arith.constant 0 : i32
        %dma_start3A_84 = arith.constant 0 : i32
        %dma_start3A_85 = tpu.memref_slice %arg6[%dma_start3A, %dma_start3A_83, %dma_start3A_84] : memref<2x512x32xbf16, #tpu.memory_space<vmem>> -> memref<1x512x32xbf16, #tpu.memory_space<vmem>>
        %dma_start3A_86 = tpu.memref_squeeze %dma_start3A_85 : memref<1x512x32xbf16, #tpu.memory_space<vmem>> -> memref<512x32xbf16, #tpu.memory_space<vmem>>
        %dma_start3A_87 = arith.constant 0 : i32
        %dma_start3A_88 = tpu.memref_slice %arg4[%mul3A_82, %dma_start3A_87] : memref<200704x32xbf16, #tpu.memory_space<hbm>> -> memref<512x32xbf16, #tpu.memory_space<hbm>>
        %dma_start3A_89 = arith.constant 0 : i32
        %dma_start3A_90 = tpu.memref_slice %arg4[%mul3A_82, %dma_start3A_89] : memref<200704x32xbf16, #tpu.memory_space<hbm>> -> memref<512x32xbf16, #tpu.memory_space<hbm>>
        %dma_start3A_91 = arith.constant 0 : i32
        %dma_start3A_92 = arith.constant 0 : i32
        %dma_start3A_93 = tpu.memref_slice %arg6[%dma_start3A, %dma_start3A_91, %dma_start3A_92] : memref<2x512x32xbf16, #tpu.memory_space<vmem>> -> memref<1x512x32xbf16, #tpu.memory_space<vmem>>
        %dma_start3A_94 = tpu.memref_squeeze %dma_start3A_93 : memref<1x512x32xbf16, #tpu.memory_space<vmem>> -> memref<512x32xbf16, #tpu.memory_space<vmem>>
        tpu.enqueue_dma source(%dma_start3A_94 : memref<512x32xbf16, #tpu.memory_space<vmem>>) target(%dma_start3A_90 : memref<512x32xbf16, #tpu.memory_space<hbm>>) target_semaphore(%arg10 : memref<!tpu.dma_semaphore, #tpu.memory_space<semaphore_mem>>)
      } else {
      }
      %mul3A_33 = arith.constant 2 : i32
      %mul3A_34 = arith.muli %mul3A_33, %scan3A_6 : i32
      %add3A_35 = arith.constant 1 : i32
      %add3A_36 = arith.addi %mul3A_34, %add3A_35 : i32
      %mul3A_37 = arith.constant 32 : i32
      %mul3A_38 = arith.muli %add3A_36, %mul3A_37 : i32
      %add3A_39 = arith.addi %add3A, %mul3A_38 : i32
      %ge3A_40 = arith.constant 2 : i32
      %ge3A_41 = arith.cmpi sge, %add3A_36, %ge3A_40 : i32
      %sub3A_42 = arith.constant 64 : i32
      %sub3A_43 = arith.subi %add3A_39, %sub3A_42 : i32
      %lt3A_44 = arith.constant 392 : i32
      %lt3A_45 = arith.cmpi slt, %sub3A_43, %lt3A_44 : i32
      %and3A_46 = arith.andi %ge3A_41, %lt3A_45 : i1
      %convert_element_type3A_47 = arith.extui %and3A_46 : i1 to i32
      %cond3A_48 = arith.constant 0 : i32
      %cond3A_49 = arith.cmpi ne, %convert_element_type3A_47, %cond3A_48 : i32
      scf.if %cond3A_49 {
        %dma_wait3A = arith.constant 1 : i32
        %dma_wait3A_65 = arith.constant 0 : i32
        %dma_wait3A_66 = arith.constant 0 : i32
        %dma_wait3A_67 = tpu.memref_slice %arg6[%dma_wait3A, %dma_wait3A_65, %dma_wait3A_66] : memref<2x512x32xbf16, #tpu.memory_space<vmem>> -> memref<1x512x32xbf16, #tpu.memory_space<vmem>>
        %dma_wait3A_68 = tpu.memref_squeeze %dma_wait3A_67 : memref<1x512x32xbf16, #tpu.memory_space<vmem>> -> memref<512x32xbf16, #tpu.memory_space<vmem>>
        %dma_wait3A_69 = arith.constant 0 : i32
        %dma_wait3A_70 = arith.constant 0 : i32
        %dma_wait3A_71 = tpu.memref_slice %arg4[%dma_wait3A_69, %dma_wait3A_70] : memref<200704x32xbf16, #tpu.memory_space<hbm>> -> memref<512x32xbf16, #tpu.memory_space<hbm>>
        %dma_wait3A_72 = arith.constant 0 : i32
        %dma_wait3A_73 = arith.constant 0 : i32
        %dma_wait3A_74 = tpu.memref_slice %arg4[%dma_wait3A_72, %dma_wait3A_73] : memref<200704x32xbf16, #tpu.memory_space<hbm>> -> memref<512x32xbf16, #tpu.memory_space<hbm>>
        %dma_wait3A_75 = arith.constant 0 : i32
        %dma_wait3A_76 = arith.constant 0 : i32
        %dma_wait3A_77 = tpu.memref_slice %arg6[%dma_wait3A, %dma_wait3A_75, %dma_wait3A_76] : memref<2x512x32xbf16, #tpu.memory_space<vmem>> -> memref<1x512x32xbf16, #tpu.memory_space<vmem>>
        %dma_wait3A_78 = tpu.memref_squeeze %dma_wait3A_77 : memref<1x512x32xbf16, #tpu.memory_space<vmem>> -> memref<512x32xbf16, #tpu.memory_space<vmem>>
        tpu.wait_dma2 semaphore(%arg10 : memref<!tpu.dma_semaphore, #tpu.memory_space<semaphore_mem>>) src(%dma_wait3A_78 : memref<512x32xbf16, #tpu.memory_space<vmem>>) dst(%dma_wait3A_74 : memref<512x32xbf16, #tpu.memory_space<hbm>>)
      } else {
      }
      %lt3A_50 = arith.constant 392 : i32
      %lt3A_51 = arith.cmpi slt, %add3A_39, %lt3A_50 : i32
      %convert_element_type3A_52 = arith.extui %lt3A_51 : i1 to i32
      %cond3A_53 = arith.constant 0 : i32
      %cond3A_54 = arith.cmpi ne, %convert_element_type3A_52, %cond3A_53 : i32
      scf.if %cond3A_54 {
        %mul3A_65 = arith.constant 4 : i32
        %mul3A_66 = arith.muli %add3A_39, %mul3A_65 : i32
        "tpu.region"() ({
          %run_scoped3A = tpu.sem_alloc : memref<!tpu.dma_semaphore, #tpu.memory_space<semaphore_mem>>
          %dma_start3A_114 = arith.constant 4 : i32
          %dma_start3A_115 = arith.constant 0 : i32
          %dma_start3A_116 = tpu.memref_slice %arg5[%dma_start3A_114, %dma_start3A_115] : memref<8x128xi32, #tpu.memory_space<vmem>> -> memref<4x128xi32, #tpu.memory_space<vmem>>
          %dma_start3A_117 = arith.constant 0 : i32
          %dma_start3A_118 = tpu.memref_slice %arg3[%mul3A_66, %dma_start3A_117] : memref<1600x128xi32, #tpu.memory_space<hbm>> -> memref<4x128xi32, #tpu.memory_space<hbm>>
          %dma_start3A_119 = arith.constant 4 : i32
          %dma_start3A_120 = arith.constant 0 : i32
          %dma_start3A_121 = tpu.memref_slice %arg5[%dma_start3A_119, %dma_start3A_120] : memref<8x128xi32, #tpu.memory_space<vmem>> -> memref<4x128xi32, #tpu.memory_space<vmem>>
          %dma_start3A_122 = arith.constant 0 : i32
          %dma_start3A_123 = tpu.memref_slice %arg3[%mul3A_66, %dma_start3A_122] : memref<1600x128xi32, #tpu.memory_space<hbm>> -> memref<4x128xi32, #tpu.memory_space<hbm>>
          tpu.enqueue_dma source(%dma_start3A_123 : memref<4x128xi32, #tpu.memory_space<hbm>>) target(%dma_start3A_121 : memref<4x128xi32, #tpu.memory_space<vmem>>) target_semaphore(%run_scoped3A : memref<!tpu.dma_semaphore, #tpu.memory_space<semaphore_mem>>)
          %dma_wait3A = arith.constant 4 : i32
          %dma_wait3A_124 = arith.constant 0 : i32
          %dma_wait3A_125 = tpu.memref_slice %arg5[%dma_wait3A, %dma_wait3A_124] : memref<8x128xi32, #tpu.memory_space<vmem>> -> memref<4x128xi32, #tpu.memory_space<vmem>>
          %dma_wait3A_126 = arith.constant 0 : i32
          %dma_wait3A_127 = tpu.memref_slice %arg3[%mul3A_66, %dma_wait3A_126] : memref<1600x128xi32, #tpu.memory_space<hbm>> -> memref<4x128xi32, #tpu.memory_space<hbm>>
          %dma_wait3A_128 = arith.constant 4 : i32
          %dma_wait3A_129 = arith.constant 0 : i32
          %dma_wait3A_130 = tpu.memref_slice %arg5[%dma_wait3A_128, %dma_wait3A_129] : memref<8x128xi32, #tpu.memory_space<vmem>> -> memref<4x128xi32, #tpu.memory_space<vmem>>
          %dma_wait3A_131 = arith.constant 0 : i32
          %dma_wait3A_132 = tpu.memref_slice %arg3[%mul3A_66, %dma_wait3A_131] : memref<1600x128xi32, #tpu.memory_space<hbm>> -> memref<4x128xi32, #tpu.memory_space<hbm>>
          tpu.wait_dma2 semaphore(%run_scoped3A : memref<!tpu.dma_semaphore, #tpu.memory_space<semaphore_mem>>) src(%dma_wait3A_132 : memref<4x128xi32, #tpu.memory_space<hbm>>) dst(%dma_wait3A_130 : memref<4x128xi32, #tpu.memory_space<vmem>>)
          tpu.yield
        }) : () -> ()
        %dma_start3A = arith.constant 4 : i32
        %dma_start3A_67 = arith.constant 1 : i32
        %dma_start3A_68 = arith.constant 0 : i32
        %dma_start3A_69 = arith.constant 0 : i32
        %dma_start3A_70 = tpu.memref_slice %arg6[%dma_start3A_67, %dma_start3A_68, %dma_start3A_69] : memref<2x512x32xbf16, #tpu.memory_space<vmem>> -> memref<1x128x32xbf16, #tpu.memory_space<vmem>>
        %dma_start3A_71 = tpu.memref_squeeze %dma_start3A_70 : memref<1x128x32xbf16, #tpu.memory_space<vmem>> -> memref<128x32xbf16, #tpu.memory_space<vmem>>
        %dma_start3A_72 = arith.constant 0 : i32
        %dma_start3A_73 = tpu.memref_slice %arg5[%dma_start3A, %dma_start3A_72] : memref<8x128xi32, #tpu.memory_space<vmem>> -> memref<1x128xi32, #tpu.memory_space<vmem>>
        %dma_start3A_74 = tpu.memref_squeeze %dma_start3A_73 : memref<1x128xi32, #tpu.memory_space<vmem>> -> memref<128xi32, #tpu.memory_space<vmem>>
        %dma_start3A_75 = arith.constant 0 : i32
        %dma_start3A_76 = arith.constant 0 : i32
        %dma_start3A_77 = tpu.memref_slice %arg2[%dma_start3A_75, %dma_start3A_76] : memref<100032x32xbf16, #tpu.memory_space<hbm>> -> memref<100032x32xbf16, #tpu.memory_space<hbm>>
        tpu.enqueue_indirect_dma source(%dma_start3A_77 : memref<100032x32xbf16, #tpu.memory_space<hbm>>) target(%dma_start3A_71 : memref<128x32xbf16, #tpu.memory_space<vmem>>) offsets(%dma_start3A_74 : memref<128xi32, #tpu.memory_space<vmem>>) semaphore(%arg8 : memref<!tpu.dma_semaphore, #tpu.memory_space<semaphore_mem>>)
        %dma_start3A_78 = arith.constant 5 : i32
        %dma_start3A_79 = arith.constant 1 : i32
        %dma_start3A_80 = arith.constant 128 : i32
        %dma_start3A_81 = arith.constant 0 : i32
        %dma_start3A_82 = tpu.memref_slice %arg6[%dma_start3A_79, %dma_start3A_80, %dma_start3A_81] : memref<2x512x32xbf16, #tpu.memory_space<vmem>> -> memref<1x128x32xbf16, #tpu.memory_space<vmem>>
        %dma_start3A_83 = tpu.memref_squeeze %dma_start3A_82 : memref<1x128x32xbf16, #tpu.memory_space<vmem>> -> memref<128x32xbf16, #tpu.memory_space<vmem>>
        %dma_start3A_84 = arith.constant 0 : i32
        %dma_start3A_85 = tpu.memref_slice %arg5[%dma_start3A_78, %dma_start3A_84] : memref<8x128xi32, #tpu.memory_space<vmem>> -> memref<1x128xi32, #tpu.memory_space<vmem>>
        %dma_start3A_86 = tpu.memref_squeeze %dma_start3A_85 : memref<1x128xi32, #tpu.memory_space<vmem>> -> memref<128xi32, #tpu.memory_space<vmem>>
        %dma_start3A_87 = arith.constant 0 : i32
        %dma_start3A_88 = arith.constant 0 : i32
        %dma_start3A_89 = tpu.memref_slice %arg2[%dma_start3A_87, %dma_start3A_88] : memref<100032x32xbf16, #tpu.memory_space<hbm>> -> memref<100032x32xbf16, #tpu.memory_space<hbm>>
        tpu.enqueue_indirect_dma source(%dma_start3A_89 : memref<100032x32xbf16, #tpu.memory_space<hbm>>) target(%dma_start3A_83 : memref<128x32xbf16, #tpu.memory_space<vmem>>) offsets(%dma_start3A_86 : memref<128xi32, #tpu.memory_space<vmem>>) semaphore(%arg8 : memref<!tpu.dma_semaphore, #tpu.memory_space<semaphore_mem>>)
        %dma_start3A_90 = arith.constant 6 : i32
        %dma_start3A_91 = arith.constant 1 : i32
        %dma_start3A_92 = arith.constant 256 : i32
        %dma_start3A_93 = arith.constant 0 : i32
        %dma_start3A_94 = tpu.memref_slice %arg6[%dma_start3A_91, %dma_start3A_92, %dma_start3A_93] : memref<2x512x32xbf16, #tpu.memory_space<vmem>> -> memref<1x128x32xbf16, #tpu.memory_space<vmem>>
        %dma_start3A_95 = tpu.memref_squeeze %dma_start3A_94 : memref<1x128x32xbf16, #tpu.memory_space<vmem>> -> memref<128x32xbf16, #tpu.memory_space<vmem>>
        %dma_start3A_96 = arith.constant 0 : i32
        %dma_start3A_97 = tpu.memref_slice %arg5[%dma_start3A_90, %dma_start3A_96] : memref<8x128xi32, #tpu.memory_space<vmem>> -> memref<1x128xi32, #tpu.memory_space<vmem>>
        %dma_start3A_98 = tpu.memref_squeeze %dma_start3A_97 : memref<1x128xi32, #tpu.memory_space<vmem>> -> memref<128xi32, #tpu.memory_space<vmem>>
        %dma_start3A_99 = arith.constant 0 : i32
        %dma_start3A_100 = arith.constant 0 : i32
        %dma_start3A_101 = tpu.memref_slice %arg2[%dma_start3A_99, %dma_start3A_100] : memref<100032x32xbf16, #tpu.memory_space<hbm>> -> memref<100032x32xbf16, #tpu.memory_space<hbm>>
        tpu.enqueue_indirect_dma source(%dma_start3A_101 : memref<100032x32xbf16, #tpu.memory_space<hbm>>) target(%dma_start3A_95 : memref<128x32xbf16, #tpu.memory_space<vmem>>) offsets(%dma_start3A_98 : memref<128xi32, #tpu.memory_space<vmem>>) semaphore(%arg8 : memref<!tpu.dma_semaphore, #tpu.memory_space<semaphore_mem>>)
        %dma_start3A_102 = arith.constant 7 : i32
        %dma_start3A_103 = arith.constant 1 : i32
        %dma_start3A_104 = arith.constant 384 : i32
        %dma_start3A_105 = arith.constant 0 : i32
        %dma_start3A_106 = tpu.memref_slice %arg6[%dma_start3A_103, %dma_start3A_104, %dma_start3A_105] : memref<2x512x32xbf16, #tpu.memory_space<vmem>> -> memref<1x128x32xbf16, #tpu.memory_space<vmem>>
        %dma_start3A_107 = tpu.memref_squeeze %dma_start3A_106 : memref<1x128x32xbf16, #tpu.memory_space<vmem>> -> memref<128x32xbf16, #tpu.memory_space<vmem>>
        %dma_start3A_108 = arith.constant 0 : i32
        %dma_start3A_109 = tpu.memref_slice %arg5[%dma_start3A_102, %dma_start3A_108] : memref<8x128xi32, #tpu.memory_space<vmem>> -> memref<1x128xi32, #tpu.memory_space<vmem>>
        %dma_start3A_110 = tpu.memref_squeeze %dma_start3A_109 : memref<1x128xi32, #tpu.memory_space<vmem>> -> memref<128xi32, #tpu.memory_space<vmem>>
        %dma_start3A_111 = arith.constant 0 : i32
        %dma_start3A_112 = arith.constant 0 : i32
        %dma_start3A_113 = tpu.memref_slice %arg2[%dma_start3A_111, %dma_start3A_112] : memref<100032x32xbf16, #tpu.memory_space<hbm>> -> memref<100032x32xbf16, #tpu.memory_space<hbm>>
        tpu.enqueue_indirect_dma source(%dma_start3A_113 : memref<100032x32xbf16, #tpu.memory_space<hbm>>) target(%dma_start3A_107 : memref<128x32xbf16, #tpu.memory_space<vmem>>) offsets(%dma_start3A_110 : memref<128xi32, #tpu.memory_space<vmem>>) semaphore(%arg8 : memref<!tpu.dma_semaphore, #tpu.memory_space<semaphore_mem>>)
      } else {
      }
      %ge3A_55 = arith.constant 1 : i32
      %ge3A_56 = arith.cmpi sge, %add3A_36, %ge3A_55 : i32
      %sub3A_57 = arith.constant 32 : i32
      %sub3A_58 = arith.subi %add3A_39, %sub3A_57 : i32
      %lt3A_59 = arith.constant 392 : i32
      %lt3A_60 = arith.cmpi slt, %sub3A_58, %lt3A_59 : i32
      %and3A_61 = arith.andi %ge3A_56, %lt3A_60 : i1
      %convert_element_type3A_62 = arith.extui %and3A_61 : i1 to i32
      %cond3A_63 = arith.constant 0 : i32
      %cond3A_64 = arith.cmpi ne, %convert_element_type3A_62, %cond3A_63 : i32
      scf.if %cond3A_64 {
        %dma_wait3A = arith.constant 0 : i32
        %dma_wait3A_65 = arith.constant 0 : i32
        %dma_wait3A_66 = arith.constant 0 : i32
        %dma_wait3A_67 = tpu.memref_slice %arg6[%dma_wait3A, %dma_wait3A_65, %dma_wait3A_66] : memref<2x512x32xbf16, #tpu.memory_space<vmem>> -> memref<1x512x32xbf16, #tpu.memory_space<vmem>>
        %dma_wait3A_68 = tpu.memref_squeeze %dma_wait3A_67 : memref<1x512x32xbf16, #tpu.memory_space<vmem>> -> memref<512x32xbf16, #tpu.memory_space<vmem>>
        %dma_wait3A_69 = arith.constant 0 : i32
        %dma_wait3A_70 = arith.constant 0 : i32
        %dma_wait3A_71 = tpu.memref_slice %arg4[%dma_wait3A_69, %dma_wait3A_70] : memref<200704x32xbf16, #tpu.memory_space<hbm>> -> memref<512x32xbf16, #tpu.memory_space<hbm>>
        %dma_wait3A_72 = arith.constant 0 : i32
        %dma_wait3A_73 = arith.constant 0 : i32
        %dma_wait3A_74 = tpu.memref_slice %arg6[%dma_wait3A, %dma_wait3A_72, %dma_wait3A_73] : memref<2x512x32xbf16, #tpu.memory_space<vmem>> -> memref<1x512x32xbf16, #tpu.memory_space<vmem>>
        %dma_wait3A_75 = tpu.memref_squeeze %dma_wait3A_74 : memref<1x512x32xbf16, #tpu.memory_space<vmem>> -> memref<512x32xbf16, #tpu.memory_space<vmem>>
        %dma_wait3A_76 = arith.constant 0 : i32
        %dma_wait3A_77 = arith.constant 0 : i32
        %dma_wait3A_78 = tpu.memref_slice %arg4[%dma_wait3A_76, %dma_wait3A_77] : memref<200704x32xbf16, #tpu.memory_space<hbm>> -> memref<512x32xbf16, #tpu.memory_space<hbm>>
        tpu.wait_dma2 semaphore(%arg7 : memref<!tpu.dma_semaphore, #tpu.memory_space<semaphore_mem>>) src(%dma_wait3A_78 : memref<512x32xbf16, #tpu.memory_space<hbm>>) dst(%dma_wait3A_75 : memref<512x32xbf16, #tpu.memory_space<vmem>>)
        %sub3A_79 = arith.constant 32 : i32
        %sub3A_80 = arith.subi %add3A_39, %sub3A_79 : i32
        %mul3A_81 = arith.constant 512 : i32
        %mul3A_82 = arith.muli %sub3A_80, %mul3A_81 : i32
        %dma_start3A = arith.constant 0 : i32
        %dma_start3A_83 = arith.constant 0 : i32
        %dma_start3A_84 = arith.constant 0 : i32
        %dma_start3A_85 = tpu.memref_slice %arg6[%dma_start3A, %dma_start3A_83, %dma_start3A_84] : memref<2x512x32xbf16, #tpu.memory_space<vmem>> -> memref<1x512x32xbf16, #tpu.memory_space<vmem>>
        %dma_start3A_86 = tpu.memref_squeeze %dma_start3A_85 : memref<1x512x32xbf16, #tpu.memory_space<vmem>> -> memref<512x32xbf16, #tpu.memory_space<vmem>>
        %dma_start3A_87 = arith.constant 0 : i32
        %dma_start3A_88 = tpu.memref_slice %arg4[%mul3A_82, %dma_start3A_87] : memref<200704x32xbf16, #tpu.memory_space<hbm>> -> memref<512x32xbf16, #tpu.memory_space<hbm>>
        %dma_start3A_89 = arith.constant 0 : i32
        %dma_start3A_90 = tpu.memref_slice %arg4[%mul3A_82, %dma_start3A_89] : memref<200704x32xbf16, #tpu.memory_space<hbm>> -> memref<512x32xbf16, #tpu.memory_space<hbm>>
        %dma_start3A_91 = arith.constant 0 : i32
        %dma_start3A_92 = arith.constant 0 : i32
        %dma_start3A_93 = tpu.memref_slice %arg6[%dma_start3A, %dma_start3A_91, %dma_start3A_92] : memref<2x512x32xbf16, #tpu.memory_space<vmem>> -> memref<1x512x32xbf16, #tpu.memory_space<vmem>>
        %dma_start3A_94 = tpu.memref_squeeze %dma_start3A_93 : memref<1x512x32xbf16, #tpu.memory_space<vmem>> -> memref<512x32xbf16, #tpu.memory_space<vmem>>
        tpu.enqueue_dma source(%dma_start3A_94 : memref<512x32xbf16, #tpu.memory_space<vmem>>) target(%dma_start3A_90 : memref<512x32xbf16, #tpu.memory_space<hbm>>) target_semaphore(%arg9 : memref<!tpu.dma_semaphore, #tpu.memory_space<semaphore_mem>>)
      } else {
      }
    }
    %scan3A_5 = arith.constant 8 : i32
    return
  }
}

#map = affine_map<(d0, d1) -> (0, 0)>
module attributes {stable_mosaic.version = 14 : i64} {
  func.func @k(%arg0: i32, %arg1: i32, %arg2: memref<100352x64xbf16, #tpu.memory_space<hbm>>, %arg3: memref<21200x128xi32, #tpu.memory_space<hbm>>, %arg4: memref<2709504x64xbf16, #tpu.memory_space<hbm>>, %arg5: memref<8x128xi32, #tpu.memory_space<vmem>>, %arg6: memref<2x512x64xbf16, #tpu.memory_space<vmem>>, %arg7: memref<!tpu.dma_semaphore, #tpu.memory_space<semaphore_mem>>, %arg8: memref<!tpu.dma_semaphore, #tpu.memory_space<semaphore_mem>>, %arg9: memref<!tpu.dma_semaphore, #tpu.memory_space<semaphore_mem>>, %arg10: memref<!tpu.dma_semaphore, #tpu.memory_space<semaphore_mem>>) attributes {dimension_semantics = [#tpu.dimension_semantics<core_parallel>, #tpu.dimension_semantics<subcore_parallel>], iteration_bounds = array<i64: 2, 16>, scalar_prefetch = 0 : i64, scratch_operands = 6 : i64, tpu.core_type = #tpu.core_type<sc_vector_subcore>, window_params = [{transform_indices = #map}, {transform_indices = #map}, {transform_indices = #map}]} {
    %mul3A = arith.constant 2 : i32
    %mul3A_0 = arith.muli %arg1, %mul3A : i32
    %add3A = arith.addi %mul3A_0, %arg0 : i32
    %scan3A = arith.constant 0 : i32
    %scan3A_1 = arith.constant 0 : i32
    %scan3A_2 = arith.constant 84 : i32
    %scan3A_3 = arith.addi %scan3A_1, %scan3A_2 : i32
    %scan3A_4 = arith.constant 1 : i32
    scf.for %scan3A_6 = %scan3A_1 to %scan3A_3 step %scan3A_4  : i32 {
      %mul3A_7 = arith.constant 2 : i32
      %mul3A_8 = arith.muli %mul3A_7, %scan3A_6 : i32
      %add3A_9 = arith.constant 0 : i32
      %add3A_10 = arith.addi %mul3A_8, %add3A_9 : i32
      %mul3A_11 = arith.constant 32 : i32
      %mul3A_12 = arith.muli %add3A_10, %mul3A_11 : i32
      %add3A_13 = arith.addi %add3A, %mul3A_12 : i32
      %ge3A = arith.constant 2 : i32
      %ge3A_14 = arith.cmpi sge, %add3A_10, %ge3A : i32
      %sub3A = arith.constant 64 : i32
      %sub3A_15 = arith.subi %add3A_13, %sub3A : i32
      %lt3A = arith.constant 5292 : i32
      %lt3A_16 = arith.cmpi slt, %sub3A_15, %lt3A : i32
      %and3A = arith.andi %ge3A_14, %lt3A_16 : i1
      %convert_element_type3A = arith.extui %and3A : i1 to i32
      %cond3A = arith.constant 0 : i32
      %cond3A_17 = arith.cmpi ne, %convert_element_type3A, %cond3A : i32
      scf.if %cond3A_17 {
        %dma_wait3A = arith.constant 0 : i32
        %dma_wait3A_65 = arith.constant 0 : i32
        %dma_wait3A_66 = arith.constant 0 : i32
        %dma_wait3A_67 = tpu.memref_slice %arg6[%dma_wait3A, %dma_wait3A_65, %dma_wait3A_66] : memref<2x512x64xbf16, #tpu.memory_space<vmem>> -> memref<1x512x64xbf16, #tpu.memory_space<vmem>>
        %dma_wait3A_68 = tpu.memref_squeeze %dma_wait3A_67 : memref<1x512x64xbf16, #tpu.memory_space<vmem>> -> memref<512x64xbf16, #tpu.memory_space<vmem>>
        %dma_wait3A_69 = arith.constant 0 : i32
        %dma_wait3A_70 = arith.constant 0 : i32
        %dma_wait3A_71 = tpu.memref_slice %arg4[%dma_wait3A_69, %dma_wait3A_70] : memref<2709504x64xbf16, #tpu.memory_space<hbm>> -> memref<512x64xbf16, #tpu.memory_space<hbm>>
        %dma_wait3A_72 = arith.constant 0 : i32
        %dma_wait3A_73 = arith.constant 0 : i32
        %dma_wait3A_74 = tpu.memref_slice %arg4[%dma_wait3A_72, %dma_wait3A_73] : memref<2709504x64xbf16, #tpu.memory_space<hbm>> -> memref<512x64xbf16, #tpu.memory_space<hbm>>
        %dma_wait3A_75 = arith.constant 0 : i32
        %dma_wait3A_76 = arith.constant 0 : i32
        %dma_wait3A_77 = tpu.memref_slice %arg6[%dma_wait3A, %dma_wait3A_75, %dma_wait3A_76] : memref<2x512x64xbf16, #tpu.memory_space<vmem>> -> memref<1x512x64xbf16, #tpu.memory_space<vmem>>
        %dma_wait3A_78 = tpu.memref_squeeze %dma_wait3A_77 : memref<1x512x64xbf16, #tpu.memory_space<vmem>> -> memref<512x64xbf16, #tpu.memory_space<vmem>>
        tpu.wait_dma2 semaphore(%arg9 : memref<!tpu.dma_semaphore, #tpu.memory_space<semaphore_mem>>) src(%dma_wait3A_78 : memref<512x64xbf16, #tpu.memory_space<vmem>>) dst(%dma_wait3A_74 : memref<512x64xbf16, #tpu.memory_space<hbm>>)
      } else {
      }
      %lt3A_18 = arith.constant 5292 : i32
      %lt3A_19 = arith.cmpi slt, %add3A_13, %lt3A_18 : i32
      %convert_element_type3A_20 = arith.extui %lt3A_19 : i1 to i32
      %cond3A_21 = arith.constant 0 : i32
      %cond3A_22 = arith.cmpi ne, %convert_element_type3A_20, %cond3A_21 : i32
      scf.if %cond3A_22 {
        %mul3A_65 = arith.constant 4 : i32
        %mul3A_66 = arith.muli %add3A_13, %mul3A_65 : i32
        "tpu.region"() ({
          %run_scoped3A = tpu.sem_alloc : memref<!tpu.dma_semaphore, #tpu.memory_space<semaphore_mem>>
          %dma_start3A_114 = arith.constant 0 : i32
          %dma_start3A_115 = arith.constant 0 : i32
          %dma_start3A_116 = tpu.memref_slice %arg5[%dma_start3A_114, %dma_start3A_115] : memref<8x128xi32, #tpu.memory_space<vmem>> -> memref<4x128xi32, #tpu.memory_space<vmem>>
          %dma_start3A_117 = arith.constant 0 : i32
          %dma_start3A_118 = tpu.memref_slice %arg3[%mul3A_66, %dma_start3A_117] : memref<21200x128xi32, #tpu.memory_space<hbm>> -> memref<4x128xi32, #tpu.memory_space<hbm>>
          %dma_start3A_119 = arith.constant 0 : i32
          %dma_start3A_120 = arith.constant 0 : i32
          %dma_start3A_121 = tpu.memref_slice %arg5[%dma_start3A_119, %dma_start3A_120] : memref<8x128xi32, #tpu.memory_space<vmem>> -> memref<4x128xi32, #tpu.memory_space<vmem>>
          %dma_start3A_122 = arith.constant 0 : i32
          %dma_start3A_123 = tpu.memref_slice %arg3[%mul3A_66, %dma_start3A_122] : memref<21200x128xi32, #tpu.memory_space<hbm>> -> memref<4x128xi32, #tpu.memory_space<hbm>>
          tpu.enqueue_dma source(%dma_start3A_123 : memref<4x128xi32, #tpu.memory_space<hbm>>) target(%dma_start3A_121 : memref<4x128xi32, #tpu.memory_space<vmem>>) target_semaphore(%run_scoped3A : memref<!tpu.dma_semaphore, #tpu.memory_space<semaphore_mem>>)
          %dma_wait3A = arith.constant 0 : i32
          %dma_wait3A_124 = arith.constant 0 : i32
          %dma_wait3A_125 = tpu.memref_slice %arg5[%dma_wait3A, %dma_wait3A_124] : memref<8x128xi32, #tpu.memory_space<vmem>> -> memref<4x128xi32, #tpu.memory_space<vmem>>
          %dma_wait3A_126 = arith.constant 0 : i32
          %dma_wait3A_127 = tpu.memref_slice %arg3[%mul3A_66, %dma_wait3A_126] : memref<21200x128xi32, #tpu.memory_space<hbm>> -> memref<4x128xi32, #tpu.memory_space<hbm>>
          %dma_wait3A_128 = arith.constant 0 : i32
          %dma_wait3A_129 = arith.constant 0 : i32
          %dma_wait3A_130 = tpu.memref_slice %arg5[%dma_wait3A_128, %dma_wait3A_129] : memref<8x128xi32, #tpu.memory_space<vmem>> -> memref<4x128xi32, #tpu.memory_space<vmem>>
          %dma_wait3A_131 = arith.constant 0 : i32
          %dma_wait3A_132 = tpu.memref_slice %arg3[%mul3A_66, %dma_wait3A_131] : memref<21200x128xi32, #tpu.memory_space<hbm>> -> memref<4x128xi32, #tpu.memory_space<hbm>>
          tpu.wait_dma2 semaphore(%run_scoped3A : memref<!tpu.dma_semaphore, #tpu.memory_space<semaphore_mem>>) src(%dma_wait3A_132 : memref<4x128xi32, #tpu.memory_space<hbm>>) dst(%dma_wait3A_130 : memref<4x128xi32, #tpu.memory_space<vmem>>)
          tpu.yield
        }) : () -> ()
        %dma_start3A = arith.constant 0 : i32
        %dma_start3A_67 = arith.constant 0 : i32
        %dma_start3A_68 = arith.constant 0 : i32
        %dma_start3A_69 = arith.constant 0 : i32
        %dma_start3A_70 = tpu.memref_slice %arg6[%dma_start3A_67, %dma_start3A_68, %dma_start3A_69] : memref<2x512x64xbf16, #tpu.memory_space<vmem>> -> memref<1x128x64xbf16, #tpu.memory_space<vmem>>
        %dma_start3A_71 = tpu.memref_squeeze %dma_start3A_70 : memref<1x128x64xbf16, #tpu.memory_space<vmem>> -> memref<128x64xbf16, #tpu.memory_space<vmem>>
        %dma_start3A_72 = arith.constant 0 : i32
        %dma_start3A_73 = tpu.memref_slice %arg5[%dma_start3A, %dma_start3A_72] : memref<8x128xi32, #tpu.memory_space<vmem>> -> memref<1x128xi32, #tpu.memory_space<vmem>>
        %dma_start3A_74 = tpu.memref_squeeze %dma_start3A_73 : memref<1x128xi32, #tpu.memory_space<vmem>> -> memref<128xi32, #tpu.memory_space<vmem>>
        %dma_start3A_75 = arith.constant 0 : i32
        %dma_start3A_76 = arith.constant 0 : i32
        %dma_start3A_77 = tpu.memref_slice %arg2[%dma_start3A_75, %dma_start3A_76] : memref<100352x64xbf16, #tpu.memory_space<hbm>> -> memref<100352x64xbf16, #tpu.memory_space<hbm>>
        tpu.enqueue_indirect_dma source(%dma_start3A_77 : memref<100352x64xbf16, #tpu.memory_space<hbm>>) target(%dma_start3A_71 : memref<128x64xbf16, #tpu.memory_space<vmem>>) offsets(%dma_start3A_74 : memref<128xi32, #tpu.memory_space<vmem>>) semaphore(%arg7 : memref<!tpu.dma_semaphore, #tpu.memory_space<semaphore_mem>>)
        %dma_start3A_78 = arith.constant 1 : i32
        %dma_start3A_79 = arith.constant 0 : i32
        %dma_start3A_80 = arith.constant 128 : i32
        %dma_start3A_81 = arith.constant 0 : i32
        %dma_start3A_82 = tpu.memref_slice %arg6[%dma_start3A_79, %dma_start3A_80, %dma_start3A_81] : memref<2x512x64xbf16, #tpu.memory_space<vmem>> -> memref<1x128x64xbf16, #tpu.memory_space<vmem>>
        %dma_start3A_83 = tpu.memref_squeeze %dma_start3A_82 : memref<1x128x64xbf16, #tpu.memory_space<vmem>> -> memref<128x64xbf16, #tpu.memory_space<vmem>>
        %dma_start3A_84 = arith.constant 0 : i32
        %dma_start3A_85 = tpu.memref_slice %arg5[%dma_start3A_78, %dma_start3A_84] : memref<8x128xi32, #tpu.memory_space<vmem>> -> memref<1x128xi32, #tpu.memory_space<vmem>>
        %dma_start3A_86 = tpu.memref_squeeze %dma_start3A_85 : memref<1x128xi32, #tpu.memory_space<vmem>> -> memref<128xi32, #tpu.memory_space<vmem>>
        %dma_start3A_87 = arith.constant 0 : i32
        %dma_start3A_88 = arith.constant 0 : i32
        %dma_start3A_89 = tpu.memref_slice %arg2[%dma_start3A_87, %dma_start3A_88] : memref<100352x64xbf16, #tpu.memory_space<hbm>> -> memref<100352x64xbf16, #tpu.memory_space<hbm>>
        tpu.enqueue_indirect_dma source(%dma_start3A_89 : memref<100352x64xbf16, #tpu.memory_space<hbm>>) target(%dma_start3A_83 : memref<128x64xbf16, #tpu.memory_space<vmem>>) offsets(%dma_start3A_86 : memref<128xi32, #tpu.memory_space<vmem>>) semaphore(%arg7 : memref<!tpu.dma_semaphore, #tpu.memory_space<semaphore_mem>>)
        %dma_start3A_90 = arith.constant 2 : i32
        %dma_start3A_91 = arith.constant 0 : i32
        %dma_start3A_92 = arith.constant 256 : i32
        %dma_start3A_93 = arith.constant 0 : i32
        %dma_start3A_94 = tpu.memref_slice %arg6[%dma_start3A_91, %dma_start3A_92, %dma_start3A_93] : memref<2x512x64xbf16, #tpu.memory_space<vmem>> -> memref<1x128x64xbf16, #tpu.memory_space<vmem>>
        %dma_start3A_95 = tpu.memref_squeeze %dma_start3A_94 : memref<1x128x64xbf16, #tpu.memory_space<vmem>> -> memref<128x64xbf16, #tpu.memory_space<vmem>>
        %dma_start3A_96 = arith.constant 0 : i32
        %dma_start3A_97 = tpu.memref_slice %arg5[%dma_start3A_90, %dma_start3A_96] : memref<8x128xi32, #tpu.memory_space<vmem>> -> memref<1x128xi32, #tpu.memory_space<vmem>>
        %dma_start3A_98 = tpu.memref_squeeze %dma_start3A_97 : memref<1x128xi32, #tpu.memory_space<vmem>> -> memref<128xi32, #tpu.memory_space<vmem>>
        %dma_start3A_99 = arith.constant 0 : i32
        %dma_start3A_100 = arith.constant 0 : i32
        %dma_start3A_101 = tpu.memref_slice %arg2[%dma_start3A_99, %dma_start3A_100] : memref<100352x64xbf16, #tpu.memory_space<hbm>> -> memref<100352x64xbf16, #tpu.memory_space<hbm>>
        tpu.enqueue_indirect_dma source(%dma_start3A_101 : memref<100352x64xbf16, #tpu.memory_space<hbm>>) target(%dma_start3A_95 : memref<128x64xbf16, #tpu.memory_space<vmem>>) offsets(%dma_start3A_98 : memref<128xi32, #tpu.memory_space<vmem>>) semaphore(%arg7 : memref<!tpu.dma_semaphore, #tpu.memory_space<semaphore_mem>>)
        %dma_start3A_102 = arith.constant 3 : i32
        %dma_start3A_103 = arith.constant 0 : i32
        %dma_start3A_104 = arith.constant 384 : i32
        %dma_start3A_105 = arith.constant 0 : i32
        %dma_start3A_106 = tpu.memref_slice %arg6[%dma_start3A_103, %dma_start3A_104, %dma_start3A_105] : memref<2x512x64xbf16, #tpu.memory_space<vmem>> -> memref<1x128x64xbf16, #tpu.memory_space<vmem>>
        %dma_start3A_107 = tpu.memref_squeeze %dma_start3A_106 : memref<1x128x64xbf16, #tpu.memory_space<vmem>> -> memref<128x64xbf16, #tpu.memory_space<vmem>>
        %dma_start3A_108 = arith.constant 0 : i32
        %dma_start3A_109 = tpu.memref_slice %arg5[%dma_start3A_102, %dma_start3A_108] : memref<8x128xi32, #tpu.memory_space<vmem>> -> memref<1x128xi32, #tpu.memory_space<vmem>>
        %dma_start3A_110 = tpu.memref_squeeze %dma_start3A_109 : memref<1x128xi32, #tpu.memory_space<vmem>> -> memref<128xi32, #tpu.memory_space<vmem>>
        %dma_start3A_111 = arith.constant 0 : i32
        %dma_start3A_112 = arith.constant 0 : i32
        %dma_start3A_113 = tpu.memref_slice %arg2[%dma_start3A_111, %dma_start3A_112] : memref<100352x64xbf16, #tpu.memory_space<hbm>> -> memref<100352x64xbf16, #tpu.memory_space<hbm>>
        tpu.enqueue_indirect_dma source(%dma_start3A_113 : memref<100352x64xbf16, #tpu.memory_space<hbm>>) target(%dma_start3A_107 : memref<128x64xbf16, #tpu.memory_space<vmem>>) offsets(%dma_start3A_110 : memref<128xi32, #tpu.memory_space<vmem>>) semaphore(%arg7 : memref<!tpu.dma_semaphore, #tpu.memory_space<semaphore_mem>>)
      } else {
      }
      %ge3A_23 = arith.constant 1 : i32
      %ge3A_24 = arith.cmpi sge, %add3A_10, %ge3A_23 : i32
      %sub3A_25 = arith.constant 32 : i32
      %sub3A_26 = arith.subi %add3A_13, %sub3A_25 : i32
      %lt3A_27 = arith.constant 5292 : i32
      %lt3A_28 = arith.cmpi slt, %sub3A_26, %lt3A_27 : i32
      %and3A_29 = arith.andi %ge3A_24, %lt3A_28 : i1
      %convert_element_type3A_30 = arith.extui %and3A_29 : i1 to i32
      %cond3A_31 = arith.constant 0 : i32
      %cond3A_32 = arith.cmpi ne, %convert_element_type3A_30, %cond3A_31 : i32
      scf.if %cond3A_32 {
        %dma_wait3A = arith.constant 1 : i32
        %dma_wait3A_65 = arith.constant 0 : i32
        %dma_wait3A_66 = arith.constant 0 : i32
        %dma_wait3A_67 = tpu.memref_slice %arg6[%dma_wait3A, %dma_wait3A_65, %dma_wait3A_66] : memref<2x512x64xbf16, #tpu.memory_space<vmem>> -> memref<1x512x64xbf16, #tpu.memory_space<vmem>>
        %dma_wait3A_68 = tpu.memref_squeeze %dma_wait3A_67 : memref<1x512x64xbf16, #tpu.memory_space<vmem>> -> memref<512x64xbf16, #tpu.memory_space<vmem>>
        %dma_wait3A_69 = arith.constant 0 : i32
        %dma_wait3A_70 = arith.constant 0 : i32
        %dma_wait3A_71 = tpu.memref_slice %arg4[%dma_wait3A_69, %dma_wait3A_70] : memref<2709504x64xbf16, #tpu.memory_space<hbm>> -> memref<512x64xbf16, #tpu.memory_space<hbm>>
        %dma_wait3A_72 = arith.constant 0 : i32
        %dma_wait3A_73 = arith.constant 0 : i32
        %dma_wait3A_74 = tpu.memref_slice %arg6[%dma_wait3A, %dma_wait3A_72, %dma_wait3A_73] : memref<2x512x64xbf16, #tpu.memory_space<vmem>> -> memref<1x512x64xbf16, #tpu.memory_space<vmem>>
        %dma_wait3A_75 = tpu.memref_squeeze %dma_wait3A_74 : memref<1x512x64xbf16, #tpu.memory_space<vmem>> -> memref<512x64xbf16, #tpu.memory_space<vmem>>
        %dma_wait3A_76 = arith.constant 0 : i32
        %dma_wait3A_77 = arith.constant 0 : i32
        %dma_wait3A_78 = tpu.memref_slice %arg4[%dma_wait3A_76, %dma_wait3A_77] : memref<2709504x64xbf16, #tpu.memory_space<hbm>> -> memref<512x64xbf16, #tpu.memory_space<hbm>>
        tpu.wait_dma2 semaphore(%arg8 : memref<!tpu.dma_semaphore, #tpu.memory_space<semaphore_mem>>) src(%dma_wait3A_78 : memref<512x64xbf16, #tpu.memory_space<hbm>>) dst(%dma_wait3A_75 : memref<512x64xbf16, #tpu.memory_space<vmem>>)
        %sub3A_79 = arith.constant 32 : i32
        %sub3A_80 = arith.subi %add3A_13, %sub3A_79 : i32
        %mul3A_81 = arith.constant 512 : i32
        %mul3A_82 = arith.muli %sub3A_80, %mul3A_81 : i32
        %dma_start3A = arith.constant 1 : i32
        %dma_start3A_83 = arith.constant 0 : i32
        %dma_start3A_84 = arith.constant 0 : i32
        %dma_start3A_85 = tpu.memref_slice %arg6[%dma_start3A, %dma_start3A_83, %dma_start3A_84] : memref<2x512x64xbf16, #tpu.memory_space<vmem>> -> memref<1x512x64xbf16, #tpu.memory_space<vmem>>
        %dma_start3A_86 = tpu.memref_squeeze %dma_start3A_85 : memref<1x512x64xbf16, #tpu.memory_space<vmem>> -> memref<512x64xbf16, #tpu.memory_space<vmem>>
        %dma_start3A_87 = arith.constant 0 : i32
        %dma_start3A_88 = tpu.memref_slice %arg4[%mul3A_82, %dma_start3A_87] : memref<2709504x64xbf16, #tpu.memory_space<hbm>> -> memref<512x64xbf16, #tpu.memory_space<hbm>>
        %dma_start3A_89 = arith.constant 0 : i32
        %dma_start3A_90 = tpu.memref_slice %arg4[%mul3A_82, %dma_start3A_89] : memref<2709504x64xbf16, #tpu.memory_space<hbm>> -> memref<512x64xbf16, #tpu.memory_space<hbm>>
        %dma_start3A_91 = arith.constant 0 : i32
        %dma_start3A_92 = arith.constant 0 : i32
        %dma_start3A_93 = tpu.memref_slice %arg6[%dma_start3A, %dma_start3A_91, %dma_start3A_92] : memref<2x512x64xbf16, #tpu.memory_space<vmem>> -> memref<1x512x64xbf16, #tpu.memory_space<vmem>>
        %dma_start3A_94 = tpu.memref_squeeze %dma_start3A_93 : memref<1x512x64xbf16, #tpu.memory_space<vmem>> -> memref<512x64xbf16, #tpu.memory_space<vmem>>
        tpu.enqueue_dma source(%dma_start3A_94 : memref<512x64xbf16, #tpu.memory_space<vmem>>) target(%dma_start3A_90 : memref<512x64xbf16, #tpu.memory_space<hbm>>) target_semaphore(%arg10 : memref<!tpu.dma_semaphore, #tpu.memory_space<semaphore_mem>>)
      } else {
      }
      %mul3A_33 = arith.constant 2 : i32
      %mul3A_34 = arith.muli %mul3A_33, %scan3A_6 : i32
      %add3A_35 = arith.constant 1 : i32
      %add3A_36 = arith.addi %mul3A_34, %add3A_35 : i32
      %mul3A_37 = arith.constant 32 : i32
      %mul3A_38 = arith.muli %add3A_36, %mul3A_37 : i32
      %add3A_39 = arith.addi %add3A, %mul3A_38 : i32
      %ge3A_40 = arith.constant 2 : i32
      %ge3A_41 = arith.cmpi sge, %add3A_36, %ge3A_40 : i32
      %sub3A_42 = arith.constant 64 : i32
      %sub3A_43 = arith.subi %add3A_39, %sub3A_42 : i32
      %lt3A_44 = arith.constant 5292 : i32
      %lt3A_45 = arith.cmpi slt, %sub3A_43, %lt3A_44 : i32
      %and3A_46 = arith.andi %ge3A_41, %lt3A_45 : i1
      %convert_element_type3A_47 = arith.extui %and3A_46 : i1 to i32
      %cond3A_48 = arith.constant 0 : i32
      %cond3A_49 = arith.cmpi ne, %convert_element_type3A_47, %cond3A_48 : i32
      scf.if %cond3A_49 {
        %dma_wait3A = arith.constant 1 : i32
        %dma_wait3A_65 = arith.constant 0 : i32
        %dma_wait3A_66 = arith.constant 0 : i32
        %dma_wait3A_67 = tpu.memref_slice %arg6[%dma_wait3A, %dma_wait3A_65, %dma_wait3A_66] : memref<2x512x64xbf16, #tpu.memory_space<vmem>> -> memref<1x512x64xbf16, #tpu.memory_space<vmem>>
        %dma_wait3A_68 = tpu.memref_squeeze %dma_wait3A_67 : memref<1x512x64xbf16, #tpu.memory_space<vmem>> -> memref<512x64xbf16, #tpu.memory_space<vmem>>
        %dma_wait3A_69 = arith.constant 0 : i32
        %dma_wait3A_70 = arith.constant 0 : i32
        %dma_wait3A_71 = tpu.memref_slice %arg4[%dma_wait3A_69, %dma_wait3A_70] : memref<2709504x64xbf16, #tpu.memory_space<hbm>> -> memref<512x64xbf16, #tpu.memory_space<hbm>>
        %dma_wait3A_72 = arith.constant 0 : i32
        %dma_wait3A_73 = arith.constant 0 : i32
        %dma_wait3A_74 = tpu.memref_slice %arg4[%dma_wait3A_72, %dma_wait3A_73] : memref<2709504x64xbf16, #tpu.memory_space<hbm>> -> memref<512x64xbf16, #tpu.memory_space<hbm>>
        %dma_wait3A_75 = arith.constant 0 : i32
        %dma_wait3A_76 = arith.constant 0 : i32
        %dma_wait3A_77 = tpu.memref_slice %arg6[%dma_wait3A, %dma_wait3A_75, %dma_wait3A_76] : memref<2x512x64xbf16, #tpu.memory_space<vmem>> -> memref<1x512x64xbf16, #tpu.memory_space<vmem>>
        %dma_wait3A_78 = tpu.memref_squeeze %dma_wait3A_77 : memref<1x512x64xbf16, #tpu.memory_space<vmem>> -> memref<512x64xbf16, #tpu.memory_space<vmem>>
        tpu.wait_dma2 semaphore(%arg10 : memref<!tpu.dma_semaphore, #tpu.memory_space<semaphore_mem>>) src(%dma_wait3A_78 : memref<512x64xbf16, #tpu.memory_space<vmem>>) dst(%dma_wait3A_74 : memref<512x64xbf16, #tpu.memory_space<hbm>>)
      } else {
      }
      %lt3A_50 = arith.constant 5292 : i32
      %lt3A_51 = arith.cmpi slt, %add3A_39, %lt3A_50 : i32
      %convert_element_type3A_52 = arith.extui %lt3A_51 : i1 to i32
      %cond3A_53 = arith.constant 0 : i32
      %cond3A_54 = arith.cmpi ne, %convert_element_type3A_52, %cond3A_53 : i32
      scf.if %cond3A_54 {
        %mul3A_65 = arith.constant 4 : i32
        %mul3A_66 = arith.muli %add3A_39, %mul3A_65 : i32
        "tpu.region"() ({
          %run_scoped3A = tpu.sem_alloc : memref<!tpu.dma_semaphore, #tpu.memory_space<semaphore_mem>>
          %dma_start3A_114 = arith.constant 4 : i32
          %dma_start3A_115 = arith.constant 0 : i32
          %dma_start3A_116 = tpu.memref_slice %arg5[%dma_start3A_114, %dma_start3A_115] : memref<8x128xi32, #tpu.memory_space<vmem>> -> memref<4x128xi32, #tpu.memory_space<vmem>>
          %dma_start3A_117 = arith.constant 0 : i32
          %dma_start3A_118 = tpu.memref_slice %arg3[%mul3A_66, %dma_start3A_117] : memref<21200x128xi32, #tpu.memory_space<hbm>> -> memref<4x128xi32, #tpu.memory_space<hbm>>
          %dma_start3A_119 = arith.constant 4 : i32
          %dma_start3A_120 = arith.constant 0 : i32
          %dma_start3A_121 = tpu.memref_slice %arg5[%dma_start3A_119, %dma_start3A_120] : memref<8x128xi32, #tpu.memory_space<vmem>> -> memref<4x128xi32, #tpu.memory_space<vmem>>
          %dma_start3A_122 = arith.constant 0 : i32
          %dma_start3A_123 = tpu.memref_slice %arg3[%mul3A_66, %dma_start3A_122] : memref<21200x128xi32, #tpu.memory_space<hbm>> -> memref<4x128xi32, #tpu.memory_space<hbm>>
          tpu.enqueue_dma source(%dma_start3A_123 : memref<4x128xi32, #tpu.memory_space<hbm>>) target(%dma_start3A_121 : memref<4x128xi32, #tpu.memory_space<vmem>>) target_semaphore(%run_scoped3A : memref<!tpu.dma_semaphore, #tpu.memory_space<semaphore_mem>>)
          %dma_wait3A = arith.constant 4 : i32
          %dma_wait3A_124 = arith.constant 0 : i32
          %dma_wait3A_125 = tpu.memref_slice %arg5[%dma_wait3A, %dma_wait3A_124] : memref<8x128xi32, #tpu.memory_space<vmem>> -> memref<4x128xi32, #tpu.memory_space<vmem>>
          %dma_wait3A_126 = arith.constant 0 : i32
          %dma_wait3A_127 = tpu.memref_slice %arg3[%mul3A_66, %dma_wait3A_126] : memref<21200x128xi32, #tpu.memory_space<hbm>> -> memref<4x128xi32, #tpu.memory_space<hbm>>
          %dma_wait3A_128 = arith.constant 4 : i32
          %dma_wait3A_129 = arith.constant 0 : i32
          %dma_wait3A_130 = tpu.memref_slice %arg5[%dma_wait3A_128, %dma_wait3A_129] : memref<8x128xi32, #tpu.memory_space<vmem>> -> memref<4x128xi32, #tpu.memory_space<vmem>>
          %dma_wait3A_131 = arith.constant 0 : i32
          %dma_wait3A_132 = tpu.memref_slice %arg3[%mul3A_66, %dma_wait3A_131] : memref<21200x128xi32, #tpu.memory_space<hbm>> -> memref<4x128xi32, #tpu.memory_space<hbm>>
          tpu.wait_dma2 semaphore(%run_scoped3A : memref<!tpu.dma_semaphore, #tpu.memory_space<semaphore_mem>>) src(%dma_wait3A_132 : memref<4x128xi32, #tpu.memory_space<hbm>>) dst(%dma_wait3A_130 : memref<4x128xi32, #tpu.memory_space<vmem>>)
          tpu.yield
        }) : () -> ()
        %dma_start3A = arith.constant 4 : i32
        %dma_start3A_67 = arith.constant 1 : i32
        %dma_start3A_68 = arith.constant 0 : i32
        %dma_start3A_69 = arith.constant 0 : i32
        %dma_start3A_70 = tpu.memref_slice %arg6[%dma_start3A_67, %dma_start3A_68, %dma_start3A_69] : memref<2x512x64xbf16, #tpu.memory_space<vmem>> -> memref<1x128x64xbf16, #tpu.memory_space<vmem>>
        %dma_start3A_71 = tpu.memref_squeeze %dma_start3A_70 : memref<1x128x64xbf16, #tpu.memory_space<vmem>> -> memref<128x64xbf16, #tpu.memory_space<vmem>>
        %dma_start3A_72 = arith.constant 0 : i32
        %dma_start3A_73 = tpu.memref_slice %arg5[%dma_start3A, %dma_start3A_72] : memref<8x128xi32, #tpu.memory_space<vmem>> -> memref<1x128xi32, #tpu.memory_space<vmem>>
        %dma_start3A_74 = tpu.memref_squeeze %dma_start3A_73 : memref<1x128xi32, #tpu.memory_space<vmem>> -> memref<128xi32, #tpu.memory_space<vmem>>
        %dma_start3A_75 = arith.constant 0 : i32
        %dma_start3A_76 = arith.constant 0 : i32
        %dma_start3A_77 = tpu.memref_slice %arg2[%dma_start3A_75, %dma_start3A_76] : memref<100352x64xbf16, #tpu.memory_space<hbm>> -> memref<100352x64xbf16, #tpu.memory_space<hbm>>
        tpu.enqueue_indirect_dma source(%dma_start3A_77 : memref<100352x64xbf16, #tpu.memory_space<hbm>>) target(%dma_start3A_71 : memref<128x64xbf16, #tpu.memory_space<vmem>>) offsets(%dma_start3A_74 : memref<128xi32, #tpu.memory_space<vmem>>) semaphore(%arg8 : memref<!tpu.dma_semaphore, #tpu.memory_space<semaphore_mem>>)
        %dma_start3A_78 = arith.constant 5 : i32
        %dma_start3A_79 = arith.constant 1 : i32
        %dma_start3A_80 = arith.constant 128 : i32
        %dma_start3A_81 = arith.constant 0 : i32
        %dma_start3A_82 = tpu.memref_slice %arg6[%dma_start3A_79, %dma_start3A_80, %dma_start3A_81] : memref<2x512x64xbf16, #tpu.memory_space<vmem>> -> memref<1x128x64xbf16, #tpu.memory_space<vmem>>
        %dma_start3A_83 = tpu.memref_squeeze %dma_start3A_82 : memref<1x128x64xbf16, #tpu.memory_space<vmem>> -> memref<128x64xbf16, #tpu.memory_space<vmem>>
        %dma_start3A_84 = arith.constant 0 : i32
        %dma_start3A_85 = tpu.memref_slice %arg5[%dma_start3A_78, %dma_start3A_84] : memref<8x128xi32, #tpu.memory_space<vmem>> -> memref<1x128xi32, #tpu.memory_space<vmem>>
        %dma_start3A_86 = tpu.memref_squeeze %dma_start3A_85 : memref<1x128xi32, #tpu.memory_space<vmem>> -> memref<128xi32, #tpu.memory_space<vmem>>
        %dma_start3A_87 = arith.constant 0 : i32
        %dma_start3A_88 = arith.constant 0 : i32
        %dma_start3A_89 = tpu.memref_slice %arg2[%dma_start3A_87, %dma_start3A_88] : memref<100352x64xbf16, #tpu.memory_space<hbm>> -> memref<100352x64xbf16, #tpu.memory_space<hbm>>
        tpu.enqueue_indirect_dma source(%dma_start3A_89 : memref<100352x64xbf16, #tpu.memory_space<hbm>>) target(%dma_start3A_83 : memref<128x64xbf16, #tpu.memory_space<vmem>>) offsets(%dma_start3A_86 : memref<128xi32, #tpu.memory_space<vmem>>) semaphore(%arg8 : memref<!tpu.dma_semaphore, #tpu.memory_space<semaphore_mem>>)
        %dma_start3A_90 = arith.constant 6 : i32
        %dma_start3A_91 = arith.constant 1 : i32
        %dma_start3A_92 = arith.constant 256 : i32
        %dma_start3A_93 = arith.constant 0 : i32
        %dma_start3A_94 = tpu.memref_slice %arg6[%dma_start3A_91, %dma_start3A_92, %dma_start3A_93] : memref<2x512x64xbf16, #tpu.memory_space<vmem>> -> memref<1x128x64xbf16, #tpu.memory_space<vmem>>
        %dma_start3A_95 = tpu.memref_squeeze %dma_start3A_94 : memref<1x128x64xbf16, #tpu.memory_space<vmem>> -> memref<128x64xbf16, #tpu.memory_space<vmem>>
        %dma_start3A_96 = arith.constant 0 : i32
        %dma_start3A_97 = tpu.memref_slice %arg5[%dma_start3A_90, %dma_start3A_96] : memref<8x128xi32, #tpu.memory_space<vmem>> -> memref<1x128xi32, #tpu.memory_space<vmem>>
        %dma_start3A_98 = tpu.memref_squeeze %dma_start3A_97 : memref<1x128xi32, #tpu.memory_space<vmem>> -> memref<128xi32, #tpu.memory_space<vmem>>
        %dma_start3A_99 = arith.constant 0 : i32
        %dma_start3A_100 = arith.constant 0 : i32
        %dma_start3A_101 = tpu.memref_slice %arg2[%dma_start3A_99, %dma_start3A_100] : memref<100352x64xbf16, #tpu.memory_space<hbm>> -> memref<100352x64xbf16, #tpu.memory_space<hbm>>
        tpu.enqueue_indirect_dma source(%dma_start3A_101 : memref<100352x64xbf16, #tpu.memory_space<hbm>>) target(%dma_start3A_95 : memref<128x64xbf16, #tpu.memory_space<vmem>>) offsets(%dma_start3A_98 : memref<128xi32, #tpu.memory_space<vmem>>) semaphore(%arg8 : memref<!tpu.dma_semaphore, #tpu.memory_space<semaphore_mem>>)
        %dma_start3A_102 = arith.constant 7 : i32
        %dma_start3A_103 = arith.constant 1 : i32
        %dma_start3A_104 = arith.constant 384 : i32
        %dma_start3A_105 = arith.constant 0 : i32
        %dma_start3A_106 = tpu.memref_slice %arg6[%dma_start3A_103, %dma_start3A_104, %dma_start3A_105] : memref<2x512x64xbf16, #tpu.memory_space<vmem>> -> memref<1x128x64xbf16, #tpu.memory_space<vmem>>
        %dma_start3A_107 = tpu.memref_squeeze %dma_start3A_106 : memref<1x128x64xbf16, #tpu.memory_space<vmem>> -> memref<128x64xbf16, #tpu.memory_space<vmem>>
        %dma_start3A_108 = arith.constant 0 : i32
        %dma_start3A_109 = tpu.memref_slice %arg5[%dma_start3A_102, %dma_start3A_108] : memref<8x128xi32, #tpu.memory_space<vmem>> -> memref<1x128xi32, #tpu.memory_space<vmem>>
        %dma_start3A_110 = tpu.memref_squeeze %dma_start3A_109 : memref<1x128xi32, #tpu.memory_space<vmem>> -> memref<128xi32, #tpu.memory_space<vmem>>
        %dma_start3A_111 = arith.constant 0 : i32
        %dma_start3A_112 = arith.constant 0 : i32
        %dma_start3A_113 = tpu.memref_slice %arg2[%dma_start3A_111, %dma_start3A_112] : memref<100352x64xbf16, #tpu.memory_space<hbm>> -> memref<100352x64xbf16, #tpu.memory_space<hbm>>
        tpu.enqueue_indirect_dma source(%dma_start3A_113 : memref<100352x64xbf16, #tpu.memory_space<hbm>>) target(%dma_start3A_107 : memref<128x64xbf16, #tpu.memory_space<vmem>>) offsets(%dma_start3A_110 : memref<128xi32, #tpu.memory_space<vmem>>) semaphore(%arg8 : memref<!tpu.dma_semaphore, #tpu.memory_space<semaphore_mem>>)
      } else {
      }
      %ge3A_55 = arith.constant 1 : i32
      %ge3A_56 = arith.cmpi sge, %add3A_36, %ge3A_55 : i32
      %sub3A_57 = arith.constant 32 : i32
      %sub3A_58 = arith.subi %add3A_39, %sub3A_57 : i32
      %lt3A_59 = arith.constant 5292 : i32
      %lt3A_60 = arith.cmpi slt, %sub3A_58, %lt3A_59 : i32
      %and3A_61 = arith.andi %ge3A_56, %lt3A_60 : i1
      %convert_element_type3A_62 = arith.extui %and3A_61 : i1 to i32
      %cond3A_63 = arith.constant 0 : i32
      %cond3A_64 = arith.cmpi ne, %convert_element_type3A_62, %cond3A_63 : i32
      scf.if %cond3A_64 {
        %dma_wait3A = arith.constant 0 : i32
        %dma_wait3A_65 = arith.constant 0 : i32
        %dma_wait3A_66 = arith.constant 0 : i32
        %dma_wait3A_67 = tpu.memref_slice %arg6[%dma_wait3A, %dma_wait3A_65, %dma_wait3A_66] : memref<2x512x64xbf16, #tpu.memory_space<vmem>> -> memref<1x512x64xbf16, #tpu.memory_space<vmem>>
        %dma_wait3A_68 = tpu.memref_squeeze %dma_wait3A_67 : memref<1x512x64xbf16, #tpu.memory_space<vmem>> -> memref<512x64xbf16, #tpu.memory_space<vmem>>
        %dma_wait3A_69 = arith.constant 0 : i32
        %dma_wait3A_70 = arith.constant 0 : i32
        %dma_wait3A_71 = tpu.memref_slice %arg4[%dma_wait3A_69, %dma_wait3A_70] : memref<2709504x64xbf16, #tpu.memory_space<hbm>> -> memref<512x64xbf16, #tpu.memory_space<hbm>>
        %dma_wait3A_72 = arith.constant 0 : i32
        %dma_wait3A_73 = arith.constant 0 : i32
        %dma_wait3A_74 = tpu.memref_slice %arg6[%dma_wait3A, %dma_wait3A_72, %dma_wait3A_73] : memref<2x512x64xbf16, #tpu.memory_space<vmem>> -> memref<1x512x64xbf16, #tpu.memory_space<vmem>>
        %dma_wait3A_75 = tpu.memref_squeeze %dma_wait3A_74 : memref<1x512x64xbf16, #tpu.memory_space<vmem>> -> memref<512x64xbf16, #tpu.memory_space<vmem>>
        %dma_wait3A_76 = arith.constant 0 : i32
        %dma_wait3A_77 = arith.constant 0 : i32
        %dma_wait3A_78 = tpu.memref_slice %arg4[%dma_wait3A_76, %dma_wait3A_77] : memref<2709504x64xbf16, #tpu.memory_space<hbm>> -> memref<512x64xbf16, #tpu.memory_space<hbm>>
        tpu.wait_dma2 semaphore(%arg7 : memref<!tpu.dma_semaphore, #tpu.memory_space<semaphore_mem>>) src(%dma_wait3A_78 : memref<512x64xbf16, #tpu.memory_space<hbm>>) dst(%dma_wait3A_75 : memref<512x64xbf16, #tpu.memory_space<vmem>>)
        %sub3A_79 = arith.constant 32 : i32
        %sub3A_80 = arith.subi %add3A_39, %sub3A_79 : i32
        %mul3A_81 = arith.constant 512 : i32
        %mul3A_82 = arith.muli %sub3A_80, %mul3A_81 : i32
        %dma_start3A = arith.constant 0 : i32
        %dma_start3A_83 = arith.constant 0 : i32
        %dma_start3A_84 = arith.constant 0 : i32
        %dma_start3A_85 = tpu.memref_slice %arg6[%dma_start3A, %dma_start3A_83, %dma_start3A_84] : memref<2x512x64xbf16, #tpu.memory_space<vmem>> -> memref<1x512x64xbf16, #tpu.memory_space<vmem>>
        %dma_start3A_86 = tpu.memref_squeeze %dma_start3A_85 : memref<1x512x64xbf16, #tpu.memory_space<vmem>> -> memref<512x64xbf16, #tpu.memory_space<vmem>>
        %dma_start3A_87 = arith.constant 0 : i32
        %dma_start3A_88 = tpu.memref_slice %arg4[%mul3A_82, %dma_start3A_87] : memref<2709504x64xbf16, #tpu.memory_space<hbm>> -> memref<512x64xbf16, #tpu.memory_space<hbm>>
        %dma_start3A_89 = arith.constant 0 : i32
        %dma_start3A_90 = tpu.memref_slice %arg4[%mul3A_82, %dma_start3A_89] : memref<2709504x64xbf16, #tpu.memory_space<hbm>> -> memref<512x64xbf16, #tpu.memory_space<hbm>>
        %dma_start3A_91 = arith.constant 0 : i32
        %dma_start3A_92 = arith.constant 0 : i32
        %dma_start3A_93 = tpu.memref_slice %arg6[%dma_start3A, %dma_start3A_91, %dma_start3A_92] : memref<2x512x64xbf16, #tpu.memory_space<vmem>> -> memref<1x512x64xbf16, #tpu.memory_space<vmem>>
        %dma_start3A_94 = tpu.memref_squeeze %dma_start3A_93 : memref<1x512x64xbf16, #tpu.memory_space<vmem>> -> memref<512x64xbf16, #tpu.memory_space<vmem>>
        tpu.enqueue_dma source(%dma_start3A_94 : memref<512x64xbf16, #tpu.memory_space<vmem>>) target(%dma_start3A_90 : memref<512x64xbf16, #tpu.memory_space<hbm>>) target_semaphore(%arg9 : memref<!tpu.dma_semaphore, #tpu.memory_space<semaphore_mem>>)
      } else {
      }
    }
    %scan3A_5 = arith.constant 84 : i32
    return
  }
}

#map = affine_map<(d0, d1) -> (0, 0)>
module attributes {stable_mosaic.version = 14 : i64} {
  func.func @k(%arg0: i32, %arg1: i32, %arg2: memref<100352x32xf32, #tpu.memory_space<hbm>>, %arg3: memref<424x128xi32, #tpu.memory_space<hbm>>, %arg4: memref<50176x32xf32, #tpu.memory_space<hbm>>, %arg5: memref<8x128xi32, #tpu.memory_space<vmem>>, %arg6: memref<2x512x32xf32, #tpu.memory_space<vmem>>, %arg7: memref<!tpu.dma_semaphore, #tpu.memory_space<semaphore_mem>>, %arg8: memref<!tpu.dma_semaphore, #tpu.memory_space<semaphore_mem>>, %arg9: memref<!tpu.dma_semaphore, #tpu.memory_space<semaphore_mem>>, %arg10: memref<!tpu.dma_semaphore, #tpu.memory_space<semaphore_mem>>) attributes {dimension_semantics = [#tpu.dimension_semantics<core_parallel>, #tpu.dimension_semantics<subcore_parallel>], iteration_bounds = array<i64: 2, 16>, scalar_prefetch = 0 : i64, scratch_operands = 6 : i64, tpu.core_type = #tpu.core_type<sc_vector_subcore>, window_params = [{transform_indices = #map}, {transform_indices = #map}, {transform_indices = #map}]} {
    %mul3A = arith.constant 2 : i32
    %mul3A_0 = arith.muli %arg1, %mul3A : i32
    %add3A = arith.addi %mul3A_0, %arg0 : i32
    %scan3A = arith.constant 0 : i32
    %scan3A_1 = arith.constant 0 : i32
    %scan3A_2 = arith.constant 3 : i32
    %scan3A_3 = arith.addi %scan3A_1, %scan3A_2 : i32
    %scan3A_4 = arith.constant 1 : i32
    scf.for %scan3A_6 = %scan3A_1 to %scan3A_3 step %scan3A_4  : i32 {
      %mul3A_7 = arith.constant 2 : i32
      %mul3A_8 = arith.muli %mul3A_7, %scan3A_6 : i32
      %add3A_9 = arith.constant 0 : i32
      %add3A_10 = arith.addi %mul3A_8, %add3A_9 : i32
      %mul3A_11 = arith.constant 32 : i32
      %mul3A_12 = arith.muli %add3A_10, %mul3A_11 : i32
      %add3A_13 = arith.addi %add3A, %mul3A_12 : i32
      %ge3A = arith.constant 2 : i32
      %ge3A_14 = arith.cmpi sge, %add3A_10, %ge3A : i32
      %sub3A = arith.constant 64 : i32
      %sub3A_15 = arith.subi %add3A_13, %sub3A : i32
      %lt3A = arith.constant 98 : i32
      %lt3A_16 = arith.cmpi slt, %sub3A_15, %lt3A : i32
      %and3A = arith.andi %ge3A_14, %lt3A_16 : i1
      %convert_element_type3A = arith.extui %and3A : i1 to i32
      %cond3A = arith.constant 0 : i32
      %cond3A_17 = arith.cmpi ne, %convert_element_type3A, %cond3A : i32
      scf.if %cond3A_17 {
        %dma_wait3A = arith.constant 0 : i32
        %dma_wait3A_65 = arith.constant 0 : i32
        %dma_wait3A_66 = arith.constant 0 : i32
        %dma_wait3A_67 = tpu.memref_slice %arg6[%dma_wait3A, %dma_wait3A_65, %dma_wait3A_66] : memref<2x512x32xf32, #tpu.memory_space<vmem>> -> memref<1x512x32xf32, #tpu.memory_space<vmem>>
        %dma_wait3A_68 = tpu.memref_squeeze %dma_wait3A_67 : memref<1x512x32xf32, #tpu.memory_space<vmem>> -> memref<512x32xf32, #tpu.memory_space<vmem>>
        %dma_wait3A_69 = arith.constant 0 : i32
        %dma_wait3A_70 = arith.constant 0 : i32
        %dma_wait3A_71 = tpu.memref_slice %arg4[%dma_wait3A_69, %dma_wait3A_70] : memref<50176x32xf32, #tpu.memory_space<hbm>> -> memref<512x32xf32, #tpu.memory_space<hbm>>
        %dma_wait3A_72 = arith.constant 0 : i32
        %dma_wait3A_73 = arith.constant 0 : i32
        %dma_wait3A_74 = tpu.memref_slice %arg4[%dma_wait3A_72, %dma_wait3A_73] : memref<50176x32xf32, #tpu.memory_space<hbm>> -> memref<512x32xf32, #tpu.memory_space<hbm>>
        %dma_wait3A_75 = arith.constant 0 : i32
        %dma_wait3A_76 = arith.constant 0 : i32
        %dma_wait3A_77 = tpu.memref_slice %arg6[%dma_wait3A, %dma_wait3A_75, %dma_wait3A_76] : memref<2x512x32xf32, #tpu.memory_space<vmem>> -> memref<1x512x32xf32, #tpu.memory_space<vmem>>
        %dma_wait3A_78 = tpu.memref_squeeze %dma_wait3A_77 : memref<1x512x32xf32, #tpu.memory_space<vmem>> -> memref<512x32xf32, #tpu.memory_space<vmem>>
        tpu.wait_dma2 semaphore(%arg9 : memref<!tpu.dma_semaphore, #tpu.memory_space<semaphore_mem>>) src(%dma_wait3A_78 : memref<512x32xf32, #tpu.memory_space<vmem>>) dst(%dma_wait3A_74 : memref<512x32xf32, #tpu.memory_space<hbm>>)
      } else {
      }
      %lt3A_18 = arith.constant 98 : i32
      %lt3A_19 = arith.cmpi slt, %add3A_13, %lt3A_18 : i32
      %convert_element_type3A_20 = arith.extui %lt3A_19 : i1 to i32
      %cond3A_21 = arith.constant 0 : i32
      %cond3A_22 = arith.cmpi ne, %convert_element_type3A_20, %cond3A_21 : i32
      scf.if %cond3A_22 {
        %mul3A_65 = arith.constant 4 : i32
        %mul3A_66 = arith.muli %add3A_13, %mul3A_65 : i32
        "tpu.region"() ({
          %run_scoped3A = tpu.sem_alloc : memref<!tpu.dma_semaphore, #tpu.memory_space<semaphore_mem>>
          %dma_start3A_114 = arith.constant 0 : i32
          %dma_start3A_115 = arith.constant 0 : i32
          %dma_start3A_116 = tpu.memref_slice %arg5[%dma_start3A_114, %dma_start3A_115] : memref<8x128xi32, #tpu.memory_space<vmem>> -> memref<4x128xi32, #tpu.memory_space<vmem>>
          %dma_start3A_117 = arith.constant 0 : i32
          %dma_start3A_118 = tpu.memref_slice %arg3[%mul3A_66, %dma_start3A_117] : memref<424x128xi32, #tpu.memory_space<hbm>> -> memref<4x128xi32, #tpu.memory_space<hbm>>
          %dma_start3A_119 = arith.constant 0 : i32
          %dma_start3A_120 = arith.constant 0 : i32
          %dma_start3A_121 = tpu.memref_slice %arg5[%dma_start3A_119, %dma_start3A_120] : memref<8x128xi32, #tpu.memory_space<vmem>> -> memref<4x128xi32, #tpu.memory_space<vmem>>
          %dma_start3A_122 = arith.constant 0 : i32
          %dma_start3A_123 = tpu.memref_slice %arg3[%mul3A_66, %dma_start3A_122] : memref<424x128xi32, #tpu.memory_space<hbm>> -> memref<4x128xi32, #tpu.memory_space<hbm>>
          tpu.enqueue_dma source(%dma_start3A_123 : memref<4x128xi32, #tpu.memory_space<hbm>>) target(%dma_start3A_121 : memref<4x128xi32, #tpu.memory_space<vmem>>) target_semaphore(%run_scoped3A : memref<!tpu.dma_semaphore, #tpu.memory_space<semaphore_mem>>)
          %dma_wait3A = arith.constant 0 : i32
          %dma_wait3A_124 = arith.constant 0 : i32
          %dma_wait3A_125 = tpu.memref_slice %arg5[%dma_wait3A, %dma_wait3A_124] : memref<8x128xi32, #tpu.memory_space<vmem>> -> memref<4x128xi32, #tpu.memory_space<vmem>>
          %dma_wait3A_126 = arith.constant 0 : i32
          %dma_wait3A_127 = tpu.memref_slice %arg3[%mul3A_66, %dma_wait3A_126] : memref<424x128xi32, #tpu.memory_space<hbm>> -> memref<4x128xi32, #tpu.memory_space<hbm>>
          %dma_wait3A_128 = arith.constant 0 : i32
          %dma_wait3A_129 = arith.constant 0 : i32
          %dma_wait3A_130 = tpu.memref_slice %arg5[%dma_wait3A_128, %dma_wait3A_129] : memref<8x128xi32, #tpu.memory_space<vmem>> -> memref<4x128xi32, #tpu.memory_space<vmem>>
          %dma_wait3A_131 = arith.constant 0 : i32
          %dma_wait3A_132 = tpu.memref_slice %arg3[%mul3A_66, %dma_wait3A_131] : memref<424x128xi32, #tpu.memory_space<hbm>> -> memref<4x128xi32, #tpu.memory_space<hbm>>
          tpu.wait_dma2 semaphore(%run_scoped3A : memref<!tpu.dma_semaphore, #tpu.memory_space<semaphore_mem>>) src(%dma_wait3A_132 : memref<4x128xi32, #tpu.memory_space<hbm>>) dst(%dma_wait3A_130 : memref<4x128xi32, #tpu.memory_space<vmem>>)
          tpu.yield
        }) : () -> ()
        %dma_start3A = arith.constant 0 : i32
        %dma_start3A_67 = arith.constant 0 : i32
        %dma_start3A_68 = arith.constant 0 : i32
        %dma_start3A_69 = arith.constant 0 : i32
        %dma_start3A_70 = tpu.memref_slice %arg6[%dma_start3A_67, %dma_start3A_68, %dma_start3A_69] : memref<2x512x32xf32, #tpu.memory_space<vmem>> -> memref<1x128x32xf32, #tpu.memory_space<vmem>>
        %dma_start3A_71 = tpu.memref_squeeze %dma_start3A_70 : memref<1x128x32xf32, #tpu.memory_space<vmem>> -> memref<128x32xf32, #tpu.memory_space<vmem>>
        %dma_start3A_72 = arith.constant 0 : i32
        %dma_start3A_73 = tpu.memref_slice %arg5[%dma_start3A, %dma_start3A_72] : memref<8x128xi32, #tpu.memory_space<vmem>> -> memref<1x128xi32, #tpu.memory_space<vmem>>
        %dma_start3A_74 = tpu.memref_squeeze %dma_start3A_73 : memref<1x128xi32, #tpu.memory_space<vmem>> -> memref<128xi32, #tpu.memory_space<vmem>>
        %dma_start3A_75 = arith.constant 0 : i32
        %dma_start3A_76 = arith.constant 0 : i32
        %dma_start3A_77 = tpu.memref_slice %arg2[%dma_start3A_75, %dma_start3A_76] : memref<100352x32xf32, #tpu.memory_space<hbm>> -> memref<100352x32xf32, #tpu.memory_space<hbm>>
        tpu.enqueue_indirect_dma source(%dma_start3A_77 : memref<100352x32xf32, #tpu.memory_space<hbm>>) target(%dma_start3A_71 : memref<128x32xf32, #tpu.memory_space<vmem>>) offsets(%dma_start3A_74 : memref<128xi32, #tpu.memory_space<vmem>>) semaphore(%arg7 : memref<!tpu.dma_semaphore, #tpu.memory_space<semaphore_mem>>)
        %dma_start3A_78 = arith.constant 1 : i32
        %dma_start3A_79 = arith.constant 0 : i32
        %dma_start3A_80 = arith.constant 128 : i32
        %dma_start3A_81 = arith.constant 0 : i32
        %dma_start3A_82 = tpu.memref_slice %arg6[%dma_start3A_79, %dma_start3A_80, %dma_start3A_81] : memref<2x512x32xf32, #tpu.memory_space<vmem>> -> memref<1x128x32xf32, #tpu.memory_space<vmem>>
        %dma_start3A_83 = tpu.memref_squeeze %dma_start3A_82 : memref<1x128x32xf32, #tpu.memory_space<vmem>> -> memref<128x32xf32, #tpu.memory_space<vmem>>
        %dma_start3A_84 = arith.constant 0 : i32
        %dma_start3A_85 = tpu.memref_slice %arg5[%dma_start3A_78, %dma_start3A_84] : memref<8x128xi32, #tpu.memory_space<vmem>> -> memref<1x128xi32, #tpu.memory_space<vmem>>
        %dma_start3A_86 = tpu.memref_squeeze %dma_start3A_85 : memref<1x128xi32, #tpu.memory_space<vmem>> -> memref<128xi32, #tpu.memory_space<vmem>>
        %dma_start3A_87 = arith.constant 0 : i32
        %dma_start3A_88 = arith.constant 0 : i32
        %dma_start3A_89 = tpu.memref_slice %arg2[%dma_start3A_87, %dma_start3A_88] : memref<100352x32xf32, #tpu.memory_space<hbm>> -> memref<100352x32xf32, #tpu.memory_space<hbm>>
        tpu.enqueue_indirect_dma source(%dma_start3A_89 : memref<100352x32xf32, #tpu.memory_space<hbm>>) target(%dma_start3A_83 : memref<128x32xf32, #tpu.memory_space<vmem>>) offsets(%dma_start3A_86 : memref<128xi32, #tpu.memory_space<vmem>>) semaphore(%arg7 : memref<!tpu.dma_semaphore, #tpu.memory_space<semaphore_mem>>)
        %dma_start3A_90 = arith.constant 2 : i32
        %dma_start3A_91 = arith.constant 0 : i32
        %dma_start3A_92 = arith.constant 256 : i32
        %dma_start3A_93 = arith.constant 0 : i32
        %dma_start3A_94 = tpu.memref_slice %arg6[%dma_start3A_91, %dma_start3A_92, %dma_start3A_93] : memref<2x512x32xf32, #tpu.memory_space<vmem>> -> memref<1x128x32xf32, #tpu.memory_space<vmem>>
        %dma_start3A_95 = tpu.memref_squeeze %dma_start3A_94 : memref<1x128x32xf32, #tpu.memory_space<vmem>> -> memref<128x32xf32, #tpu.memory_space<vmem>>
        %dma_start3A_96 = arith.constant 0 : i32
        %dma_start3A_97 = tpu.memref_slice %arg5[%dma_start3A_90, %dma_start3A_96] : memref<8x128xi32, #tpu.memory_space<vmem>> -> memref<1x128xi32, #tpu.memory_space<vmem>>
        %dma_start3A_98 = tpu.memref_squeeze %dma_start3A_97 : memref<1x128xi32, #tpu.memory_space<vmem>> -> memref<128xi32, #tpu.memory_space<vmem>>
        %dma_start3A_99 = arith.constant 0 : i32
        %dma_start3A_100 = arith.constant 0 : i32
        %dma_start3A_101 = tpu.memref_slice %arg2[%dma_start3A_99, %dma_start3A_100] : memref<100352x32xf32, #tpu.memory_space<hbm>> -> memref<100352x32xf32, #tpu.memory_space<hbm>>
        tpu.enqueue_indirect_dma source(%dma_start3A_101 : memref<100352x32xf32, #tpu.memory_space<hbm>>) target(%dma_start3A_95 : memref<128x32xf32, #tpu.memory_space<vmem>>) offsets(%dma_start3A_98 : memref<128xi32, #tpu.memory_space<vmem>>) semaphore(%arg7 : memref<!tpu.dma_semaphore, #tpu.memory_space<semaphore_mem>>)
        %dma_start3A_102 = arith.constant 3 : i32
        %dma_start3A_103 = arith.constant 0 : i32
        %dma_start3A_104 = arith.constant 384 : i32
        %dma_start3A_105 = arith.constant 0 : i32
        %dma_start3A_106 = tpu.memref_slice %arg6[%dma_start3A_103, %dma_start3A_104, %dma_start3A_105] : memref<2x512x32xf32, #tpu.memory_space<vmem>> -> memref<1x128x32xf32, #tpu.memory_space<vmem>>
        %dma_start3A_107 = tpu.memref_squeeze %dma_start3A_106 : memref<1x128x32xf32, #tpu.memory_space<vmem>> -> memref<128x32xf32, #tpu.memory_space<vmem>>
        %dma_start3A_108 = arith.constant 0 : i32
        %dma_start3A_109 = tpu.memref_slice %arg5[%dma_start3A_102, %dma_start3A_108] : memref<8x128xi32, #tpu.memory_space<vmem>> -> memref<1x128xi32, #tpu.memory_space<vmem>>
        %dma_start3A_110 = tpu.memref_squeeze %dma_start3A_109 : memref<1x128xi32, #tpu.memory_space<vmem>> -> memref<128xi32, #tpu.memory_space<vmem>>
        %dma_start3A_111 = arith.constant 0 : i32
        %dma_start3A_112 = arith.constant 0 : i32
        %dma_start3A_113 = tpu.memref_slice %arg2[%dma_start3A_111, %dma_start3A_112] : memref<100352x32xf32, #tpu.memory_space<hbm>> -> memref<100352x32xf32, #tpu.memory_space<hbm>>
        tpu.enqueue_indirect_dma source(%dma_start3A_113 : memref<100352x32xf32, #tpu.memory_space<hbm>>) target(%dma_start3A_107 : memref<128x32xf32, #tpu.memory_space<vmem>>) offsets(%dma_start3A_110 : memref<128xi32, #tpu.memory_space<vmem>>) semaphore(%arg7 : memref<!tpu.dma_semaphore, #tpu.memory_space<semaphore_mem>>)
      } else {
      }
      %ge3A_23 = arith.constant 1 : i32
      %ge3A_24 = arith.cmpi sge, %add3A_10, %ge3A_23 : i32
      %sub3A_25 = arith.constant 32 : i32
      %sub3A_26 = arith.subi %add3A_13, %sub3A_25 : i32
      %lt3A_27 = arith.constant 98 : i32
      %lt3A_28 = arith.cmpi slt, %sub3A_26, %lt3A_27 : i32
      %and3A_29 = arith.andi %ge3A_24, %lt3A_28 : i1
      %convert_element_type3A_30 = arith.extui %and3A_29 : i1 to i32
      %cond3A_31 = arith.constant 0 : i32
      %cond3A_32 = arith.cmpi ne, %convert_element_type3A_30, %cond3A_31 : i32
      scf.if %cond3A_32 {
        %dma_wait3A = arith.constant 1 : i32
        %dma_wait3A_65 = arith.constant 0 : i32
        %dma_wait3A_66 = arith.constant 0 : i32
        %dma_wait3A_67 = tpu.memref_slice %arg6[%dma_wait3A, %dma_wait3A_65, %dma_wait3A_66] : memref<2x512x32xf32, #tpu.memory_space<vmem>> -> memref<1x512x32xf32, #tpu.memory_space<vmem>>
        %dma_wait3A_68 = tpu.memref_squeeze %dma_wait3A_67 : memref<1x512x32xf32, #tpu.memory_space<vmem>> -> memref<512x32xf32, #tpu.memory_space<vmem>>
        %dma_wait3A_69 = arith.constant 0 : i32
        %dma_wait3A_70 = arith.constant 0 : i32
        %dma_wait3A_71 = tpu.memref_slice %arg4[%dma_wait3A_69, %dma_wait3A_70] : memref<50176x32xf32, #tpu.memory_space<hbm>> -> memref<512x32xf32, #tpu.memory_space<hbm>>
        %dma_wait3A_72 = arith.constant 0 : i32
        %dma_wait3A_73 = arith.constant 0 : i32
        %dma_wait3A_74 = tpu.memref_slice %arg6[%dma_wait3A, %dma_wait3A_72, %dma_wait3A_73] : memref<2x512x32xf32, #tpu.memory_space<vmem>> -> memref<1x512x32xf32, #tpu.memory_space<vmem>>
        %dma_wait3A_75 = tpu.memref_squeeze %dma_wait3A_74 : memref<1x512x32xf32, #tpu.memory_space<vmem>> -> memref<512x32xf32, #tpu.memory_space<vmem>>
        %dma_wait3A_76 = arith.constant 0 : i32
        %dma_wait3A_77 = arith.constant 0 : i32
        %dma_wait3A_78 = tpu.memref_slice %arg4[%dma_wait3A_76, %dma_wait3A_77] : memref<50176x32xf32, #tpu.memory_space<hbm>> -> memref<512x32xf32, #tpu.memory_space<hbm>>
        tpu.wait_dma2 semaphore(%arg8 : memref<!tpu.dma_semaphore, #tpu.memory_space<semaphore_mem>>) src(%dma_wait3A_78 : memref<512x32xf32, #tpu.memory_space<hbm>>) dst(%dma_wait3A_75 : memref<512x32xf32, #tpu.memory_space<vmem>>)
        %sub3A_79 = arith.constant 32 : i32
        %sub3A_80 = arith.subi %add3A_13, %sub3A_79 : i32
        %mul3A_81 = arith.constant 512 : i32
        %mul3A_82 = arith.muli %sub3A_80, %mul3A_81 : i32
        %dma_start3A = arith.constant 1 : i32
        %dma_start3A_83 = arith.constant 0 : i32
        %dma_start3A_84 = arith.constant 0 : i32
        %dma_start3A_85 = tpu.memref_slice %arg6[%dma_start3A, %dma_start3A_83, %dma_start3A_84] : memref<2x512x32xf32, #tpu.memory_space<vmem>> -> memref<1x512x32xf32, #tpu.memory_space<vmem>>
        %dma_start3A_86 = tpu.memref_squeeze %dma_start3A_85 : memref<1x512x32xf32, #tpu.memory_space<vmem>> -> memref<512x32xf32, #tpu.memory_space<vmem>>
        %dma_start3A_87 = arith.constant 0 : i32
        %dma_start3A_88 = tpu.memref_slice %arg4[%mul3A_82, %dma_start3A_87] : memref<50176x32xf32, #tpu.memory_space<hbm>> -> memref<512x32xf32, #tpu.memory_space<hbm>>
        %dma_start3A_89 = arith.constant 0 : i32
        %dma_start3A_90 = tpu.memref_slice %arg4[%mul3A_82, %dma_start3A_89] : memref<50176x32xf32, #tpu.memory_space<hbm>> -> memref<512x32xf32, #tpu.memory_space<hbm>>
        %dma_start3A_91 = arith.constant 0 : i32
        %dma_start3A_92 = arith.constant 0 : i32
        %dma_start3A_93 = tpu.memref_slice %arg6[%dma_start3A, %dma_start3A_91, %dma_start3A_92] : memref<2x512x32xf32, #tpu.memory_space<vmem>> -> memref<1x512x32xf32, #tpu.memory_space<vmem>>
        %dma_start3A_94 = tpu.memref_squeeze %dma_start3A_93 : memref<1x512x32xf32, #tpu.memory_space<vmem>> -> memref<512x32xf32, #tpu.memory_space<vmem>>
        tpu.enqueue_dma source(%dma_start3A_94 : memref<512x32xf32, #tpu.memory_space<vmem>>) target(%dma_start3A_90 : memref<512x32xf32, #tpu.memory_space<hbm>>) target_semaphore(%arg10 : memref<!tpu.dma_semaphore, #tpu.memory_space<semaphore_mem>>)
      } else {
      }
      %mul3A_33 = arith.constant 2 : i32
      %mul3A_34 = arith.muli %mul3A_33, %scan3A_6 : i32
      %add3A_35 = arith.constant 1 : i32
      %add3A_36 = arith.addi %mul3A_34, %add3A_35 : i32
      %mul3A_37 = arith.constant 32 : i32
      %mul3A_38 = arith.muli %add3A_36, %mul3A_37 : i32
      %add3A_39 = arith.addi %add3A, %mul3A_38 : i32
      %ge3A_40 = arith.constant 2 : i32
      %ge3A_41 = arith.cmpi sge, %add3A_36, %ge3A_40 : i32
      %sub3A_42 = arith.constant 64 : i32
      %sub3A_43 = arith.subi %add3A_39, %sub3A_42 : i32
      %lt3A_44 = arith.constant 98 : i32
      %lt3A_45 = arith.cmpi slt, %sub3A_43, %lt3A_44 : i32
      %and3A_46 = arith.andi %ge3A_41, %lt3A_45 : i1
      %convert_element_type3A_47 = arith.extui %and3A_46 : i1 to i32
      %cond3A_48 = arith.constant 0 : i32
      %cond3A_49 = arith.cmpi ne, %convert_element_type3A_47, %cond3A_48 : i32
      scf.if %cond3A_49 {
        %dma_wait3A = arith.constant 1 : i32
        %dma_wait3A_65 = arith.constant 0 : i32
        %dma_wait3A_66 = arith.constant 0 : i32
        %dma_wait3A_67 = tpu.memref_slice %arg6[%dma_wait3A, %dma_wait3A_65, %dma_wait3A_66] : memref<2x512x32xf32, #tpu.memory_space<vmem>> -> memref<1x512x32xf32, #tpu.memory_space<vmem>>
        %dma_wait3A_68 = tpu.memref_squeeze %dma_wait3A_67 : memref<1x512x32xf32, #tpu.memory_space<vmem>> -> memref<512x32xf32, #tpu.memory_space<vmem>>
        %dma_wait3A_69 = arith.constant 0 : i32
        %dma_wait3A_70 = arith.constant 0 : i32
        %dma_wait3A_71 = tpu.memref_slice %arg4[%dma_wait3A_69, %dma_wait3A_70] : memref<50176x32xf32, #tpu.memory_space<hbm>> -> memref<512x32xf32, #tpu.memory_space<hbm>>
        %dma_wait3A_72 = arith.constant 0 : i32
        %dma_wait3A_73 = arith.constant 0 : i32
        %dma_wait3A_74 = tpu.memref_slice %arg4[%dma_wait3A_72, %dma_wait3A_73] : memref<50176x32xf32, #tpu.memory_space<hbm>> -> memref<512x32xf32, #tpu.memory_space<hbm>>
        %dma_wait3A_75 = arith.constant 0 : i32
        %dma_wait3A_76 = arith.constant 0 : i32
        %dma_wait3A_77 = tpu.memref_slice %arg6[%dma_wait3A, %dma_wait3A_75, %dma_wait3A_76] : memref<2x512x32xf32, #tpu.memory_space<vmem>> -> memref<1x512x32xf32, #tpu.memory_space<vmem>>
        %dma_wait3A_78 = tpu.memref_squeeze %dma_wait3A_77 : memref<1x512x32xf32, #tpu.memory_space<vmem>> -> memref<512x32xf32, #tpu.memory_space<vmem>>
        tpu.wait_dma2 semaphore(%arg10 : memref<!tpu.dma_semaphore, #tpu.memory_space<semaphore_mem>>) src(%dma_wait3A_78 : memref<512x32xf32, #tpu.memory_space<vmem>>) dst(%dma_wait3A_74 : memref<512x32xf32, #tpu.memory_space<hbm>>)
      } else {
      }
      %lt3A_50 = arith.constant 98 : i32
      %lt3A_51 = arith.cmpi slt, %add3A_39, %lt3A_50 : i32
      %convert_element_type3A_52 = arith.extui %lt3A_51 : i1 to i32
      %cond3A_53 = arith.constant 0 : i32
      %cond3A_54 = arith.cmpi ne, %convert_element_type3A_52, %cond3A_53 : i32
      scf.if %cond3A_54 {
        %mul3A_65 = arith.constant 4 : i32
        %mul3A_66 = arith.muli %add3A_39, %mul3A_65 : i32
        "tpu.region"() ({
          %run_scoped3A = tpu.sem_alloc : memref<!tpu.dma_semaphore, #tpu.memory_space<semaphore_mem>>
          %dma_start3A_114 = arith.constant 4 : i32
          %dma_start3A_115 = arith.constant 0 : i32
          %dma_start3A_116 = tpu.memref_slice %arg5[%dma_start3A_114, %dma_start3A_115] : memref<8x128xi32, #tpu.memory_space<vmem>> -> memref<4x128xi32, #tpu.memory_space<vmem>>
          %dma_start3A_117 = arith.constant 0 : i32
          %dma_start3A_118 = tpu.memref_slice %arg3[%mul3A_66, %dma_start3A_117] : memref<424x128xi32, #tpu.memory_space<hbm>> -> memref<4x128xi32, #tpu.memory_space<hbm>>
          %dma_start3A_119 = arith.constant 4 : i32
          %dma_start3A_120 = arith.constant 0 : i32
          %dma_start3A_121 = tpu.memref_slice %arg5[%dma_start3A_119, %dma_start3A_120] : memref<8x128xi32, #tpu.memory_space<vmem>> -> memref<4x128xi32, #tpu.memory_space<vmem>>
          %dma_start3A_122 = arith.constant 0 : i32
          %dma_start3A_123 = tpu.memref_slice %arg3[%mul3A_66, %dma_start3A_122] : memref<424x128xi32, #tpu.memory_space<hbm>> -> memref<4x128xi32, #tpu.memory_space<hbm>>
          tpu.enqueue_dma source(%dma_start3A_123 : memref<4x128xi32, #tpu.memory_space<hbm>>) target(%dma_start3A_121 : memref<4x128xi32, #tpu.memory_space<vmem>>) target_semaphore(%run_scoped3A : memref<!tpu.dma_semaphore, #tpu.memory_space<semaphore_mem>>)
          %dma_wait3A = arith.constant 4 : i32
          %dma_wait3A_124 = arith.constant 0 : i32
          %dma_wait3A_125 = tpu.memref_slice %arg5[%dma_wait3A, %dma_wait3A_124] : memref<8x128xi32, #tpu.memory_space<vmem>> -> memref<4x128xi32, #tpu.memory_space<vmem>>
          %dma_wait3A_126 = arith.constant 0 : i32
          %dma_wait3A_127 = tpu.memref_slice %arg3[%mul3A_66, %dma_wait3A_126] : memref<424x128xi32, #tpu.memory_space<hbm>> -> memref<4x128xi32, #tpu.memory_space<hbm>>
          %dma_wait3A_128 = arith.constant 4 : i32
          %dma_wait3A_129 = arith.constant 0 : i32
          %dma_wait3A_130 = tpu.memref_slice %arg5[%dma_wait3A_128, %dma_wait3A_129] : memref<8x128xi32, #tpu.memory_space<vmem>> -> memref<4x128xi32, #tpu.memory_space<vmem>>
          %dma_wait3A_131 = arith.constant 0 : i32
          %dma_wait3A_132 = tpu.memref_slice %arg3[%mul3A_66, %dma_wait3A_131] : memref<424x128xi32, #tpu.memory_space<hbm>> -> memref<4x128xi32, #tpu.memory_space<hbm>>
          tpu.wait_dma2 semaphore(%run_scoped3A : memref<!tpu.dma_semaphore, #tpu.memory_space<semaphore_mem>>) src(%dma_wait3A_132 : memref<4x128xi32, #tpu.memory_space<hbm>>) dst(%dma_wait3A_130 : memref<4x128xi32, #tpu.memory_space<vmem>>)
          tpu.yield
        }) : () -> ()
        %dma_start3A = arith.constant 4 : i32
        %dma_start3A_67 = arith.constant 1 : i32
        %dma_start3A_68 = arith.constant 0 : i32
        %dma_start3A_69 = arith.constant 0 : i32
        %dma_start3A_70 = tpu.memref_slice %arg6[%dma_start3A_67, %dma_start3A_68, %dma_start3A_69] : memref<2x512x32xf32, #tpu.memory_space<vmem>> -> memref<1x128x32xf32, #tpu.memory_space<vmem>>
        %dma_start3A_71 = tpu.memref_squeeze %dma_start3A_70 : memref<1x128x32xf32, #tpu.memory_space<vmem>> -> memref<128x32xf32, #tpu.memory_space<vmem>>
        %dma_start3A_72 = arith.constant 0 : i32
        %dma_start3A_73 = tpu.memref_slice %arg5[%dma_start3A, %dma_start3A_72] : memref<8x128xi32, #tpu.memory_space<vmem>> -> memref<1x128xi32, #tpu.memory_space<vmem>>
        %dma_start3A_74 = tpu.memref_squeeze %dma_start3A_73 : memref<1x128xi32, #tpu.memory_space<vmem>> -> memref<128xi32, #tpu.memory_space<vmem>>
        %dma_start3A_75 = arith.constant 0 : i32
        %dma_start3A_76 = arith.constant 0 : i32
        %dma_start3A_77 = tpu.memref_slice %arg2[%dma_start3A_75, %dma_start3A_76] : memref<100352x32xf32, #tpu.memory_space<hbm>> -> memref<100352x32xf32, #tpu.memory_space<hbm>>
        tpu.enqueue_indirect_dma source(%dma_start3A_77 : memref<100352x32xf32, #tpu.memory_space<hbm>>) target(%dma_start3A_71 : memref<128x32xf32, #tpu.memory_space<vmem>>) offsets(%dma_start3A_74 : memref<128xi32, #tpu.memory_space<vmem>>) semaphore(%arg8 : memref<!tpu.dma_semaphore, #tpu.memory_space<semaphore_mem>>)
        %dma_start3A_78 = arith.constant 5 : i32
        %dma_start3A_79 = arith.constant 1 : i32
        %dma_start3A_80 = arith.constant 128 : i32
        %dma_start3A_81 = arith.constant 0 : i32
        %dma_start3A_82 = tpu.memref_slice %arg6[%dma_start3A_79, %dma_start3A_80, %dma_start3A_81] : memref<2x512x32xf32, #tpu.memory_space<vmem>> -> memref<1x128x32xf32, #tpu.memory_space<vmem>>
        %dma_start3A_83 = tpu.memref_squeeze %dma_start3A_82 : memref<1x128x32xf32, #tpu.memory_space<vmem>> -> memref<128x32xf32, #tpu.memory_space<vmem>>
        %dma_start3A_84 = arith.constant 0 : i32
        %dma_start3A_85 = tpu.memref_slice %arg5[%dma_start3A_78, %dma_start3A_84] : memref<8x128xi32, #tpu.memory_space<vmem>> -> memref<1x128xi32, #tpu.memory_space<vmem>>
        %dma_start3A_86 = tpu.memref_squeeze %dma_start3A_85 : memref<1x128xi32, #tpu.memory_space<vmem>> -> memref<128xi32, #tpu.memory_space<vmem>>
        %dma_start3A_87 = arith.constant 0 : i32
        %dma_start3A_88 = arith.constant 0 : i32
        %dma_start3A_89 = tpu.memref_slice %arg2[%dma_start3A_87, %dma_start3A_88] : memref<100352x32xf32, #tpu.memory_space<hbm>> -> memref<100352x32xf32, #tpu.memory_space<hbm>>
        tpu.enqueue_indirect_dma source(%dma_start3A_89 : memref<100352x32xf32, #tpu.memory_space<hbm>>) target(%dma_start3A_83 : memref<128x32xf32, #tpu.memory_space<vmem>>) offsets(%dma_start3A_86 : memref<128xi32, #tpu.memory_space<vmem>>) semaphore(%arg8 : memref<!tpu.dma_semaphore, #tpu.memory_space<semaphore_mem>>)
        %dma_start3A_90 = arith.constant 6 : i32
        %dma_start3A_91 = arith.constant 1 : i32
        %dma_start3A_92 = arith.constant 256 : i32
        %dma_start3A_93 = arith.constant 0 : i32
        %dma_start3A_94 = tpu.memref_slice %arg6[%dma_start3A_91, %dma_start3A_92, %dma_start3A_93] : memref<2x512x32xf32, #tpu.memory_space<vmem>> -> memref<1x128x32xf32, #tpu.memory_space<vmem>>
        %dma_start3A_95 = tpu.memref_squeeze %dma_start3A_94 : memref<1x128x32xf32, #tpu.memory_space<vmem>> -> memref<128x32xf32, #tpu.memory_space<vmem>>
        %dma_start3A_96 = arith.constant 0 : i32
        %dma_start3A_97 = tpu.memref_slice %arg5[%dma_start3A_90, %dma_start3A_96] : memref<8x128xi32, #tpu.memory_space<vmem>> -> memref<1x128xi32, #tpu.memory_space<vmem>>
        %dma_start3A_98 = tpu.memref_squeeze %dma_start3A_97 : memref<1x128xi32, #tpu.memory_space<vmem>> -> memref<128xi32, #tpu.memory_space<vmem>>
        %dma_start3A_99 = arith.constant 0 : i32
        %dma_start3A_100 = arith.constant 0 : i32
        %dma_start3A_101 = tpu.memref_slice %arg2[%dma_start3A_99, %dma_start3A_100] : memref<100352x32xf32, #tpu.memory_space<hbm>> -> memref<100352x32xf32, #tpu.memory_space<hbm>>
        tpu.enqueue_indirect_dma source(%dma_start3A_101 : memref<100352x32xf32, #tpu.memory_space<hbm>>) target(%dma_start3A_95 : memref<128x32xf32, #tpu.memory_space<vmem>>) offsets(%dma_start3A_98 : memref<128xi32, #tpu.memory_space<vmem>>) semaphore(%arg8 : memref<!tpu.dma_semaphore, #tpu.memory_space<semaphore_mem>>)
        %dma_start3A_102 = arith.constant 7 : i32
        %dma_start3A_103 = arith.constant 1 : i32
        %dma_start3A_104 = arith.constant 384 : i32
        %dma_start3A_105 = arith.constant 0 : i32
        %dma_start3A_106 = tpu.memref_slice %arg6[%dma_start3A_103, %dma_start3A_104, %dma_start3A_105] : memref<2x512x32xf32, #tpu.memory_space<vmem>> -> memref<1x128x32xf32, #tpu.memory_space<vmem>>
        %dma_start3A_107 = tpu.memref_squeeze %dma_start3A_106 : memref<1x128x32xf32, #tpu.memory_space<vmem>> -> memref<128x32xf32, #tpu.memory_space<vmem>>
        %dma_start3A_108 = arith.constant 0 : i32
        %dma_start3A_109 = tpu.memref_slice %arg5[%dma_start3A_102, %dma_start3A_108] : memref<8x128xi32, #tpu.memory_space<vmem>> -> memref<1x128xi32, #tpu.memory_space<vmem>>
        %dma_start3A_110 = tpu.memref_squeeze %dma_start3A_109 : memref<1x128xi32, #tpu.memory_space<vmem>> -> memref<128xi32, #tpu.memory_space<vmem>>
        %dma_start3A_111 = arith.constant 0 : i32
        %dma_start3A_112 = arith.constant 0 : i32
        %dma_start3A_113 = tpu.memref_slice %arg2[%dma_start3A_111, %dma_start3A_112] : memref<100352x32xf32, #tpu.memory_space<hbm>> -> memref<100352x32xf32, #tpu.memory_space<hbm>>
        tpu.enqueue_indirect_dma source(%dma_start3A_113 : memref<100352x32xf32, #tpu.memory_space<hbm>>) target(%dma_start3A_107 : memref<128x32xf32, #tpu.memory_space<vmem>>) offsets(%dma_start3A_110 : memref<128xi32, #tpu.memory_space<vmem>>) semaphore(%arg8 : memref<!tpu.dma_semaphore, #tpu.memory_space<semaphore_mem>>)
      } else {
      }
      %ge3A_55 = arith.constant 1 : i32
      %ge3A_56 = arith.cmpi sge, %add3A_36, %ge3A_55 : i32
      %sub3A_57 = arith.constant 32 : i32
      %sub3A_58 = arith.subi %add3A_39, %sub3A_57 : i32
      %lt3A_59 = arith.constant 98 : i32
      %lt3A_60 = arith.cmpi slt, %sub3A_58, %lt3A_59 : i32
      %and3A_61 = arith.andi %ge3A_56, %lt3A_60 : i1
      %convert_element_type3A_62 = arith.extui %and3A_61 : i1 to i32
      %cond3A_63 = arith.constant 0 : i32
      %cond3A_64 = arith.cmpi ne, %convert_element_type3A_62, %cond3A_63 : i32
      scf.if %cond3A_64 {
        %dma_wait3A = arith.constant 0 : i32
        %dma_wait3A_65 = arith.constant 0 : i32
        %dma_wait3A_66 = arith.constant 0 : i32
        %dma_wait3A_67 = tpu.memref_slice %arg6[%dma_wait3A, %dma_wait3A_65, %dma_wait3A_66] : memref<2x512x32xf32, #tpu.memory_space<vmem>> -> memref<1x512x32xf32, #tpu.memory_space<vmem>>
        %dma_wait3A_68 = tpu.memref_squeeze %dma_wait3A_67 : memref<1x512x32xf32, #tpu.memory_space<vmem>> -> memref<512x32xf32, #tpu.memory_space<vmem>>
        %dma_wait3A_69 = arith.constant 0 : i32
        %dma_wait3A_70 = arith.constant 0 : i32
        %dma_wait3A_71 = tpu.memref_slice %arg4[%dma_wait3A_69, %dma_wait3A_70] : memref<50176x32xf32, #tpu.memory_space<hbm>> -> memref<512x32xf32, #tpu.memory_space<hbm>>
        %dma_wait3A_72 = arith.constant 0 : i32
        %dma_wait3A_73 = arith.constant 0 : i32
        %dma_wait3A_74 = tpu.memref_slice %arg6[%dma_wait3A, %dma_wait3A_72, %dma_wait3A_73] : memref<2x512x32xf32, #tpu.memory_space<vmem>> -> memref<1x512x32xf32, #tpu.memory_space<vmem>>
        %dma_wait3A_75 = tpu.memref_squeeze %dma_wait3A_74 : memref<1x512x32xf32, #tpu.memory_space<vmem>> -> memref<512x32xf32, #tpu.memory_space<vmem>>
        %dma_wait3A_76 = arith.constant 0 : i32
        %dma_wait3A_77 = arith.constant 0 : i32
        %dma_wait3A_78 = tpu.memref_slice %arg4[%dma_wait3A_76, %dma_wait3A_77] : memref<50176x32xf32, #tpu.memory_space<hbm>> -> memref<512x32xf32, #tpu.memory_space<hbm>>
        tpu.wait_dma2 semaphore(%arg7 : memref<!tpu.dma_semaphore, #tpu.memory_space<semaphore_mem>>) src(%dma_wait3A_78 : memref<512x32xf32, #tpu.memory_space<hbm>>) dst(%dma_wait3A_75 : memref<512x32xf32, #tpu.memory_space<vmem>>)
        %sub3A_79 = arith.constant 32 : i32
        %sub3A_80 = arith.subi %add3A_39, %sub3A_79 : i32
        %mul3A_81 = arith.constant 512 : i32
        %mul3A_82 = arith.muli %sub3A_80, %mul3A_81 : i32
        %dma_start3A = arith.constant 0 : i32
        %dma_start3A_83 = arith.constant 0 : i32
        %dma_start3A_84 = arith.constant 0 : i32
        %dma_start3A_85 = tpu.memref_slice %arg6[%dma_start3A, %dma_start3A_83, %dma_start3A_84] : memref<2x512x32xf32, #tpu.memory_space<vmem>> -> memref<1x512x32xf32, #tpu.memory_space<vmem>>
        %dma_start3A_86 = tpu.memref_squeeze %dma_start3A_85 : memref<1x512x32xf32, #tpu.memory_space<vmem>> -> memref<512x32xf32, #tpu.memory_space<vmem>>
        %dma_start3A_87 = arith.constant 0 : i32
        %dma_start3A_88 = tpu.memref_slice %arg4[%mul3A_82, %dma_start3A_87] : memref<50176x32xf32, #tpu.memory_space<hbm>> -> memref<512x32xf32, #tpu.memory_space<hbm>>
        %dma_start3A_89 = arith.constant 0 : i32
        %dma_start3A_90 = tpu.memref_slice %arg4[%mul3A_82, %dma_start3A_89] : memref<50176x32xf32, #tpu.memory_space<hbm>> -> memref<512x32xf32, #tpu.memory_space<hbm>>
        %dma_start3A_91 = arith.constant 0 : i32
        %dma_start3A_92 = arith.constant 0 : i32
        %dma_start3A_93 = tpu.memref_slice %arg6[%dma_start3A, %dma_start3A_91, %dma_start3A_92] : memref<2x512x32xf32, #tpu.memory_space<vmem>> -> memref<1x512x32xf32, #tpu.memory_space<vmem>>
        %dma_start3A_94 = tpu.memref_squeeze %dma_start3A_93 : memref<1x512x32xf32, #tpu.memory_space<vmem>> -> memref<512x32xf32, #tpu.memory_space<vmem>>
        tpu.enqueue_dma source(%dma_start3A_94 : memref<512x32xf32, #tpu.memory_space<vmem>>) target(%dma_start3A_90 : memref<512x32xf32, #tpu.memory_space<hbm>>) target_semaphore(%arg9 : memref<!tpu.dma_semaphore, #tpu.memory_space<semaphore_mem>>)
      } else {
      }
    }
    %scan3A_5 = arith.constant 3 : i32
    return
  }
}

module attributes {stable_mosaic.version = 14 : i64} {
  func.func @body(%arg0: i32, %arg1: i32, %arg2: memref<1xi32, #tpu.memory_space<smem>>, %arg3: memref<1x512x64xbf16, #tpu.memory_space<vmem>>, %arg4: memref<1x64x64xf32, #tpu.memory_space<vmem>>, %arg5: memref<1x64xf32, #tpu.memory_space<vmem>>, %arg6: memref<512x64xbf16, #tpu.memory_space<vmem>>) attributes {dimension_semantics = [#tpu.dimension_semantics<arbitrary>, #tpu.dimension_semantics<arbitrary>], iteration_bounds = array<i64: 196, 27>, scalar_prefetch = 1 : i64, scratch_operands = 0 : i64, tpu.core_type = #tpu.core_type<tc>, window_params = [{transform_indices = @transform_0, window_bounds = array<i64: 1, 512, 64>}, {transform_indices = @transform_1, window_bounds = array<i64: 1, 64, 64>}, {pipeline_mode = #tpu.pipeline_mode<synchronous>, transform_indices = @transform_2, window_bounds = array<i64: 1, 64>}, {transform_indices = @transform_3, window_bounds = array<i64: 512, 64>}]} {
    %get3A = arith.constant 0 : index
    %get3A_0 = arith.constant 0 : index
    %get3A_1 = arith.constant 0 : index
    %get3A_2 = vector.load %arg3[%get3A, %get3A_0, %get3A_1] : memref<1x512x64xbf16, #tpu.memory_space<vmem>>, vector<1x512x64xbf16>
    %get3A_3 = vector.shape_cast %get3A_2 : vector<1x512x64xbf16> to vector<512x64xbf16>
    %convert_element_type3A = arith.extf %get3A_3 : vector<512x64xbf16> to vector<512x64xf32>
    %get3A_4 = arith.constant 0 : index
    %get3A_5 = arith.constant 0 : index
    %get3A_6 = arith.constant 0 : index
    %get3A_7 = vector.load %arg4[%get3A_4, %get3A_5, %get3A_6] : memref<1x64x64xf32, #tpu.memory_space<vmem>>, vector<1x64x64xf32>
    %get3A_8 = vector.shape_cast %get3A_7 : vector<1x64x64xf32> to vector<64x64xf32>
    %dot_general3A = arith.constant dense<0.000000e+00> : vector<512x64xf32>
    %dot_general3A_9 = tpu.matmul %convert_element_type3A, %get3A_8, %dot_general3A {dimension_numbers = #tpu.dot_dimension_numbers<[1], [0], [0], [1], [0, 0, 1, 1], [], []>, transpose_lhs_hint = false} : vector<512x64xf32>, vector<64x64xf32>, vector<512x64xf32> -> vector<512x64xf32>
    %eq3A = arith.constant 0 : i32
    %eq3A_10 = arith.cmpi eq, %arg1, %eq3A : i32
    %convert_element_type3A_11 = arith.extui %eq3A_10 : i1 to i32
    %cond3A = arith.constant 0 : i32
    %cond3A_12 = arith.cmpi ne, %convert_element_type3A_11, %cond3A : i32
    scf.if %cond3A_12 {
      %get3A_22 = arith.constant 0 : index
      %get3A_23 = arith.constant 0 : index
      %get3A_24 = vector.load %arg5[%get3A_22, %get3A_23] : memref<1x64xf32, #tpu.memory_space<vmem>>, vector<1x64xf32>
      %get3A_25 = vector.shape_cast %get3A_24 : vector<1x64xf32> to vector<64xf32>
      %broadcast_in_dim3A = vector.shape_cast %get3A_25 : vector<64xf32> to vector<1x64xf32>
      %add3A = vector.broadcast %broadcast_in_dim3A : vector<1x64xf32> to vector<512x64xf32>
      %add3A_26 = arith.addf %dot_general3A_9, %add3A : vector<512x64xf32>
      %convert_element_type3A_27 = arith.truncf %add3A_26 : vector<512x64xf32> to vector<512x64xbf16>
      %swap3A = arith.constant 0 : index
      %swap3A_28 = arith.constant 0 : index
      %swap3A_29 = vector.load %arg6[%swap3A, %swap3A_28] : memref<512x64xbf16, #tpu.memory_space<vmem>>, vector<512x64xbf16>
      tpu.vector_store %arg6[%swap3A, %swap3A_28], %convert_element_type3A_27 {strides = array<i32>} : memref<512x64xbf16, #tpu.memory_space<vmem>>, vector<512x64xbf16>,
    } else {
    }
    %gt3A = arith.constant 0 : i32
    %gt3A_13 = arith.cmpi sgt, %arg1, %gt3A : i32
    %convert_element_type3A_14 = arith.extui %gt3A_13 : i1 to i32
    %cond3A_15 = arith.constant 0 : i32
    %cond3A_16 = arith.cmpi ne, %convert_element_type3A_14, %cond3A_15 : i32
    scf.if %cond3A_16 {
      %get3A_22 = arith.constant 0 : index
      %get3A_23 = arith.constant 0 : index
      %get3A_24 = vector.load %arg6[%get3A_22, %get3A_23] : memref<512x64xbf16, #tpu.memory_space<vmem>>, vector<512x64xbf16>
      %convert_element_type3A_25 = arith.extf %get3A_24 : vector<512x64xbf16> to vector<512x64xf32>
      %add3A = arith.addf %convert_element_type3A_25, %dot_general3A_9 : vector<512x64xf32>
      %convert_element_type3A_26 = arith.truncf %add3A : vector<512x64xf32> to vector<512x64xbf16>
      %swap3A = arith.constant 0 : index
      %swap3A_27 = arith.constant 0 : index
      %swap3A_28 = vector.load %arg6[%swap3A, %swap3A_27] : memref<512x64xbf16, #tpu.memory_space<vmem>>, vector<512x64xbf16>
      tpu.vector_store %arg6[%swap3A, %swap3A_27], %convert_element_type3A_26 {strides = array<i32>} : memref<512x64xbf16, #tpu.memory_space<vmem>>, vector<512x64xbf16>,
    } else {
    }
    %eq3A_17 = arith.constant 26 : i32
    %eq3A_18 = arith.cmpi eq, %arg1, %eq3A_17 : i32
    %convert_element_type3A_19 = arith.extui %eq3A_18 : i1 to i32
    %cond3A_20 = arith.constant 0 : i32
    %cond3A_21 = arith.cmpi ne, %convert_element_type3A_19, %cond3A_20 : i32
    scf.if %cond3A_21 {
      %mul3A = arith.constant 512 : i32
      %mul3A_22 = arith.muli %arg0, %mul3A : i32
      %iota3A = tpu.iota {dimensions = array<i32: 0>} : vector<512x1xi32>
      %add3A = vector.broadcast %mul3A_22 : i32 to vector<512x1xi32>
      %add3A_23 = arith.addi %add3A, %iota3A : vector<512x1xi32>
      %get3A_24 = arith.constant 0 : index
      %get3A_25 = memref.load %arg2[%get3A_24] : memref<1xi32, #tpu.memory_space<smem>>
      %lt3A = vector.broadcast %get3A_25 : i32 to vector<512x1xi32>
      %lt3A_26 = arith.cmpi slt, %add3A_23, %lt3A : vector<512x1xi32>
      %get3A_27 = arith.constant 0 : index
      %get3A_28 = arith.constant 0 : index
      %get3A_29 = vector.load %arg6[%get3A_27, %get3A_28] : memref<512x64xbf16, #tpu.memory_space<vmem>>, vector<512x64xbf16>
      %max3A = arith.constant 0.000000e+00 : bf16
      %max3A_30 = vector.broadcast %max3A : bf16 to vector<512x64xbf16>
      %max3A_31 = arith.maximumf %get3A_29, %max3A_30 : vector<512x64xbf16>
      %jit3A = arith.constant 0.000000e+00 : bf16
      %broadcast_in_dim3A = vector.shape_cast %lt3A_26 : vector<512x1xi1> to vector<512x1xi1>
      %broadcast_in_dim3A_32 = vector.broadcast %broadcast_in_dim3A : vector<512x1xi1> to vector<512x64xi1>
      %broadcast_in_dim3A_33 = vector.broadcast %jit3A : bf16 to vector<512x64xbf16>
      %select_n3A = arith.select %broadcast_in_dim3A_32, %max3A_31, %broadcast_in_dim3A_33 : vector<512x64xi1>, vector<512x64xbf16>
      %swap3A = arith.constant 0 : index
      %swap3A_34 = arith.constant 0 : index
      %swap3A_35 = vector.load %arg6[%swap3A, %swap3A_34] : memref<512x64xbf16, #tpu.memory_space<vmem>>, vector<512x64xbf16>
      tpu.vector_store %arg6[%swap3A, %swap3A_34], %select_n3A {strides = array<i32>} : memref<512x64xbf16, #tpu.memory_space<vmem>>, vector<512x64xbf16>,
    } else {
    }
    return
  }
  func.func @transform_0(%arg0: i32, %arg1: i32, %arg2: memref<1xi32, #tpu.memory_space<smem>>) -> (i32, i32, i32) {
    %c0_i32 = arith.constant 0 : i32
    %c0_i32_0 = arith.constant 0 : i32
    return %arg1, %arg0, %c0_i32 : i32, i32, i32
  }
  func.func @transform_1(%arg0: i32, %arg1: i32, %arg2: memref<1xi32, #tpu.memory_space<smem>>) -> (i32, i32, i32) {
    %c0_i32 = arith.constant 0 : i32
    %c0_i32_0 = arith.constant 0 : i32
    %c0_i32_1 = arith.constant 0 : i32
    return %arg1, %c0_i32, %c0_i32_0 : i32, i32, i32
  }
  func.func @transform_2(%arg0: i32, %arg1: i32, %arg2: memref<1xi32, #tpu.memory_space<smem>>) -> (i32, i32) {
    %c0_i32 = arith.constant 0 : i32
    %c0_i32_0 = arith.constant 0 : i32
    %c0_i32_1 = arith.constant 0 : i32
    return %c0_i32, %c0_i32_0 : i32, i32
  }
  func.func @transform_3(%arg0: i32, %arg1: i32, %arg2: memref<1xi32, #tpu.memory_space<smem>>) -> (i32, i32) {
    %c0_i32 = arith.constant 0 : i32
    %c0_i32_0 = arith.constant 0 : i32
    return %arg0, %c0_i32 : i32, i32
  }
}

module attributes {stable_mosaic.version = 14 : i64} {
  func.func @body(%arg0: i32, %arg1: i32, %arg2: memref<1xi32, #tpu.memory_space<smem>>, %arg3: memref<1x512x64xbf16, #tpu.memory_space<vmem>>, %arg4: memref<1x64x32xf32, #tpu.memory_space<vmem>>, %arg5: memref<1x32xf32, #tpu.memory_space<vmem>>, %arg6: memref<512x32xf32, #tpu.memory_space<vmem>>) attributes {dimension_semantics = [#tpu.dimension_semantics<arbitrary>, #tpu.dimension_semantics<arbitrary>], iteration_bounds = array<i64: 196, 27>, scalar_prefetch = 1 : i64, scratch_operands = 0 : i64, tpu.core_type = #tpu.core_type<tc>, window_params = [{transform_indices = @transform_0, window_bounds = array<i64: 1, 512, 64>}, {transform_indices = @transform_1, window_bounds = array<i64: 1, 64, 32>}, {pipeline_mode = #tpu.pipeline_mode<synchronous>, transform_indices = @transform_2, window_bounds = array<i64: 1, 32>}, {transform_indices = @transform_3, window_bounds = array<i64: 512, 32>}]} {
    %get3A = arith.constant 0 : index
    %get3A_0 = arith.constant 0 : index
    %get3A_1 = arith.constant 0 : index
    %get3A_2 = vector.load %arg3[%get3A, %get3A_0, %get3A_1] : memref<1x512x64xbf16, #tpu.memory_space<vmem>>, vector<1x512x64xbf16>
    %get3A_3 = vector.shape_cast %get3A_2 : vector<1x512x64xbf16> to vector<512x64xbf16>
    %convert_element_type3A = arith.extf %get3A_3 : vector<512x64xbf16> to vector<512x64xf32>
    %get3A_4 = arith.constant 0 : index
    %get3A_5 = arith.constant 0 : index
    %get3A_6 = arith.constant 0 : index
    %get3A_7 = vector.load %arg4[%get3A_4, %get3A_5, %get3A_6] : memref<1x64x32xf32, #tpu.memory_space<vmem>>, vector<1x64x32xf32>
    %get3A_8 = vector.shape_cast %get3A_7 : vector<1x64x32xf32> to vector<64x32xf32>
    %dot_general3A = arith.constant dense<0.000000e+00> : vector<512x32xf32>
    %dot_general3A_9 = tpu.matmul %convert_element_type3A, %get3A_8, %dot_general3A {dimension_numbers = #tpu.dot_dimension_numbers<[1], [0], [0], [1], [0, 0, 1, 1], [], []>, transpose_lhs_hint = false} : vector<512x64xf32>, vector<64x32xf32>, vector<512x32xf32> -> vector<512x32xf32>
    %eq3A = arith.constant 0 : i32
    %eq3A_10 = arith.cmpi eq, %arg1, %eq3A : i32
    %convert_element_type3A_11 = arith.extui %eq3A_10 : i1 to i32
    %cond3A = arith.constant 0 : i32
    %cond3A_12 = arith.cmpi ne, %convert_element_type3A_11, %cond3A : i32
    scf.if %cond3A_12 {
      %get3A_17 = arith.constant 0 : index
      %get3A_18 = arith.constant 0 : index
      %get3A_19 = vector.load %arg5[%get3A_17, %get3A_18] : memref<1x32xf32, #tpu.memory_space<vmem>>, vector<1x32xf32>
      %get3A_20 = vector.shape_cast %get3A_19 : vector<1x32xf32> to vector<32xf32>
      %broadcast_in_dim3A = vector.shape_cast %get3A_20 : vector<32xf32> to vector<1x32xf32>
      %add3A = vector.broadcast %broadcast_in_dim3A : vector<1x32xf32> to vector<512x32xf32>
      %add3A_21 = arith.addf %dot_general3A_9, %add3A : vector<512x32xf32>
      %swap3A = arith.constant 0 : index
      %swap3A_22 = arith.constant 0 : index
      %swap3A_23 = vector.load %arg6[%swap3A, %swap3A_22] : memref<512x32xf32, #tpu.memory_space<vmem>>, vector<512x32xf32>
      tpu.vector_store %arg6[%swap3A, %swap3A_22], %add3A_21 {strides = array<i32>} : memref<512x32xf32, #tpu.memory_space<vmem>>, vector<512x32xf32>,
    } else {
    }
    %gt3A = arith.constant 0 : i32
    %gt3A_13 = arith.cmpi sgt, %arg1, %gt3A : i32
    %convert_element_type3A_14 = arith.extui %gt3A_13 : i1 to i32
    %cond3A_15 = arith.constant 0 : i32
    %cond3A_16 = arith.cmpi ne, %convert_element_type3A_14, %cond3A_15 : i32
    scf.if %cond3A_16 {
      %get3A_17 = arith.constant 0 : index
      %get3A_18 = arith.constant 0 : index
      %get3A_19 = vector.load %arg6[%get3A_17, %get3A_18] : memref<512x32xf32, #tpu.memory_space<vmem>>, vector<512x32xf32>
      %add3A = arith.addf %get3A_19, %dot_general3A_9 : vector<512x32xf32>
      %swap3A = arith.constant 0 : index
      %swap3A_20 = arith.constant 0 : index
      %swap3A_21 = vector.load %arg6[%swap3A, %swap3A_20] : memref<512x32xf32, #tpu.memory_space<vmem>>, vector<512x32xf32>
      tpu.vector_store %arg6[%swap3A, %swap3A_20], %add3A {strides = array<i32>} : memref<512x32xf32, #tpu.memory_space<vmem>>, vector<512x32xf32>,
    } else {
    }
    return
  }
  func.func @transform_0(%arg0: i32, %arg1: i32, %arg2: memref<1xi32, #tpu.memory_space<smem>>) -> (i32, i32, i32) {
    %c0_i32 = arith.constant 0 : i32
    %c0_i32_0 = arith.constant 0 : i32
    return %arg1, %arg0, %c0_i32 : i32, i32, i32
  }
  func.func @transform_1(%arg0: i32, %arg1: i32, %arg2: memref<1xi32, #tpu.memory_space<smem>>) -> (i32, i32, i32) {
    %c0_i32 = arith.constant 0 : i32
    %c0_i32_0 = arith.constant 0 : i32
    %c0_i32_1 = arith.constant 0 : i32
    return %arg1, %c0_i32, %c0_i32_0 : i32, i32, i32
  }
  func.func @transform_2(%arg0: i32, %arg1: i32, %arg2: memref<1xi32, #tpu.memory_space<smem>>) -> (i32, i32) {
    %c0_i32 = arith.constant 0 : i32
    %c0_i32_0 = arith.constant 0 : i32
    %c0_i32_1 = arith.constant 0 : i32
    return %c0_i32, %c0_i32_0 : i32, i32
  }
  func.func @transform_3(%arg0: i32, %arg1: i32, %arg2: memref<1xi32, #tpu.memory_space<smem>>) -> (i32, i32) {
    %c0_i32 = arith.constant 0 : i32
    %c0_i32_0 = arith.constant 0 : i32
    return %arg0, %c0_i32 : i32, i32
  }
}

</mosaic_0001>

<sc_bundles>
// kernel: kernel.11.cloned.1.call-start
scs
__scs_entry_jumppad:
0x0: {  	(pc) =	sbr.rel $0x88, $3  }
0x1: {  	(tag) =	ssettag $0x0;
	lr =	simm.s32 $0x1  }
0x2: {  	[smem:$0x3F7A] =	sst lr;
	_ =	strace $0xD0000000  }
0x3: {  	_ = 	snop  }
0x4: {  	_ = 	snop  }
0x5: {  	_ = 	snop  }
0x6: {  	_ = 	snop  }
0x7: {  	_ = 	snop  }
__scs_overlays_trampoline_lowered:
0x8: {  	[smem:$0x3F89] =	sst s0  }
0x9: {  	[smem:$0x3F8A] =	sst s1  }
0xa: {  	[smem:$0x3F8B] =	sst s2  }
0xb: {  	[smem:$0x3F8C] =	sst s3  }
0xc: {  	[smem:$0x3F8D] =	sst s4  }
0xd: {  	[smem:$0x3F8E] =	sst s5  }
0xe: {  	[smem:$0x3F8F] =	sst s6  }
0xf: {  	[smem:$0x3F90] =	sst s7  }
0x10: {  	[smem:$0x3F91] =	sst s8  }
0x11: {  	[smem:$0x3F92] =	sst s9;
	s0 =	simm.s32 @!p0 $0x0  }
0x12: {  	s1 =	sld [smem:$0x3F78];
	s0 =	simm.s32 @p0 $0x1  }
0x13: {  	[smem:$0x3F93] =	sst s0;
	s0 =	simm.s32 @!p1 $0x0  }
0x14: {  	s2 =	sld [smem:$0x3F77];
	s0 =	simm.s32 @p1 $0x1  }
0x15: {  	[smem:$0x3F94] =	sst s0;
	s0 =	simm.s32 @!p2 $0x0  }
0x16: {  	s3 =	sld [smem:$0x3FDB];
	s0 =	simm.s32 @p2 $0x1  }
0x17: {  	s4 =	simm.s32 $0x1BF5;
	[smem:$0x3F96] =	sst s0  }
0x18: {  	s0 =	sld [smem:$0x3F79];
	_ =	swait.ge [sflag:s4], $0x0  }
0x19: {  	s7 =	sld [smem:$0x3F7A]  }
0x1a: {  	s8 =	sadd.s32 $0xFFFFE003, lr  }
0x1b: {  	s9 =	sadd.s32 $0xFFFFFEF7, lr;
	s5 =	simm.s32 $0xFFFFFFFF;
	p2 =	slt.u32 s8, $0xFFFFF086  }
0x1c: {  	p1 =	slt.u32 s9, $0xF7A;
	s5 =	simm.s32 @!p2 $0x0  }
0x1d: {  	s5 =	simm.s32 @p1 $0x1;
	p0 =	seq.s32 s7, s2  }
0x1e: {  	s7 =	smul.u32 @!p0 $0xF7A, s2;
	p2 =	seq.s32 @!p0 s5, $0x0  }
0x1f: {  	s9 =	smul.u32 $0xF7A, s1;
	s8 =	simm.s32 @!p0 $0x1BF5;
	p2 =	por !p2, p0  }
0x20: {  	[sflag:s8] =	ssyncset.s32 @!p0 $0xFFFFF086;
	s6 =	sadd.s32 @!p0 s3, s7;
	s7 =	simm.s32 @!p0 $0x108  }
0x21: {  	s3 =	sadd.s32 s3, s9;
	s6 =	sadd.s32 @!p0 $0x88, s6;
	s7 =	simm.s32 @p2 $0x1082  }
0x22: {  	[simem:s7], [sflag:s8] =	dma.local @!p0 [hbm:s6], $0xF7A  }
0x23: {  	s9 =	sor.u32 $0xD0000000, s2;
	s6 =	simm.s32 $0x108;
	_ =	swait.ge @!p0 [sflag:s8], $0x0  }
0x24: {  	s3 =	sadd.s32 $0x88, s3;
	s6 =	simm.s32 @!p1 $0x1082;
	[sflag:s4] =	ssyncset.s32 $0xFFFFF086  }
0x25: {  	[simem:s6], [sflag:s4] =	dma.local [hbm:s3], $0xF7A  }
0x26: {  	[smem:$0x3F7A] =	sst s1;
	(tag) =	ssettag s2;
	_ =	strace s9  }
0x27: {  	s1 =	sld [smem:$0x3F8A]  }
0x28: {  	s2 =	sld [smem:$0x3F8B]  }
0x29: {  	s4 =	sld [smem:$0x3F8D]  }
0x2a: {  	p0 =	seq.s32 s5, $0x0;
	s5 =	sld [smem:$0x3F8E]  }
0x2b: {  	s6 =	sld [smem:$0x3F8F]  }
0x2c: {  	s7 =	sld [smem:$0x3F90]  }
0x2d: {  	s3 =	simm.s32 $0x108;
	s8 =	sld [smem:$0x3F91]  }
0x2e: {  	s3 =	simm.s32 @!p0 $0x1082;
	s9 =	sld [smem:$0x3F92]  }
0x2f: {  	lr =	sadd.s32 s0, s3;
	s0 =	sld [smem:$0x3F89]  }
0x30: {  	s3 =	sld [smem:$0x3F8C]  }
0x31: {  	[smem:$0x3F95] =	sst s10  }
0x32: {  	s10 =	sld [smem:$0x3F93];
	_ =	sdelay $0x3  }
0x33: {  	p0 =	seq.s32 s10, $0x1;
	s10 =	sld [smem:$0x3F95];
	_ =	sdelay $0x3  }
0x34: {  	[smem:$0x3F95] =	sst s10  }
0x35: {  	s10 =	sld [smem:$0x3F94];
	_ =	sdelay $0x3  }
0x36: {  	p1 =	seq.s32 s10, $0x1;
	s10 =	sld [smem:$0x3F95];
	_ =	sdelay $0x3  }
0x37: {  	[smem:$0x3F95] =	sst s10  }
0x38: {  	s10 =	sld [smem:$0x3F96]  }
0x39: {  	_ = 	snop;
	(pc) =	sbr.ind lr, $3  }
0x3a: {  	_ = 	snop  }
0x3b: {  	_ = 	snop  }
0x3c: {  	p2 =	seq.s32 s10, $0x1;
	s10 =	sld [smem:$0x3F95]  }
0x3d: {  	_ =	shalt  }
0x3e: {  	_ =	shalt  }
0x3f: {  	_ =	shalt  }
0x40: {  	_ =	shalt  }
0x41: {  	_ =	shalt  }
0x42: {  	_ =	shalt  }
0x43: {  	_ =	shalt  }
0x44: {  	_ =	shalt  }
0x45: {  	_ =	shalt  }
0x46: {  	_ =	shalt  }
0x47: {  	_ =	shalt  }
0x48: {  	_ =	shalt  }
0x49: {  	_ =	shalt  }
0x4a: {  	_ =	shalt  }
0x4b: {  	_ =	shalt  }
0x4c: {  	_ =	shalt  }
0x4d: {  	_ =	shalt  }
0x4e: {  	_ =	shalt  }
0x4f: {  	_ =	shalt  }
0x50: {  	_ =	shalt  }
0x51: {  	_ =	shalt  }
0x52: {  	_ =	shalt  }
0x53: {  	_ =	shalt  }
0x54: {  	_ =	shalt  }
0x55: {  	_ =	shalt  }
0x56: {  	_ =	shalt  }
0x57: {  	_ =	shalt  }
0x58: {  	_ =	shalt  }
0x59: {  	_ =	shalt  }
0x5a: {  	_ =	shalt  }
0x5b: {  	_ =	shalt  }
0x5c: {  	_ =	shalt  }
0x5d: {  	_ =	shalt  }
0x5e: {  	_ =	shalt  }
0x5f: {  	_ =	shalt  }
0x60: {  	_ =	shalt  }
0x61: {  	_ =	shalt  }
0x62: {  	_ =	shalt  }
0x63: {  	_ =	shalt  }
0x64: {  	_ =	shalt  }
0x65: {  	_ =	shalt  }
0x66: {  	_ =	shalt  }
0x67: {  	_ =	shalt  }
0x68: {  	_ =	shalt  }
0x69: {  	_ =	shalt  }
0x6a: {  	_ =	shalt  }
0x6b: {  	_ =	shalt  }
0x6c: {  	_ =	shalt  }
0x6d: {  	_ =	shalt  }
0x6e: {  	_ =	shalt  }
0x6f: {  	_ =	shalt  }
0x70: {  	_ =	shalt  }
0x71: {  	_ =	shalt  }
0x72: {  	_ =	shalt  }
0x73: {  	_ =	shalt  }
0x74: {  	_ =	shalt  }
0x75: {  	_ =	shalt  }
0x76: {  	_ =	shalt  }
0x77: {  	_ =	shalt  }
0x78: {  	_ =	shalt  }
0x79: {  	_ =	shalt  }
0x7a: {  	_ =	shalt  }
0x7b: {  	_ =	shalt  }
0x7c: {  	_ =	shalt  }
0x7d: {  	_ =	shalt  }
0x7e: {  	_ =	shalt  }
0x7f: {  	_ =	shalt  }
0x80: {  	_ =	shalt  }
0x81: {  	_ =	shalt  }
0x82: {  	_ =	shalt  }
0x83: {  	_ =	shalt  }
0x84: {  	_ =	shalt  }
0x85: {  	_ =	shalt  }
0x86: {  	_ =	shalt  }
0x87: {  	_ =	shalt  }
.Lfunc_end0:
.L_simem_size_0:
called_computation.1_lowered:
.L_overlay_start_0:
0x88: {  	s2 =	sld [smem:$0x3FD9]  }
0x89: {  	s3 =	sld [smem:$0x3FFE];
	_ =	sdelay $0x1  }
0x8a: {  	s1 =	srdreg.scid  }
0x8b: {  	s0 =	sand.u32 $0x1, s1  }
0x8c: {  	s16 =	sshll.u32 s0, $0xA;
	s2 =	sadd.s32 s3, s2  }
0x8d: {  	s2 =	sadd.s32 s2, s16  }
0x8e: {  	[smem:$0x3FA1] =	sst s2  }
0x8f: {  	_ = 	snop  }
0x90: {  	(tm) =	ssettm $0x1  }
0x91: {  	s17 =	sld [smem:$0x3FFB];
	_ =	sdelay $0x3  }
0x92: {  	_ =	strace s17  }
0x93: {  	s2 =	sld [smem:$0x3FFC];
	_ =	sdelay $0x3  }
0x94: {  	_ =	strace s2  }
0x95: {  	s2 =	sld [smem:$0x3FFD];
	_ =	sdelay $0x3  }
0x96: {  	_ =	strace s2  }
0x97: {  	_ =	strace $0x8FFFFFFF  }
0x98: {  	s18 =	sld [smem:$0x3FDB];
	_ =	sdelay $0x1  }
0x99: {  	s19 =	simm.s32 $_scs_section_size  }
0x9a: {  	s4 =	simm.s32 $_size__tile_overlayer_lowered;
	s5 =	simm.s32 $_tile_overlayer_lowered  }
0x9b: {  	s22 =	simm.s32 $0x1BFF;
	s21 =	sshll.u32 s5, $0x1;
	s2 =	sadd.s32 s19, s18  }
0x9c: {  	s6 =	simm.s32 $0x0;
	s20 =	sshll.u32 s4, $0x1;
	s4 =	sadd.s32 s21, s2  }
0x9d: {  	[timem:s6], [sflag:s22] =	dma.local [hbm:s4], s20  }
0x9e: {  	_ =	swait.ge [sflag:s22], s20  }
0x9f: {  	s3 =	ssub.s32 $0x0, s20;
	[sflag:s22] =	ssyncset.done $0x0  }
0xa0: {  	[sflag:s22] =	ssyncadd.s32 s3;
	_ =	sdelay $0x1  }
0xa1: {  	s23 =	simm.s32 $0x1B8B  }
0xa2: {  	_ =	swait.ge [sflag:s23], $0x1  }
0xa3: {  	[sflag:s23] =	ssyncset.done $0x0  }
0xa4: {  	s25 =	simm.s32 $0x1B8E;
	s24 =	sld [smem:$0x3FFE];
	[sflag:s23] =	ssyncadd.s32 $0xFFFFFFFF  }
0xa5: {  	s26 =	simm.s32 $execute0_lowered;
	[smem:$0x3FD2] =	sst s25  }
0xa6: {  	s4 =	sshll.u32 s26, $0x1;
	_ =	strace $0x80000049;
	[dreg:$0x1] =	wrdreg $0xFFFFFFFF  }
0xa7: {  	s28 =	simm.s32 $_size_execute0_lowered;
	s2 =	sadd.s32 s2, s4;
	[dreg:$0x0] =	wrdreg $0x0  }
0xa8: {  	s4 =	sshll.u32 s28, $0x1;
	[dreg:$0x2] =	wrdreg s2  }
0xa9: {  	[dreg:$0x3] =	wrdreg s4  }
0xaa: {  	[dreg:$0x4] =	wrdreg $0xC0  }
0xab: {  	_ =	task [dreg:s6], $0x5FFFF  }
0xac: {  	[dreg:$0x1] =	wrdreg $0xFFFFFFFF  }
0xad: {  	[dreg:$0x0] =	wrdreg $0x60  }
0xae: {  	[dreg:$0x2] =	wrdreg s24  }
0xaf: {  	[dreg:$0x3] =	wrdreg $0x9  }
0xb0: {  	_ =	task.clear_ibuf [dreg:s6], $0x4FFFF;
	_ =	strace $0x90000049  }
0xb1: {  	s29 =	simm.s32 $0x9;
	_ =	strace $0x8000004B  }
0xb2: {  	_ =	swait.ge [sflag:s29], $0x1  }
0xb3: {  	[sflag:s29] =	ssyncadd.s32 $0xFFFFFFFF  }
0xb4: {  	_ =	strace $0x9000004B  }
0xb5: {  	_ =	sfence  }
0xb6: {  	s30 =	sld [smem:$0x0];
	_ =	sdelay $0x2  }
0xb7: {  	s31 =	sshll.u32 s1, $0xD;
	s1 =	sshrl.u32 s1, $0x2  }
0xb8: {  	s3 =	sand.u32 $0x4000, s31;
	s1 =	sadd.s32 s1, s30  }
0xb9: {  	s0 =	sor.u32 s3, s0;
	s1 =	sshll.u32 s1, $0x11  }
0xba: {  	s0 =	sor.u32 s1, s0  }
0xbb: {  	s0 =	sadd.s32 $0x8F2B, s0  }
0xbc: {  	[sflag:s0] =	ssyncadd.remote.s32 $0x1  }
0xbd: {  	_ =	sfence.sel $0xFFFF  }
0xbe: {  	[dreg:$0x0] =	wrdreg $0xFFFFFFFF;
	(pc) =	sbr.abs _section_cstart, $3  }
0xbf: {  	[dreg:$0x1] =	wrdreg $0xFFFFFFFF  }
0xc0: {  	_ =	task.clear_ibuf [dreg:s6], $0x2FFFF;
	_ =	strace $0x9FFFFFFF  }
0xc1: {  	(tm) =	ssettm $0x7FFFFFFF  }
tec
execute0_lowered:
.L_overlay_start_1:
0x0: {  	(tag) =	ssettag $0x1  }
0x1: {  	s4 =	rddreg [dreg:$0x0]  }
0x2: {  	s2 =	simm.s32 $0x0;
	s3 =	srdreg.scid;
	s1 =	stileid.u32  }
0x3: {  	s12 =	simm.s32 $0x5;
	s13 =	simm.s32 $0x80;
	s14 =	simm.s32 $0x4400  }
0x4: {  	s15 =	simm.s32 $0x280;
	s16 =	simm.s32 $0x5400;
	s17 =	simm.s32 $0x300  }
0x5: {  	s18 =	simm.s32 $0x6400;
	s19 =	simm.s32 $0x380;
	s20 =	simm.s32 $0x7400  }
0x6: {  	s21 =	simm.s32 $0x1;
	s22 =	simm.s32 $0x400;
	s23 =	simm.s32 $0x0  }
0x7: {  	[smem:$0x7FF] =	sst s2;
	s7 =	sand.u32 $0x1, s3;
	s5 =	sshll.u32 s1, $0x7  }
0x8: {  	s3 =	sadd.s32 $0x2000, s4;
	s31 =	sshll.u32 s1, $0xC;
	_ =	strace $0x8000004A  }
0x9: {  	s6 =	ssub.s32 $0x2, s7;
	s8 =	sadd.s32 s5, s4;
	s4 =	sadd.s32 $0xBD200, s4  }
.Ltmp0:
0xa: {  	s5 =	sshll.u32 s1, $0x1;
	s10 =	sshll.u32 s7, $0x6;
	(pc) =	sbr.rel .LBB2_1-.Ltmp0, $4  }
0xb: {  	s11 =	sshll.u32 s7, $0xB;
	s30 =	sshrl.u32 s6, $0x1;
	s9 =	sor.u32 s7, s5  }
0xc: {  	s8 =	sadd.s32 s10, s8;
	s10 =	sor.u32 s11, s31;
	s11 =	simm.s32 $0x200  }
0xd: {  	s6 =	ssub.s32 s6, s30;
	s7 =	sor.u32 $0x20, s9;
	s8 =	sadd.s32 $0x6AC00, s8  }
0xe: {  	s9 =	sadd.s32 s10, s4;
	s10 =	sor.u32 $0xFFF0000, s10;
	s6 =	smax.u32 s6, $0x1  }
.LBB2_7:
0xf: {  	s23 =	sadd.s32 $0x1, s23  }
0x10: {  	p0 =	sne.s32 s23, s6  }
.Ltmp1:
0x11: {  	_ = 	snop;
	(pc) =	sbr.rel @!p0 .LBB2_8-.Ltmp1, $1  }
0x12: {  	_ =	sdelay $0x3  }
.LBB2_1:
.Ltmp2:
0x13: {  	(pc) =	sbr.rel .LBB2_2-.Ltmp2, $3  }
0x14: {  	_ =	sdelay $0x1  }
0x15: {  	s24 =	smov.u32 s10  }
0x16: {  	s25 =	smov.u32 s9;
	s26 =	smov.u32 s8;
	s28 =	simm.s32 $0x0  }
.LBB2_3:
0x17: {  	[tilespmem:s11], [sflag:$0x5] =	stream.linear.gather [hbm4b:s26+s2], $0x200, $0x38;
	[tilespmem:$0x8400] =	vst v63  }
0x18: {  	_ =	swait.ge [sflag:s12], $0x200  }
0x19: {  	[sflag:s12] =	ssyncset.done $0x0  }
0x1a: {  	[sflag:s12] =	ssyncadd.s32 $0xFFFFFE00  }
0x1b: {  	[tilespmem:s14], [sflag:$0x2] =	stream.indirect.gather [hbm4b:s3+s13], $0x20, s11, s13, $0xb8;
	[tilespmem:$0x8400] =	vst v63  }
0x1c: {  	_ = 	snop  }
0x1d: {  	[tilespmem:s16], [sflag:$0x2] =	stream.indirect.gather [hbm4b:s3+s13], $0x20, s15, s13, $0xb8;
	[tilespmem:$0x8400] =	vst v63  }
0x1e: {  	_ = 	snop  }
0x1f: {  	[tilespmem:s18], [sflag:$0x2] =	stream.indirect.gather [hbm4b:s3+s13], $0x20, s17, s13, $0xb8;
	[tilespmem:$0x8400] =	vst v63  }
0x20: {  	_ = 	snop  }
0x21: {  	[tilespmem:s20], [sflag:$0x2] =	stream.indirect.gather [hbm4b:s3+s13], $0x20, s19, s13, $0xb8;
	[tilespmem:$0x8400] =	vst v63  }
.LBB2_5:
0x22: {  	_ =	swait.ge [sflag:s21], $0x4000  }
0x23: {  	[sflag:s21] =	ssyncset.done $0x0  }
0x24: {  	[sflag:s21] =	ssyncadd.s32 $0xFFFFC000  }
0x25: {  	[hbm4b:s25+s2] =	stream.linear.scatter [tilespmem:s22], [sflag:$0x3], $0x4000, $0x38;
	[tilespmem:$0x8400] =	vst v63  }
.LBB2_6:
0x26: {  	s28 =	sadd.s32 $0x40, s28  }
0x27: {  	p0 =	sne.s32 s28, $0x1500  }
.Ltmp3:
0x28: {  	_ = 	snop;
	(pc) =	sbr.rel @!p0 .LBB2_7-.Ltmp3, $2  }
0x29: {  	_ =	sdelay $0x2  }
0x2a: {  	s26 =	sadd.s32 $0x1000, s26;
	s25 =	sadd.s32 $0x20000, s25;
	s24 =	sadd.s32 $0x20000, s24  }
.LBB2_2:
0x2b: {  	p0 =	seq.s32 s28, $0x0  }
0x2c: {  	s29 =	simm.s32 @!p0 $0x3  }
0x2d: {  	s30 =	sadd.s32 s28, s5;
	_ =	swait.ge @!p0 [sflag:s29], $0x4000  }
0x2e: {  	p1 =	sgt.u32 s30, $0x14AB;
	[sflag:s29] =	ssyncset.done @!p0 $0x0  }
0x2f: {  	s31 =	simm.s32 @!p1 $0x0;
	[sflag:s29] =	ssyncadd.s32 @!p0 $0xFFFFC000;
	s29 =	sadd.s32 @!p1 $0xFFFFF800, s26  }
0x30: {  	[tilespmem:s31], [sflag:$0x5] =	stream.linear.gather @!p1 [hbm4b:s29+s31], $0x200, $0x38;
	[tilespmem:$0x8400] =	vst v63  }
0x31: {  	s29 =	simm.s32 @!p1 $0x5  }
0x32: {  	_ =	swait.ge @!p1 [sflag:s29], $0x200  }
0x33: {  	[sflag:s29] =	ssyncset.done @!p1 $0x0  }
0x34: {  	s0 =	simm.s32 @!p1 $0x400;
	[sflag:s29] =	ssyncadd.s32 @!p1 $0xFFFFFE00;
	s29 =	simm.s32 @!p1 $0x80  }
0x35: {  	[tilespmem:s0], [sflag:$0x1] =	stream.indirect.gather @!p1 [hbm4b:s3+s29], $0x20, s31, s29, $0xb8;
	[tilespmem:$0x8400] =	vst v63  }
0x36: {  	s0 =	simm.s32 @!p1 $0x1400  }
0x37: {  	[tilespmem:s0], [sflag:$0x1] =	stream.indirect.gather @!p1 [hbm4b:s3+s29], $0x20, s29, s29, $0xb8;
	[tilespmem:$0x8400] =	vst v63  }
0x38: {  	s31 =	simm.s32 @!p1 $0x2400;
	s0 =	simm.s32 @!p1 $0x100  }
0x39: {  	[tilespmem:s31], [sflag:$0x1] =	stream.indirect.gather @!p1 [hbm4b:s3+s29], $0x20, s0, s29, $0xb8;
	[tilespmem:$0x8400] =	vst v63  }
0x3a: {  	s0 =	simm.s32 @!p1 $0x180;
	s31 =	simm.s32 @!p1 $0x3400  }
0x3b: {  	[tilespmem:s31], [sflag:$0x1] =	stream.indirect.gather @!p1 [hbm4b:s3+s29], $0x20, s0, s29, $0xb8;
	[tilespmem:$0x8400] =	vst v63  }
0x3c: {  	p1 =	sgt.u32 @!p0 s30, $0x14CB  }
0x3d: {  	p1 =	por p1, p0  }
0x3e: {  	s0 =	simm.s32 @!p1 $0x2  }
0x3f: {  	_ =	swait.ge @!p1 [sflag:s0], $0x4000  }
0x40: {  	[sflag:s0] =	ssyncset.done @!p1 $0x0  }
0x41: {  	[sflag:s0] =	ssyncadd.s32 @!p1 $0xFFFFC000;
	s0 =	sand.u32 @!p1 $0xFFFF800, s24  }
0x42: {  	s29 =	simm.s32 @!p1 $0x0;
	s30 =	simm.s32 @!p1 $0x4400;
	s0 =	sadd.s32 @!p1 s4, s0  }
0x43: {  	[hbm4b:s0+s29] =	stream.linear.scatter @!p1 [tilespmem:s30], [sflag:$0x4], $0x4000, $0x38;
	[tilespmem:$0x8400] =	vst v63  }
0x44: {  	s29 =	sadd.s32 s28, s7  }
0x45: {  	p1 =	sgt.u32 @!p0 s29, $0x14EB  }
0x46: {  	p0 =	por p1, p0;
	p1 =	sgt.u32 s29, $0x14AB  }
.Ltmp4:
0x47: {  	_ = 	snop;
	(pc) =	sbr.rel @!p1 .LBB2_3-.Ltmp4, $4  }
0x48: {  	s0 =	simm.s32 @!p0 $0x4  }
0x49: {  	_ =	swait.ge @!p0 [sflag:s0], $0x4000  }
0x4a: {  	[sflag:s0] =	ssyncset.done @!p0 $0x0  }
0x4b: {  	[sflag:s0] =	ssyncadd.s32 @!p0 $0xFFFFC000  }
0x4c: {  	p0 =	sgt.u32 s29, $0x14CB  }
.Ltmp5:
0x4d: {  	_ = 	snop;
	(pc) =	sbr.rel @p0 .LBB2_6-.Ltmp5, $4  }
.Ltmp6:
0x4e: {  	_ = 	snop;
	(pc) =	sbr.rel @!p0 .LBB2_5-.Ltmp6, $4  }
0x4f: {  	_ = 	snop  }
0x50: {  	_ = 	snop  }
0x51: {  	_ = 	snop  }
0x52: {  	_ = 	snop  }
.LBB2_8:
0x53: {  	_ =	sfence.sel $0x180000  }
0x54: {  	[bflag:$0x0] =	sbarrier.arrive $0xFFFF  }
0x55: {  	_ =	strace $0x9000004A  }
0x56: {  	[bflag:$0x2] =	sbarrier.arrive $0xFFFF  }
0x57: {  	p0 =	sne.s32 s1, $0x0;
	s0 =	rddreg [dreg:$0x1]  }
0x58: {  	s0 =	sadd.s32 @!p0 $0x100000, s0  }
0x59: {  	[sflag:s0] =	ssyncadd.tile.s32 @!p0 $0x1;
	_ =	shalt  }
.Lfunc_end2:
_tile_overlayer_lowered:
.L_overlay_start_2:
0x5a: {  	(tag) =	ssettag $0x2  }
0x5b: {  	s0 =	rddreg [dreg:$0x0];
	s2 =	stileid.u32  }
0x5c: {  	s1 =	rddreg [dreg:$0x1];
	p0 =	sne.s32 s2, $0x0  }
0x5d: {  	s3 =	rddreg [dreg:$0x2];
	[bflag:$0x3] =	sbarrier.arrive $0xFFFF;
	s2 =	simm.s32 @!p0 $0x1C05  }
0x5e: {  	[timem:s3], [sflag:s2] =	dma.local @!p0 [hbm:s0], s1  }
0x5f: {  	s0 =	simm.s32 @!p0 $0x5  }
0x60: {  	_ =	swait.ge @!p0 [sflag:s0], s1  }
0x61: {  	s1 =	ssub.s32 @!p0 $0x0, s1;
	[sflag:s0] =	ssyncset.done @!p0 $0x0  }
0x62: {  	[sflag:s0] =	ssyncadd.s32 @!p0 s1  }
0x63: {  	[bflag:$0x3] =	sbarrier.arrive $0xFFFF  }
0x64: {  	_ =	shalt  }

// kernel: kernel.14.cloned.1.call-start
scs
__scs_entry_jumppad:
0x0: {  	(pc) =	sbr.rel $0x88, $3  }
0x1: {  	(tag) =	ssettag $0x0;
	lr =	simm.s32 $0x1  }
0x2: {  	[smem:$0x3F7A] =	sst lr;
	_ =	strace $0xD0000000  }
0x3: {  	_ = 	snop  }
0x4: {  	_ = 	snop  }
0x5: {  	_ = 	snop  }
0x6: {  	_ = 	snop  }
0x7: {  	_ = 	snop  }
__scs_overlays_trampoline_lowered:
0x8: {  	[smem:$0x3F89] =	sst s0  }
0x9: {  	[smem:$0x3F8A] =	sst s1  }
0xa: {  	[smem:$0x3F8B] =	sst s2  }
0xb: {  	[smem:$0x3F8C] =	sst s3  }
0xc: {  	[smem:$0x3F8D] =	sst s4  }
0xd: {  	[smem:$0x3F8E] =	sst s5  }
0xe: {  	[smem:$0x3F8F] =	sst s6  }
0xf: {  	[smem:$0x3F90] =	sst s7  }
0x10: {  	[smem:$0x3F91] =	sst s8  }
0x11: {  	[smem:$0x3F92] =	sst s9;
	s0 =	simm.s32 @!p0 $0x0  }
0x12: {  	s1 =	sld [smem:$0x3F78];
	s0 =	simm.s32 @p0 $0x1  }
0x13: {  	[smem:$0x3F93] =	sst s0;
	s0 =	simm.s32 @!p1 $0x0  }
0x14: {  	s2 =	sld [smem:$0x3F77];
	s0 =	simm.s32 @p1 $0x1  }
0x15: {  	[smem:$0x3F94] =	sst s0;
	s0 =	simm.s32 @!p2 $0x0  }
0x16: {  	s3 =	sld [smem:$0x3FDB];
	s0 =	simm.s32 @p2 $0x1  }
0x17: {  	s4 =	simm.s32 $0x1BF5;
	[smem:$0x3F96] =	sst s0  }
0x18: {  	s0 =	sld [smem:$0x3F79];
	_ =	swait.ge [sflag:s4], $0x0  }
0x19: {  	s7 =	sld [smem:$0x3F7A]  }
0x1a: {  	s8 =	sadd.s32 $0xFFFFE003, lr  }
0x1b: {  	s9 =	sadd.s32 $0xFFFFFEF7, lr;
	s5 =	simm.s32 $0xFFFFFFFF;
	p2 =	slt.u32 s8, $0xFFFFF086  }
0x1c: {  	p1 =	slt.u32 s9, $0xF7A;
	s5 =	simm.s32 @!p2 $0x0  }
0x1d: {  	s5 =	simm.s32 @p1 $0x1;
	p0 =	seq.s32 s7, s2  }
0x1e: {  	s7 =	smul.u32 @!p0 $0xF7A, s2;
	p2 =	seq.s32 @!p0 s5, $0x0  }
0x1f: {  	s9 =	smul.u32 $0xF7A, s1;
	s8 =	simm.s32 @!p0 $0x1BF5;
	p2 =	por !p2, p0  }
0x20: {  	[sflag:s8] =	ssyncset.s32 @!p0 $0xFFFFF086;
	s6 =	sadd.s32 @!p0 s3, s7;
	s7 =	simm.s32 @!p0 $0x108  }
0x21: {  	s3 =	sadd.s32 s3, s9;
	s6 =	sadd.s32 @!p0 $0x88, s6;
	s7 =	simm.s32 @p2 $0x1082  }
0x22: {  	[simem:s7], [sflag:s8] =	dma.local @!p0 [hbm:s6], $0xF7A  }
0x23: {  	s9 =	sor.u32 $0xD0000000, s2;
	s6 =	simm.s32 $0x108;
	_ =	swait.ge @!p0 [sflag:s8], $0x0  }
0x24: {  	s3 =	sadd.s32 $0x88, s3;
	s6 =	simm.s32 @!p1 $0x1082;
	[sflag:s4] =	ssyncset.s32 $0xFFFFF086  }
0x25: {  	[simem:s6], [sflag:s4] =	dma.local [hbm:s3], $0xF7A  }
0x26: {  	[smem:$0x3F7A] =	sst s1;
	(tag) =	ssettag s2;
	_ =	strace s9  }
0x27: {  	s1 =	sld [smem:$0x3F8A]  }
0x28: {  	s2 =	sld [smem:$0x3F8B]  }
0x29: {  	s4 =	sld [smem:$0x3F8D]  }
0x2a: {  	p0 =	seq.s32 s5, $0x0;
	s5 =	sld [smem:$0x3F8E]  }
0x2b: {  	s6 =	sld [smem:$0x3F8F]  }
0x2c: {  	s7 =	sld [smem:$0x3F90]  }
0x2d: {  	s3 =	simm.s32 $0x108;
	s8 =	sld [smem:$0x3F91]  }
0x2e: {  	s3 =	simm.s32 @!p0 $0x1082;
	s9 =	sld [smem:$0x3F92]  }
0x2f: {  	lr =	sadd.s32 s0, s3;
	s0 =	sld [smem:$0x3F89]  }
0x30: {  	s3 =	sld [smem:$0x3F8C]  }
0x31: {  	[smem:$0x3F95] =	sst s10  }
0x32: {  	s10 =	sld [smem:$0x3F93];
	_ =	sdelay $0x3  }
0x33: {  	p0 =	seq.s32 s10, $0x1;
	s10 =	sld [smem:$0x3F95];
	_ =	sdelay $0x3  }
0x34: {  	[smem:$0x3F95] =	sst s10  }
0x35: {  	s10 =	sld [smem:$0x3F94];
	_ =	sdelay $0x3  }
0x36: {  	p1 =	seq.s32 s10, $0x1;
	s10 =	sld [smem:$0x3F95];
	_ =	sdelay $0x3  }
0x37: {  	[smem:$0x3F95] =	sst s10  }
0x38: {  	s10 =	sld [smem:$0x3F96]  }
0x39: {  	_ = 	snop;
	(pc) =	sbr.ind lr, $3  }
0x3a: {  	_ = 	snop  }
0x3b: {  	_ = 	snop  }
0x3c: {  	p2 =	seq.s32 s10, $0x1;
	s10 =	sld [smem:$0x3F95]  }
0x3d: {  	_ =	shalt  }
0x3e: {  	_ =	shalt  }
0x3f: {  	_ =	shalt  }
0x40: {  	_ =	shalt  }
0x41: {  	_ =	shalt  }
0x42: {  	_ =	shalt  }
0x43: {  	_ =	shalt  }
0x44: {  	_ =	shalt  }
0x45: {  	_ =	shalt  }
0x46: {  	_ =	shalt  }
0x47: {  	_ =	shalt  }
0x48: {  	_ =	shalt  }
0x49: {  	_ =	shalt  }
0x4a: {  	_ =	shalt  }
0x4b: {  	_ =	shalt  }
0x4c: {  	_ =	shalt  }
0x4d: {  	_ =	shalt  }
0x4e: {  	_ =	shalt  }
0x4f: {  	_ =	shalt  }
0x50: {  	_ =	shalt  }
0x51: {  	_ =	shalt  }
0x52: {  	_ =	shalt  }
0x53: {  	_ =	shalt  }
0x54: {  	_ =	shalt  }
0x55: {  	_ =	shalt  }
0x56: {  	_ =	shalt  }
0x57: {  	_ =	shalt  }
0x58: {  	_ =	shalt  }
0x59: {  	_ =	shalt  }
0x5a: {  	_ =	shalt  }
0x5b: {  	_ =	shalt  }
0x5c: {  	_ =	shalt  }
0x5d: {  	_ =	shalt  }
0x5e: {  	_ =	shalt  }
0x5f: {  	_ =	shalt  }
0x60: {  	_ =	shalt  }
0x61: {  	_ =	shalt  }
0x62: {  	_ =	shalt  }
0x63: {  	_ =	shalt  }
0x64: {  	_ =	shalt  }
0x65: {  	_ =	shalt  }
0x66: {  	_ =	shalt  }
0x67: {  	_ =	shalt  }
0x68: {  	_ =	shalt  }
0x69: {  	_ =	shalt  }
0x6a: {  	_ =	shalt  }
0x6b: {  	_ =	shalt  }
0x6c: {  	_ =	shalt  }
0x6d: {  	_ =	shalt  }
0x6e: {  	_ =	shalt  }
0x6f: {  	_ =	shalt  }
0x70: {  	_ =	shalt  }
0x71: {  	_ =	shalt  }
0x72: {  	_ =	shalt  }
0x73: {  	_ =	shalt  }
0x74: {  	_ =	shalt  }
0x75: {  	_ =	shalt  }
0x76: {  	_ =	shalt  }
0x77: {  	_ =	shalt  }
0x78: {  	_ =	shalt  }
0x79: {  	_ =	shalt  }
0x7a: {  	_ =	shalt  }
0x7b: {  	_ =	shalt  }
0x7c: {  	_ =	shalt  }
0x7d: {  	_ =	shalt  }
0x7e: {  	_ =	shalt  }
0x7f: {  	_ =	shalt  }
0x80: {  	_ =	shalt  }
0x81: {  	_ =	shalt  }
0x82: {  	_ =	shalt  }
0x83: {  	_ =	shalt  }
0x84: {  	_ =	shalt  }
0x85: {  	_ =	shalt  }
0x86: {  	_ =	shalt  }
0x87: {  	_ =	shalt  }
.Lfunc_end0:
.L_simem_size_0:
called_computation.2_lowered:
.L_overlay_start_0:
0x88: {  	s2 =	sld [smem:$0x3FD9]  }
0x89: {  	s3 =	sld [smem:$0x3FFE];
	_ =	sdelay $0x1  }
0x8a: {  	s1 =	srdreg.scid  }
0x8b: {  	s0 =	sand.u32 $0x1, s1  }
0x8c: {  	s16 =	sshll.u32 s0, $0xA;
	s2 =	sadd.s32 s3, s2  }
0x8d: {  	s2 =	sadd.s32 s2, s16  }
0x8e: {  	[smem:$0x3FA1] =	sst s2  }
0x8f: {  	_ = 	snop  }
0x90: {  	(tm) =	ssettm $0x1  }
0x91: {  	s17 =	sld [smem:$0x3FFB];
	_ =	sdelay $0x3  }
0x92: {  	_ =	strace s17  }
0x93: {  	s2 =	sld [smem:$0x3FFC];
	_ =	sdelay $0x3  }
0x94: {  	_ =	strace s2  }
0x95: {  	s2 =	sld [smem:$0x3FFD];
	_ =	sdelay $0x3  }
0x96: {  	_ =	strace s2  }
0x97: {  	_ =	strace $0x8FFFFFFF  }
0x98: {  	s18 =	sld [smem:$0x3FDB];
	_ =	sdelay $0x1  }
0x99: {  	s19 =	simm.s32 $_scs_section_size  }
0x9a: {  	s4 =	simm.s32 $_size__tile_overlayer_lowered;
	s5 =	simm.s32 $_tile_overlayer_lowered  }
0x9b: {  	s22 =	simm.s32 $0x1BFF;
	s21 =	sshll.u32 s5, $0x1;
	s2 =	sadd.s32 s19, s18  }
0x9c: {  	s6 =	simm.s32 $0x0;
	s20 =	sshll.u32 s4, $0x1;
	s4 =	sadd.s32 s21, s2  }
0x9d: {  	[timem:s6], [sflag:s22] =	dma.local [hbm:s4], s20  }
0x9e: {  	_ =	swait.ge [sflag:s22], s20  }
0x9f: {  	s3 =	ssub.s32 $0x0, s20;
	[sflag:s22] =	ssyncset.done $0x0  }
0xa0: {  	[sflag:s22] =	ssyncadd.s32 s3;
	_ =	sdelay $0x1  }
0xa1: {  	s23 =	simm.s32 $0x1B8B  }
0xa2: {  	_ =	swait.ge [sflag:s23], $0x1  }
0xa3: {  	[sflag:s23] =	ssyncset.done $0x0  }
0xa4: {  	s25 =	simm.s32 $0x1B8E;
	s24 =	sld [smem:$0x3FFE];
	[sflag:s23] =	ssyncadd.s32 $0xFFFFFFFF  }
0xa5: {  	s26 =	simm.s32 $execute0_lowered;
	[smem:$0x3FD2] =	sst s25  }
0xa6: {  	s4 =	sshll.u32 s26, $0x1;
	_ =	strace $0x8000004C;
	[dreg:$0x1] =	wrdreg $0xFFFFFFFF  }
0xa7: {  	s28 =	simm.s32 $_size_execute0_lowered;
	s2 =	sadd.s32 s2, s4;
	[dreg:$0x0] =	wrdreg $0x0  }
0xa8: {  	s4 =	sshll.u32 s28, $0x1;
	[dreg:$0x2] =	wrdreg s2  }
0xa9: {  	[dreg:$0x3] =	wrdreg s4  }
0xaa: {  	[dreg:$0x4] =	wrdreg $0xC0  }
0xab: {  	_ =	task [dreg:s6], $0x5FFFF  }
0xac: {  	[dreg:$0x1] =	wrdreg $0xFFFFFFFF  }
0xad: {  	[dreg:$0x0] =	wrdreg $0x60  }
0xae: {  	[dreg:$0x2] =	wrdreg s24  }
0xaf: {  	[dreg:$0x3] =	wrdreg $0x9  }
0xb0: {  	_ =	task.clear_ibuf [dreg:s6], $0x4FFFF;
	_ =	strace $0x9000004C  }
0xb1: {  	s29 =	simm.s32 $0x9;
	_ =	strace $0x8000004E  }
0xb2: {  	_ =	swait.ge [sflag:s29], $0x1  }
0xb3: {  	[sflag:s29] =	ssyncadd.s32 $0xFFFFFFFF  }
0xb4: {  	_ =	strace $0x9000004E  }
0xb5: {  	_ =	sfence  }
0xb6: {  	s30 =	sld [smem:$0x0];
	_ =	sdelay $0x2  }
0xb7: {  	s31 =	sshll.u32 s1, $0xD;
	s1 =	sshrl.u32 s1, $0x2  }
0xb8: {  	s3 =	sand.u32 $0x4000, s31;
	s1 =	sadd.s32 s1, s30  }
0xb9: {  	s0 =	sor.u32 s3, s0;
	s1 =	sshll.u32 s1, $0x11  }
0xba: {  	s0 =	sor.u32 s1, s0  }
0xbb: {  	s0 =	sadd.s32 $0x8F2B, s0  }
0xbc: {  	[sflag:s0] =	ssyncadd.remote.s32 $0x1  }
0xbd: {  	_ =	sfence.sel $0xFFFF  }
0xbe: {  	[dreg:$0x0] =	wrdreg $0xFFFFFFFF;
	(pc) =	sbr.abs _section_cstart, $3  }
0xbf: {  	[dreg:$0x1] =	wrdreg $0xFFFFFFFF  }
0xc0: {  	_ =	task.clear_ibuf [dreg:s6], $0x2FFFF;
	_ =	strace $0x9FFFFFFF  }
0xc1: {  	(tm) =	ssettm $0x7FFFFFFF  }
tec
execute0_lowered:
.L_overlay_start_1:
0x0: {  	(tag) =	ssettag $0x1  }
0x1: {  	s4 =	rddreg [dreg:$0x0]  }
0x2: {  	s2 =	simm.s32 $0x0;
	s3 =	srdreg.scid;
	s1 =	stileid.u32  }
0x3: {  	s12 =	simm.s32 $0x5;
	s13 =	simm.s32 $0x80;
	s14 =	simm.s32 $0x4400  }
0x4: {  	s15 =	simm.s32 $0x280;
	s16 =	simm.s32 $0x5400;
	s17 =	simm.s32 $0x300  }
0x5: {  	s18 =	simm.s32 $0x6400;
	s19 =	simm.s32 $0x380;
	s20 =	simm.s32 $0x7400  }
0x6: {  	s21 =	simm.s32 $0x1;
	s22 =	simm.s32 $0x400;
	s23 =	simm.s32 $0x0  }
0x7: {  	[smem:$0x7FF] =	sst s2;
	s7 =	sand.u32 $0x1, s3;
	s5 =	sshll.u32 s1, $0x7  }
0x8: {  	s3 =	sadd.s32 $0x2000, s4;
	s31 =	sshll.u32 s1, $0xC;
	_ =	strace $0x8000004D  }
0x9: {  	s6 =	ssub.s32 $0x2, s7;
	s8 =	sadd.s32 s5, s4;
	s4 =	sadd.s32 $0xBD200, s4  }
.Ltmp0:
0xa: {  	s5 =	sshll.u32 s1, $0x1;
	s10 =	sshll.u32 s7, $0x6;
	(pc) =	sbr.rel .LBB2_1-.Ltmp0, $4  }
0xb: {  	s11 =	sshll.u32 s7, $0xB;
	s30 =	sshrl.u32 s6, $0x1;
	s9 =	sor.u32 s7, s5  }
0xc: {  	s8 =	sadd.s32 s10, s8;
	s10 =	sor.u32 s11, s31;
	s11 =	simm.s32 $0x200  }
0xd: {  	s6 =	ssub.s32 s6, s30;
	s7 =	sor.u32 $0x20, s9;
	s8 =	sadd.s32 $0x6AC00, s8  }
0xe: {  	s9 =	sadd.s32 s10, s4;
	s10 =	sor.u32 $0xFFF0000, s10;
	s6 =	smax.u32 s6, $0x1  }
.LBB2_7:
0xf: {  	s23 =	sadd.s32 $0x1, s23  }
0x10: {  	p0 =	sne.s32 s23, s6  }
.Ltmp1:
0x11: {  	_ = 	snop;
	(pc) =	sbr.rel @!p0 .LBB2_8-.Ltmp1, $1  }
0x12: {  	_ =	sdelay $0x3  }
.LBB2_1:
.Ltmp2:
0x13: {  	(pc) =	sbr.rel .LBB2_2-.Ltmp2, $3  }
0x14: {  	_ =	sdelay $0x1  }
0x15: {  	s24 =	smov.u32 s10  }
0x16: {  	s25 =	smov.u32 s9;
	s26 =	smov.u32 s8;
	s28 =	simm.s32 $0x0  }
.LBB2_3:
0x17: {  	[tilespmem:s11], [sflag:$0x5] =	stream.linear.gather [hbm4b:s26+s2], $0x200, $0x38;
	[tilespmem:$0x8400] =	vst v63  }
0x18: {  	_ =	swait.ge [sflag:s12], $0x200  }
0x19: {  	[sflag:s12] =	ssyncset.done $0x0  }
0x1a: {  	[sflag:s12] =	ssyncadd.s32 $0xFFFFFE00  }
0x1b: {  	[tilespmem:s14], [sflag:$0x2] =	stream.indirect.gather [hbm4b:s3+s13], $0x20, s11, s13, $0xb8;
	[tilespmem:$0x8400] =	vst v63  }
0x1c: {  	_ = 	snop  }
0x1d: {  	[tilespmem:s16], [sflag:$0x2] =	stream.indirect.gather [hbm4b:s3+s13], $0x20, s15, s13, $0xb8;
	[tilespmem:$0x8400] =	vst v63  }
0x1e: {  	_ = 	snop  }
0x1f: {  	[tilespmem:s18], [sflag:$0x2] =	stream.indirect.gather [hbm4b:s3+s13], $0x20, s17, s13, $0xb8;
	[tilespmem:$0x8400] =	vst v63  }
0x20: {  	_ = 	snop  }
0x21: {  	[tilespmem:s20], [sflag:$0x2] =	stream.indirect.gather [hbm4b:s3+s13], $0x20, s19, s13, $0xb8;
	[tilespmem:$0x8400] =	vst v63  }
.LBB2_5:
0x22: {  	_ =	swait.ge [sflag:s21], $0x4000  }
0x23: {  	[sflag:s21] =	ssyncset.done $0x0  }
0x24: {  	[sflag:s21] =	ssyncadd.s32 $0xFFFFC000  }
0x25: {  	[hbm4b:s25+s2] =	stream.linear.scatter [tilespmem:s22], [sflag:$0x3], $0x4000, $0x38;
	[tilespmem:$0x8400] =	vst v63  }
.LBB2_6:
0x26: {  	s28 =	sadd.s32 $0x40, s28  }
0x27: {  	p0 =	sne.s32 s28, $0x1500  }
.Ltmp3:
0x28: {  	_ = 	snop;
	(pc) =	sbr.rel @!p0 .LBB2_7-.Ltmp3, $2  }
0x29: {  	_ =	sdelay $0x2  }
0x2a: {  	s26 =	sadd.s32 $0x1000, s26;
	s25 =	sadd.s32 $0x20000, s25;
	s24 =	sadd.s32 $0x20000, s24  }
.LBB2_2:
0x2b: {  	p0 =	seq.s32 s28, $0x0  }
0x2c: {  	s29 =	simm.s32 @!p0 $0x3  }
0x2d: {  	s30 =	sadd.s32 s28, s5;
	_ =	swait.ge @!p0 [sflag:s29], $0x4000  }
0x2e: {  	p1 =	sgt.u32 s30, $0x14AB;
	[sflag:s29] =	ssyncset.done @!p0 $0x0  }
0x2f: {  	s31 =	simm.s32 @!p1 $0x0;
	[sflag:s29] =	ssyncadd.s32 @!p0 $0xFFFFC000;
	s29 =	sadd.s32 @!p1 $0xFFFFF800, s26  }
0x30: {  	[tilespmem:s31], [sflag:$0x5] =	stream.linear.gather @!p1 [hbm4b:s29+s31], $0x200, $0x38;
	[tilespmem:$0x8400] =	vst v63  }
0x31: {  	s29 =	simm.s32 @!p1 $0x5  }
0x32: {  	_ =	swait.ge @!p1 [sflag:s29], $0x200  }
0x33: {  	[sflag:s29] =	ssyncset.done @!p1 $0x0  }
0x34: {  	s0 =	simm.s32 @!p1 $0x400;
	[sflag:s29] =	ssyncadd.s32 @!p1 $0xFFFFFE00;
	s29 =	simm.s32 @!p1 $0x80  }
0x35: {  	[tilespmem:s0], [sflag:$0x1] =	stream.indirect.gather @!p1 [hbm4b:s3+s29], $0x20, s31, s29, $0xb8;
	[tilespmem:$0x8400] =	vst v63  }
0x36: {  	s0 =	simm.s32 @!p1 $0x1400  }
0x37: {  	[tilespmem:s0], [sflag:$0x1] =	stream.indirect.gather @!p1 [hbm4b:s3+s29], $0x20, s29, s29, $0xb8;
	[tilespmem:$0x8400] =	vst v63  }
0x38: {  	s31 =	simm.s32 @!p1 $0x2400;
	s0 =	simm.s32 @!p1 $0x100  }
0x39: {  	[tilespmem:s31], [sflag:$0x1] =	stream.indirect.gather @!p1 [hbm4b:s3+s29], $0x20, s0, s29, $0xb8;
	[tilespmem:$0x8400] =	vst v63  }
0x3a: {  	s0 =	simm.s32 @!p1 $0x180;
	s31 =	simm.s32 @!p1 $0x3400  }
0x3b: {  	[tilespmem:s31], [sflag:$0x1] =	stream.indirect.gather @!p1 [hbm4b:s3+s29], $0x20, s0, s29, $0xb8;
	[tilespmem:$0x8400] =	vst v63  }
0x3c: {  	p1 =	sgt.u32 @!p0 s30, $0x14CB  }
0x3d: {  	p1 =	por p1, p0  }
0x3e: {  	s0 =	simm.s32 @!p1 $0x2  }
0x3f: {  	_ =	swait.ge @!p1 [sflag:s0], $0x4000  }
0x40: {  	[sflag:s0] =	ssyncset.done @!p1 $0x0  }
0x41: {  	[sflag:s0] =	ssyncadd.s32 @!p1 $0xFFFFC000;
	s0 =	sand.u32 @!p1 $0xFFFF800, s24  }
0x42: {  	s29 =	simm.s32 @!p1 $0x0;
	s30 =	simm.s32 @!p1 $0x4400;
	s0 =	sadd.s32 @!p1 s4, s0  }
0x43: {  	[hbm4b:s0+s29] =	stream.linear.scatter @!p1 [tilespmem:s30], [sflag:$0x4], $0x4000, $0x38;
	[tilespmem:$0x8400] =	vst v63  }
0x44: {  	s29 =	sadd.s32 s28, s7  }
0x45: {  	p1 =	sgt.u32 @!p0 s29, $0x14EB  }
0x46: {  	p0 =	por p1, p0;
	p1 =	sgt.u32 s29, $0x14AB  }
.Ltmp4:
0x47: {  	_ = 	snop;
	(pc) =	sbr.rel @!p1 .LBB2_3-.Ltmp4, $4  }
0x48: {  	s0 =	simm.s32 @!p0 $0x4  }
0x49: {  	_ =	swait.ge @!p0 [sflag:s0], $0x4000  }
0x4a: {  	[sflag:s0] =	ssyncset.done @!p0 $0x0  }
0x4b: {  	[sflag:s0] =	ssyncadd.s32 @!p0 $0xFFFFC000  }
0x4c: {  	p0 =	sgt.u32 s29, $0x14CB  }
.Ltmp5:
0x4d: {  	_ = 	snop;
	(pc) =	sbr.rel @p0 .LBB2_6-.Ltmp5, $4  }
.Ltmp6:
0x4e: {  	_ = 	snop;
	(pc) =	sbr.rel @!p0 .LBB2_5-.Ltmp6, $4  }
0x4f: {  	_ = 	snop  }
0x50: {  	_ = 	snop  }
0x51: {  	_ = 	snop  }
0x52: {  	_ = 	snop  }
.LBB2_8:
0x53: {  	_ =	sfence.sel $0x180000  }
0x54: {  	[bflag:$0x0] =	sbarrier.arrive $0xFFFF  }
0x55: {  	_ =	strace $0x9000004D  }
0x56: {  	[bflag:$0x2] =	sbarrier.arrive $0xFFFF  }
0x57: {  	p0 =	sne.s32 s1, $0x0;
	s0 =	rddreg [dreg:$0x1]  }
0x58: {  	s0 =	sadd.s32 @!p0 $0x100000, s0  }
0x59: {  	[sflag:s0] =	ssyncadd.tile.s32 @!p0 $0x1;
	_ =	shalt  }
.Lfunc_end2:
_tile_overlayer_lowered:
.L_overlay_start_2:
0x5a: {  	(tag) =	ssettag $0x2  }
0x5b: {  	s0 =	rddreg [dreg:$0x0];
	s2 =	stileid.u32  }
0x5c: {  	s1 =	rddreg [dreg:$0x1];
	p0 =	sne.s32 s2, $0x0  }
0x5d: {  	s3 =	rddreg [dreg:$0x2];
	[bflag:$0x3] =	sbarrier.arrive $0xFFFF;
	s2 =	simm.s32 @!p0 $0x1C05  }
0x5e: {  	[timem:s3], [sflag:s2] =	dma.local @!p0 [hbm:s0], s1  }
0x5f: {  	s0 =	simm.s32 @!p0 $0x5  }
0x60: {  	_ =	swait.ge @!p0 [sflag:s0], s1  }
0x61: {  	s1 =	ssub.s32 @!p0 $0x0, s1;
	[sflag:s0] =	ssyncset.done @!p0 $0x0  }
0x62: {  	[sflag:s0] =	ssyncadd.s32 @!p0 s1  }
0x63: {  	[bflag:$0x3] =	sbarrier.arrive $0xFFFF  }
0x64: {  	_ =	shalt  }

// kernel: kernel.17.cloned.1.call-start
scs
__scs_entry_jumppad:
0x0: {  	(pc) =	sbr.rel $0x88, $3  }
0x1: {  	(tag) =	ssettag $0x0;
	lr =	simm.s32 $0x1  }
0x2: {  	[smem:$0x3F7A] =	sst lr;
	_ =	strace $0xD0000000  }
0x3: {  	_ = 	snop  }
0x4: {  	_ = 	snop  }
0x5: {  	_ = 	snop  }
0x6: {  	_ = 	snop  }
0x7: {  	_ = 	snop  }
__scs_overlays_trampoline_lowered:
0x8: {  	[smem:$0x3F89] =	sst s0  }
0x9: {  	[smem:$0x3F8A] =	sst s1  }
0xa: {  	[smem:$0x3F8B] =	sst s2  }
0xb: {  	[smem:$0x3F8C] =	sst s3  }
0xc: {  	[smem:$0x3F8D] =	sst s4  }
0xd: {  	[smem:$0x3F8E] =	sst s5  }
0xe: {  	[smem:$0x3F8F] =	sst s6  }
0xf: {  	[smem:$0x3F90] =	sst s7  }
0x10: {  	[smem:$0x3F91] =	sst s8  }
0x11: {  	[smem:$0x3F92] =	sst s9;
	s0 =	simm.s32 @!p0 $0x0  }
0x12: {  	s1 =	sld [smem:$0x3F78];
	s0 =	simm.s32 @p0 $0x1  }
0x13: {  	[smem:$0x3F93] =	sst s0;
	s0 =	simm.s32 @!p1 $0x0  }
0x14: {  	s2 =	sld [smem:$0x3F77];
	s0 =	simm.s32 @p1 $0x1  }
0x15: {  	[smem:$0x3F94] =	sst s0;
	s0 =	simm.s32 @!p2 $0x0  }
0x16: {  	s3 =	sld [smem:$0x3FDB];
	s0 =	simm.s32 @p2 $0x1  }
0x17: {  	s4 =	simm.s32 $0x1BF5;
	[smem:$0x3F96] =	sst s0  }
0x18: {  	s0 =	sld [smem:$0x3F79];
	_ =	swait.ge [sflag:s4], $0x0  }
0x19: {  	s7 =	sld [smem:$0x3F7A]  }
0x1a: {  	s8 =	sadd.s32 $0xFFFFE003, lr  }
0x1b: {  	s9 =	sadd.s32 $0xFFFFFEF7, lr;
	s5 =	simm.s32 $0xFFFFFFFF;
	p2 =	slt.u32 s8, $0xFFFFF086  }
0x1c: {  	p1 =	slt.u32 s9, $0xF7A;
	s5 =	simm.s32 @!p2 $0x0  }
0x1d: {  	s5 =	simm.s32 @p1 $0x1;
	p0 =	seq.s32 s7, s2  }
0x1e: {  	s7 =	smul.u32 @!p0 $0xF7A, s2;
	p2 =	seq.s32 @!p0 s5, $0x0  }
0x1f: {  	s9 =	smul.u32 $0xF7A, s1;
	s8 =	simm.s32 @!p0 $0x1BF5;
	p2 =	por !p2, p0  }
0x20: {  	[sflag:s8] =	ssyncset.s32 @!p0 $0xFFFFF086;
	s6 =	sadd.s32 @!p0 s3, s7;
	s7 =	simm.s32 @!p0 $0x108  }
0x21: {  	s3 =	sadd.s32 s3, s9;
	s6 =	sadd.s32 @!p0 $0x88, s6;
	s7 =	simm.s32 @p2 $0x1082  }
0x22: {  	[simem:s7], [sflag:s8] =	dma.local @!p0 [hbm:s6], $0xF7A  }
0x23: {  	s9 =	sor.u32 $0xD0000000, s2;
	s6 =	simm.s32 $0x108;
	_ =	swait.ge @!p0 [sflag:s8], $0x0  }
0x24: {  	s3 =	sadd.s32 $0x88, s3;
	s6 =	simm.s32 @!p1 $0x1082;
	[sflag:s4] =	ssyncset.s32 $0xFFFFF086  }
0x25: {  	[simem:s6], [sflag:s4] =	dma.local [hbm:s3], $0xF7A  }
0x26: {  	[smem:$0x3F7A] =	sst s1;
	(tag) =	ssettag s2;
	_ =	strace s9  }
0x27: {  	s1 =	sld [smem:$0x3F8A]  }
0x28: {  	s2 =	sld [smem:$0x3F8B]  }
0x29: {  	s4 =	sld [smem:$0x3F8D]  }
0x2a: {  	p0 =	seq.s32 s5, $0x0;
	s5 =	sld [smem:$0x3F8E]  }
0x2b: {  	s6 =	sld [smem:$0x3F8F]  }
0x2c: {  	s7 =	sld [smem:$0x3F90]  }
0x2d: {  	s3 =	simm.s32 $0x108;
	s8 =	sld [smem:$0x3F91]  }
0x2e: {  	s3 =	simm.s32 @!p0 $0x1082;
	s9 =	sld [smem:$0x3F92]  }
0x2f: {  	lr =	sadd.s32 s0, s3;
	s0 =	sld [smem:$0x3F89]  }
0x30: {  	s3 =	sld [smem:$0x3F8C]  }
0x31: {  	[smem:$0x3F95] =	sst s10  }
0x32: {  	s10 =	sld [smem:$0x3F93];
	_ =	sdelay $0x3  }
0x33: {  	p0 =	seq.s32 s10, $0x1;
	s10 =	sld [smem:$0x3F95];
	_ =	sdelay $0x3  }
0x34: {  	[smem:$0x3F95] =	sst s10  }
0x35: {  	s10 =	sld [smem:$0x3F94];
	_ =	sdelay $0x3  }
0x36: {  	p1 =	seq.s32 s10, $0x1;
	s10 =	sld [smem:$0x3F95];
	_ =	sdelay $0x3  }
0x37: {  	[smem:$0x3F95] =	sst s10  }
0x38: {  	s10 =	sld [smem:$0x3F96]  }
0x39: {  	_ = 	snop;
	(pc) =	sbr.ind lr, $3  }
0x3a: {  	_ = 	snop  }
0x3b: {  	_ = 	snop  }
0x3c: {  	p2 =	seq.s32 s10, $0x1;
	s10 =	sld [smem:$0x3F95]  }
0x3d: {  	_ =	shalt  }
0x3e: {  	_ =	shalt  }
0x3f: {  	_ =	shalt  }
0x40: {  	_ =	shalt  }
0x41: {  	_ =	shalt  }
0x42: {  	_ =	shalt  }
0x43: {  	_ =	shalt  }
0x44: {  	_ =	shalt  }
0x45: {  	_ =	shalt  }
0x46: {  	_ =	shalt  }
0x47: {  	_ =	shalt  }
0x48: {  	_ =	shalt  }
0x49: {  	_ =	shalt  }
0x4a: {  	_ =	shalt  }
0x4b: {  	_ =	shalt  }
0x4c: {  	_ =	shalt  }
0x4d: {  	_ =	shalt  }
0x4e: {  	_ =	shalt  }
0x4f: {  	_ =	shalt  }
0x50: {  	_ =	shalt  }
0x51: {  	_ =	shalt  }
0x52: {  	_ =	shalt  }
0x53: {  	_ =	shalt  }
0x54: {  	_ =	shalt  }
0x55: {  	_ =	shalt  }
0x56: {  	_ =	shalt  }
0x57: {  	_ =	shalt  }
0x58: {  	_ =	shalt  }
0x59: {  	_ =	shalt  }
0x5a: {  	_ =	shalt  }
0x5b: {  	_ =	shalt  }
0x5c: {  	_ =	shalt  }
0x5d: {  	_ =	shalt  }
0x5e: {  	_ =	shalt  }
0x5f: {  	_ =	shalt  }
0x60: {  	_ =	shalt  }
0x61: {  	_ =	shalt  }
0x62: {  	_ =	shalt  }
0x63: {  	_ =	shalt  }
0x64: {  	_ =	shalt  }
0x65: {  	_ =	shalt  }
0x66: {  	_ =	shalt  }
0x67: {  	_ =	shalt  }
0x68: {  	_ =	shalt  }
0x69: {  	_ =	shalt  }
0x6a: {  	_ =	shalt  }
0x6b: {  	_ =	shalt  }
0x6c: {  	_ =	shalt  }
0x6d: {  	_ =	shalt  }
0x6e: {  	_ =	shalt  }
0x6f: {  	_ =	shalt  }
0x70: {  	_ =	shalt  }
0x71: {  	_ =	shalt  }
0x72: {  	_ =	shalt  }
0x73: {  	_ =	shalt  }
0x74: {  	_ =	shalt  }
0x75: {  	_ =	shalt  }
0x76: {  	_ =	shalt  }
0x77: {  	_ =	shalt  }
0x78: {  	_ =	shalt  }
0x79: {  	_ =	shalt  }
0x7a: {  	_ =	shalt  }
0x7b: {  	_ =	shalt  }
0x7c: {  	_ =	shalt  }
0x7d: {  	_ =	shalt  }
0x7e: {  	_ =	shalt  }
0x7f: {  	_ =	shalt  }
0x80: {  	_ =	shalt  }
0x81: {  	_ =	shalt  }
0x82: {  	_ =	shalt  }
0x83: {  	_ =	shalt  }
0x84: {  	_ =	shalt  }
0x85: {  	_ =	shalt  }
0x86: {  	_ =	shalt  }
0x87: {  	_ =	shalt  }
.Lfunc_end0:
.L_simem_size_0:
called_computation.3_lowered:
.L_overlay_start_0:
0x88: {  	s2 =	sld [smem:$0x3FD9]  }
0x89: {  	s3 =	sld [smem:$0x3FFE];
	_ =	sdelay $0x1  }
0x8a: {  	s1 =	srdreg.scid  }
0x8b: {  	s0 =	sand.u32 $0x1, s1  }
0x8c: {  	s16 =	sshll.u32 s0, $0xA;
	s2 =	sadd.s32 s3, s2  }
0x8d: {  	s2 =	sadd.s32 s2, s16  }
0x8e: {  	[smem:$0x3FA1] =	sst s2  }
0x8f: {  	_ = 	snop  }
0x90: {  	(tm) =	ssettm $0x1  }
0x91: {  	s17 =	sld [smem:$0x3FFB];
	_ =	sdelay $0x3  }
0x92: {  	_ =	strace s17  }
0x93: {  	s2 =	sld [smem:$0x3FFC];
	_ =	sdelay $0x3  }
0x94: {  	_ =	strace s2  }
0x95: {  	s2 =	sld [smem:$0x3FFD];
	_ =	sdelay $0x3  }
0x96: {  	_ =	strace s2  }
0x97: {  	_ =	strace $0x8FFFFFFF  }
0x98: {  	s18 =	sld [smem:$0x3FDB];
	_ =	sdelay $0x1  }
0x99: {  	s19 =	simm.s32 $_scs_section_size  }
0x9a: {  	s4 =	simm.s32 $_size__tile_overlayer_lowered;
	s5 =	simm.s32 $_tile_overlayer_lowered  }
0x9b: {  	s22 =	simm.s32 $0x1BFF;
	s21 =	sshll.u32 s5, $0x1;
	s2 =	sadd.s32 s19, s18  }
0x9c: {  	s6 =	simm.s32 $0x0;
	s20 =	sshll.u32 s4, $0x1;
	s4 =	sadd.s32 s21, s2  }
0x9d: {  	[timem:s6], [sflag:s22] =	dma.local [hbm:s4], s20  }
0x9e: {  	_ =	swait.ge [sflag:s22], s20  }
0x9f: {  	s3 =	ssub.s32 $0x0, s20;
	[sflag:s22] =	ssyncset.done $0x0  }
0xa0: {  	[sflag:s22] =	ssyncadd.s32 s3;
	_ =	sdelay $0x1  }
0xa1: {  	s23 =	simm.s32 $0x1B8B  }
0xa2: {  	_ =	swait.ge [sflag:s23], $0x1  }
0xa3: {  	[sflag:s23] =	ssyncset.done $0x0  }
0xa4: {  	s25 =	simm.s32 $0x1B8E;
	s24 =	sld [smem:$0x3FFE];
	[sflag:s23] =	ssyncadd.s32 $0xFFFFFFFF  }
0xa5: {  	s26 =	simm.s32 $execute0_lowered;
	[smem:$0x3FD2] =	sst s25  }
0xa6: {  	s4 =	sshll.u32 s26, $0x1;
	_ =	strace $0x8000004F;
	[dreg:$0x1] =	wrdreg $0xFFFFFFFF  }
0xa7: {  	s28 =	simm.s32 $_size_execute0_lowered;
	s2 =	sadd.s32 s2, s4;
	[dreg:$0x0] =	wrdreg $0x0  }
0xa8: {  	s4 =	sshll.u32 s28, $0x1;
	[dreg:$0x2] =	wrdreg s2  }
0xa9: {  	[dreg:$0x3] =	wrdreg s4  }
0xaa: {  	[dreg:$0x4] =	wrdreg $0xC0  }
0xab: {  	_ =	task [dreg:s6], $0x5FFFF  }
0xac: {  	[dreg:$0x1] =	wrdreg $0xFFFFFFFF  }
0xad: {  	[dreg:$0x0] =	wrdreg $0x60  }
0xae: {  	[dreg:$0x2] =	wrdreg s24  }
0xaf: {  	[dreg:$0x3] =	wrdreg $0x9  }
0xb0: {  	_ =	task.clear_ibuf [dreg:s6], $0x4FFFF;
	_ =	strace $0x9000004F  }
0xb1: {  	s29 =	simm.s32 $0x9;
	_ =	strace $0x80000051  }
0xb2: {  	_ =	swait.ge [sflag:s29], $0x1  }
0xb3: {  	[sflag:s29] =	ssyncadd.s32 $0xFFFFFFFF  }
0xb4: {  	_ =	strace $0x90000051  }
0xb5: {  	_ =	sfence  }
0xb6: {  	s30 =	sld [smem:$0x0];
	_ =	sdelay $0x2  }
0xb7: {  	s31 =	sshll.u32 s1, $0xD;
	s1 =	sshrl.u32 s1, $0x2  }
0xb8: {  	s3 =	sand.u32 $0x4000, s31;
	s1 =	sadd.s32 s1, s30  }
0xb9: {  	s0 =	sor.u32 s3, s0;
	s1 =	sshll.u32 s1, $0x11  }
0xba: {  	s0 =	sor.u32 s1, s0  }
0xbb: {  	s0 =	sadd.s32 $0x8F2B, s0  }
0xbc: {  	[sflag:s0] =	ssyncadd.remote.s32 $0x1  }
0xbd: {  	_ =	sfence.sel $0xFFFF  }
0xbe: {  	[dreg:$0x0] =	wrdreg $0xFFFFFFFF;
	(pc) =	sbr.abs _section_cstart, $3  }
0xbf: {  	[dreg:$0x1] =	wrdreg $0xFFFFFFFF  }
0xc0: {  	_ =	task.clear_ibuf [dreg:s6], $0x2FFFF;
	_ =	strace $0x9FFFFFFF  }
0xc1: {  	(tm) =	ssettm $0x7FFFFFFF  }
tec
execute0_lowered:
.L_overlay_start_1:
0x0: {  	(tag) =	ssettag $0x1  }
0x1: {  	s4 =	rddreg [dreg:$0x0]  }
0x2: {  	s2 =	simm.s32 $0x0;
	s3 =	srdreg.scid;
	s1 =	stileid.u32  }
0x3: {  	s12 =	simm.s32 $0x5;
	s13 =	simm.s32 $0x80;
	s14 =	simm.s32 $0x4400  }
0x4: {  	s15 =	simm.s32 $0x280;
	s16 =	simm.s32 $0x5400;
	s17 =	simm.s32 $0x300  }
0x5: {  	s18 =	simm.s32 $0x6400;
	s19 =	simm.s32 $0x380;
	s20 =	simm.s32 $0x7400  }
0x6: {  	s21 =	simm.s32 $0x1;
	s22 =	simm.s32 $0x400;
	s23 =	simm.s32 $0x0  }
0x7: {  	[smem:$0x7FF] =	sst s2;
	s7 =	sand.u32 $0x1, s3;
	s5 =	sshll.u32 s1, $0x7  }
0x8: {  	s3 =	sadd.s32 $0x2000, s4;
	s31 =	sshll.u32 s1, $0xC;
	_ =	strace $0x80000050  }
0x9: {  	s6 =	ssub.s32 $0x2, s7;
	s8 =	sadd.s32 s5, s4;
	s4 =	sadd.s32 $0x65E00, s4  }
.Ltmp0:
0xa: {  	s5 =	sshll.u32 s1, $0x1;
	s10 =	sshll.u32 s7, $0x6;
	(pc) =	sbr.rel .LBB2_1-.Ltmp0, $4  }
0xb: {  	s11 =	sshll.u32 s7, $0xB;
	s30 =	sshrl.u32 s6, $0x1;
	s9 =	sor.u32 s7, s5  }
0xc: {  	s8 =	sadd.s32 s10, s8;
	s10 =	sor.u32 s11, s31;
	s11 =	simm.s32 $0x200  }
0xd: {  	s6 =	ssub.s32 s6, s30;
	s7 =	sor.u32 $0x20, s9;
	s8 =	sadd.s32 $0x64A00, s8  }
0xe: {  	s9 =	sadd.s32 s10, s4;
	s10 =	sor.u32 $0x1FFF0000, s10;
	s6 =	smax.u32 s6, $0x1  }
.LBB2_7:
0xf: {  	s23 =	sadd.s32 $0x1, s23  }
0x10: {  	p0 =	sne.s32 s23, s6  }
.Ltmp1:
0x11: {  	_ = 	snop;
	(pc) =	sbr.rel @!p0 .LBB2_8-.Ltmp1, $1  }
0x12: {  	_ =	sdelay $0x3  }
.LBB2_1:
.Ltmp2:
0x13: {  	(pc) =	sbr.rel .LBB2_2-.Ltmp2, $3  }
0x14: {  	_ =	sdelay $0x1  }
0x15: {  	s24 =	smov.u32 s10  }
0x16: {  	s25 =	smov.u32 s9;
	s26 =	smov.u32 s8;
	s28 =	simm.s32 $0x0  }
.LBB2_3:
0x17: {  	[tilespmem:s11], [sflag:$0x5] =	stream.linear.gather [hbm4b:s26+s2], $0x200, $0x38;
	[tilespmem:$0x8400] =	vst v63  }
0x18: {  	_ =	swait.ge [sflag:s12], $0x200  }
0x19: {  	[sflag:s12] =	ssyncset.done $0x0  }
0x1a: {  	[sflag:s12] =	ssyncadd.s32 $0xFFFFFE00  }
0x1b: {  	[tilespmem:s14], [sflag:$0x2] =	stream.indirect.gather [hbm4b:s3+s13], $0x20, s11, s13, $0xb8;
	[tilespmem:$0x8400] =	vst v63  }
0x1c: {  	_ = 	snop  }
0x1d: {  	[tilespmem:s16], [sflag:$0x2] =	stream.indirect.gather [hbm4b:s3+s13], $0x20, s15, s13, $0xb8;
	[tilespmem:$0x8400] =	vst v63  }
0x1e: {  	_ = 	snop  }
0x1f: {  	[tilespmem:s18], [sflag:$0x2] =	stream.indirect.gather [hbm4b:s3+s13], $0x20, s17, s13, $0xb8;
	[tilespmem:$0x8400] =	vst v63  }
0x20: {  	_ = 	snop  }
0x21: {  	[tilespmem:s20], [sflag:$0x2] =	stream.indirect.gather [hbm4b:s3+s13], $0x20, s19, s13, $0xb8;
	[tilespmem:$0x8400] =	vst v63  }
.LBB2_5:
0x22: {  	_ =	swait.ge [sflag:s21], $0x4000  }
0x23: {  	[sflag:s21] =	ssyncset.done $0x0  }
0x24: {  	[sflag:s21] =	ssyncadd.s32 $0xFFFFC000  }
0x25: {  	[hbm4b:s25+s2] =	stream.linear.scatter [tilespmem:s22], [sflag:$0x3], $0x4000, $0x38;
	[tilespmem:$0x8400] =	vst v63  }
.LBB2_6:
0x26: {  	s28 =	sadd.s32 $0x40, s28  }
0x27: {  	p0 =	sne.s32 s28, $0xC0  }
.Ltmp3:
0x28: {  	_ = 	snop;
	(pc) =	sbr.rel @!p0 .LBB2_7-.Ltmp3, $2  }
0x29: {  	_ =	sdelay $0x2  }
0x2a: {  	s26 =	sadd.s32 $0x1000, s26;
	s25 =	sadd.s32 $0x20000, s25;
	s24 =	sadd.s32 $0x20000, s24  }
.LBB2_2:
0x2b: {  	p0 =	seq.s32 s28, $0x0  }
0x2c: {  	s29 =	simm.s32 @!p0 $0x3  }
0x2d: {  	s30 =	sadd.s32 s28, s5;
	_ =	swait.ge @!p0 [sflag:s29], $0x4000  }
0x2e: {  	p1 =	sgt.u32 s30, $0x61;
	[sflag:s29] =	ssyncset.done @!p0 $0x0  }
0x2f: {  	s31 =	simm.s32 @!p1 $0x0;
	[sflag:s29] =	ssyncadd.s32 @!p0 $0xFFFFC000;
	s29 =	sadd.s32 @!p1 $0xFFFFF800, s26  }
0x30: {  	[tilespmem:s31], [sflag:$0x5] =	stream.linear.gather @!p1 [hbm4b:s29+s31], $0x200, $0x38;
	[tilespmem:$0x8400] =	vst v63  }
0x31: {  	s29 =	simm.s32 @!p1 $0x5  }
0x32: {  	_ =	swait.ge @!p1 [sflag:s29], $0x200  }
0x33: {  	[sflag:s29] =	ssyncset.done @!p1 $0x0  }
0x34: {  	s0 =	simm.s32 @!p1 $0x400;
	[sflag:s29] =	ssyncadd.s32 @!p1 $0xFFFFFE00;
	s29 =	simm.s32 @!p1 $0x80  }
0x35: {  	[tilespmem:s0], [sflag:$0x1] =	stream.indirect.gather @!p1 [hbm4b:s3+s29], $0x20, s31, s29, $0xb8;
	[tilespmem:$0x8400] =	vst v63  }
0x36: {  	s0 =	simm.s32 @!p1 $0x1400  }
0x37: {  	[tilespmem:s0], [sflag:$0x1] =	stream.indirect.gather @!p1 [hbm4b:s3+s29], $0x20, s29, s29, $0xb8;
	[tilespmem:$0x8400] =	vst v63  }
0x38: {  	s31 =	simm.s32 @!p1 $0x2400;
	s0 =	simm.s32 @!p1 $0x100  }
0x39: {  	[tilespmem:s31], [sflag:$0x1] =	stream.indirect.gather @!p1 [hbm4b:s3+s29], $0x20, s0, s29, $0xb8;
	[tilespmem:$0x8400] =	vst v63  }
0x3a: {  	s0 =	simm.s32 @!p1 $0x180;
	s31 =	simm.s32 @!p1 $0x3400  }
0x3b: {  	[tilespmem:s31], [sflag:$0x1] =	stream.indirect.gather @!p1 [hbm4b:s3+s29], $0x20, s0, s29, $0xb8;
	[tilespmem:$0x8400] =	vst v63  }
0x3c: {  	p1 =	sgt.u32 @!p0 s30, $0x81  }
0x3d: {  	p1 =	por p1, p0  }
0x3e: {  	s0 =	simm.s32 @!p1 $0x2  }
0x3f: {  	_ =	swait.ge @!p1 [sflag:s0], $0x4000  }
0x40: {  	[sflag:s0] =	ssyncset.done @!p1 $0x0  }
0x41: {  	[sflag:s0] =	ssyncadd.s32 @!p1 $0xFFFFC000;
	s0 =	sand.u32 @!p1 $0x1FFFF800, s24  }
0x42: {  	s29 =	simm.s32 @!p1 $0x0;
	s30 =	simm.s32 @!p1 $0x4400;
	s0 =	sadd.s32 @!p1 s4, s0  }
0x43: {  	[hbm4b:s0+s29] =	stream.linear.scatter @!p1 [tilespmem:s30], [sflag:$0x4], $0x4000, $0x38;
	[tilespmem:$0x8400] =	vst v63  }
0x44: {  	s29 =	sadd.s32 s28, s7  }
0x45: {  	p1 =	sgt.u32 @!p0 s29, $0xA1  }
0x46: {  	p0 =	por p1, p0;
	p1 =	sgt.u32 s29, $0x61  }
.Ltmp4:
0x47: {  	_ = 	snop;
	(pc) =	sbr.rel @!p1 .LBB2_3-.Ltmp4, $4  }
0x48: {  	s0 =	simm.s32 @!p0 $0x4  }
0x49: {  	_ =	swait.ge @!p0 [sflag:s0], $0x4000  }
0x4a: {  	[sflag:s0] =	ssyncset.done @!p0 $0x0  }
0x4b: {  	[sflag:s0] =	ssyncadd.s32 @!p0 $0xFFFFC000  }
0x4c: {  	p0 =	sgt.u32 s29, $0x81  }
.Ltmp5:
0x4d: {  	_ = 	snop;
	(pc) =	sbr.rel @p0 .LBB2_6-.Ltmp5, $4  }
.Ltmp6:
0x4e: {  	_ = 	snop;
	(pc) =	sbr.rel @!p0 .LBB2_5-.Ltmp6, $4  }
0x4f: {  	_ = 	snop  }
0x50: {  	_ = 	snop  }
0x51: {  	_ = 	snop  }
0x52: {  	_ = 	snop  }
.LBB2_8:
0x53: {  	_ =	sfence.sel $0x180000  }
0x54: {  	[bflag:$0x0] =	sbarrier.arrive $0xFFFF  }
0x55: {  	_ =	strace $0x90000050  }
0x56: {  	[bflag:$0x2] =	sbarrier.arrive $0xFFFF  }
0x57: {  	p0 =	sne.s32 s1, $0x0;
	s0 =	rddreg [dreg:$0x1]  }
0x58: {  	s0 =	sadd.s32 @!p0 $0x100000, s0  }
0x59: {  	[sflag:s0] =	ssyncadd.tile.s32 @!p0 $0x1;
	_ =	shalt  }
.Lfunc_end2:
_tile_overlayer_lowered:
.L_overlay_start_2:
0x5a: {  	(tag) =	ssettag $0x2  }
0x5b: {  	s0 =	rddreg [dreg:$0x0];
	s2 =	stileid.u32  }
0x5c: {  	s1 =	rddreg [dreg:$0x1];
	p0 =	sne.s32 s2, $0x0  }
0x5d: {  	s3 =	rddreg [dreg:$0x2];
	[bflag:$0x3] =	sbarrier.arrive $0xFFFF;
	s2 =	simm.s32 @!p0 $0x1C05  }
0x5e: {  	[timem:s3], [sflag:s2] =	dma.local @!p0 [hbm:s0], s1  }
0x5f: {  	s0 =	simm.s32 @!p0 $0x5  }
0x60: {  	_ =	swait.ge @!p0 [sflag:s0], s1  }
0x61: {  	s1 =	ssub.s32 @!p0 $0x0, s1;
	[sflag:s0] =	ssyncset.done @!p0 $0x0  }
0x62: {  	[sflag:s0] =	ssyncadd.s32 @!p0 s1  }
0x63: {  	[bflag:$0x3] =	sbarrier.arrive $0xFFFF  }
0x64: {  	_ =	shalt  }

// kernel: kernel.8.cloned.1.call-start
scs
__scs_entry_jumppad:
0x0: {  	(pc) =	sbr.rel $0x88, $3  }
0x1: {  	(tag) =	ssettag $0x0;
	lr =	simm.s32 $0x1  }
0x2: {  	[smem:$0x3F7A] =	sst lr;
	_ =	strace $0xD0000000  }
0x3: {  	_ = 	snop  }
0x4: {  	_ = 	snop  }
0x5: {  	_ = 	snop  }
0x6: {  	_ = 	snop  }
0x7: {  	_ = 	snop  }
__scs_overlays_trampoline_lowered:
0x8: {  	[smem:$0x3F89] =	sst s0  }
0x9: {  	[smem:$0x3F8A] =	sst s1  }
0xa: {  	[smem:$0x3F8B] =	sst s2  }
0xb: {  	[smem:$0x3F8C] =	sst s3  }
0xc: {  	[smem:$0x3F8D] =	sst s4  }
0xd: {  	[smem:$0x3F8E] =	sst s5  }
0xe: {  	[smem:$0x3F8F] =	sst s6  }
0xf: {  	[smem:$0x3F90] =	sst s7  }
0x10: {  	[smem:$0x3F91] =	sst s8  }
0x11: {  	[smem:$0x3F92] =	sst s9;
	s0 =	simm.s32 @!p0 $0x0  }
0x12: {  	s1 =	sld [smem:$0x3F78];
	s0 =	simm.s32 @p0 $0x1  }
0x13: {  	[smem:$0x3F93] =	sst s0;
	s0 =	simm.s32 @!p1 $0x0  }
0x14: {  	s2 =	sld [smem:$0x3F77];
	s0 =	simm.s32 @p1 $0x1  }
0x15: {  	[smem:$0x3F94] =	sst s0;
	s0 =	simm.s32 @!p2 $0x0  }
0x16: {  	s3 =	sld [smem:$0x3FDB];
	s0 =	simm.s32 @p2 $0x1  }
0x17: {  	s4 =	simm.s32 $0x1BF5;
	[smem:$0x3F96] =	sst s0  }
0x18: {  	s0 =	sld [smem:$0x3F79];
	_ =	swait.ge [sflag:s4], $0x0  }
0x19: {  	s7 =	sld [smem:$0x3F7A]  }
0x1a: {  	s8 =	sadd.s32 $0xFFFFE003, lr  }
0x1b: {  	s9 =	sadd.s32 $0xFFFFFEF7, lr;
	s5 =	simm.s32 $0xFFFFFFFF;
	p2 =	slt.u32 s8, $0xFFFFF086  }
0x1c: {  	p1 =	slt.u32 s9, $0xF7A;
	s5 =	simm.s32 @!p2 $0x0  }
0x1d: {  	s5 =	simm.s32 @p1 $0x1;
	p0 =	seq.s32 s7, s2  }
0x1e: {  	s7 =	smul.u32 @!p0 $0xF7A, s2;
	p2 =	seq.s32 @!p0 s5, $0x0  }
0x1f: {  	s9 =	smul.u32 $0xF7A, s1;
	s8 =	simm.s32 @!p0 $0x1BF5;
	p2 =	por !p2, p0  }
0x20: {  	[sflag:s8] =	ssyncset.s32 @!p0 $0xFFFFF086;
	s6 =	sadd.s32 @!p0 s3, s7;
	s7 =	simm.s32 @!p0 $0x108  }
0x21: {  	s3 =	sadd.s32 s3, s9;
	s6 =	sadd.s32 @!p0 $0x88, s6;
	s7 =	simm.s32 @p2 $0x1082  }
0x22: {  	[simem:s7], [sflag:s8] =	dma.local @!p0 [hbm:s6], $0xF7A  }
0x23: {  	s9 =	sor.u32 $0xD0000000, s2;
	s6 =	simm.s32 $0x108;
	_ =	swait.ge @!p0 [sflag:s8], $0x0  }
0x24: {  	s3 =	sadd.s32 $0x88, s3;
	s6 =	simm.s32 @!p1 $0x1082;
	[sflag:s4] =	ssyncset.s32 $0xFFFFF086  }
0x25: {  	[simem:s6], [sflag:s4] =	dma.local [hbm:s3], $0xF7A  }
0x26: {  	[smem:$0x3F7A] =	sst s1;
	(tag) =	ssettag s2;
	_ =	strace s9  }
0x27: {  	s1 =	sld [smem:$0x3F8A]  }
0x28: {  	s2 =	sld [smem:$0x3F8B]  }
0x29: {  	s4 =	sld [smem:$0x3F8D]  }
0x2a: {  	p0 =	seq.s32 s5, $0x0;
	s5 =	sld [smem:$0x3F8E]  }
0x2b: {  	s6 =	sld [smem:$0x3F8F]  }
0x2c: {  	s7 =	sld [smem:$0x3F90]  }
0x2d: {  	s3 =	simm.s32 $0x108;
	s8 =	sld [smem:$0x3F91]  }
0x2e: {  	s3 =	simm.s32 @!p0 $0x1082;
	s9 =	sld [smem:$0x3F92]  }
0x2f: {  	lr =	sadd.s32 s0, s3;
	s0 =	sld [smem:$0x3F89]  }
0x30: {  	s3 =	sld [smem:$0x3F8C]  }
0x31: {  	[smem:$0x3F95] =	sst s10  }
0x32: {  	s10 =	sld [smem:$0x3F93];
	_ =	sdelay $0x3  }
0x33: {  	p0 =	seq.s32 s10, $0x1;
	s10 =	sld [smem:$0x3F95];
	_ =	sdelay $0x3  }
0x34: {  	[smem:$0x3F95] =	sst s10  }
0x35: {  	s10 =	sld [smem:$0x3F94];
	_ =	sdelay $0x3  }
0x36: {  	p1 =	seq.s32 s10, $0x1;
	s10 =	sld [smem:$0x3F95];
	_ =	sdelay $0x3  }
0x37: {  	[smem:$0x3F95] =	sst s10  }
0x38: {  	s10 =	sld [smem:$0x3F96]  }
0x39: {  	_ = 	snop;
	(pc) =	sbr.ind lr, $3  }
0x3a: {  	_ = 	snop  }
0x3b: {  	_ = 	snop  }
0x3c: {  	p2 =	seq.s32 s10, $0x1;
	s10 =	sld [smem:$0x3F95]  }
0x3d: {  	_ =	shalt  }
0x3e: {  	_ =	shalt  }
0x3f: {  	_ =	shalt  }
0x40: {  	_ =	shalt  }
0x41: {  	_ =	shalt  }
0x42: {  	_ =	shalt  }
0x43: {  	_ =	shalt  }
0x44: {  	_ =	shalt  }
0x45: {  	_ =	shalt  }
0x46: {  	_ =	shalt  }
0x47: {  	_ =	shalt  }
0x48: {  	_ =	shalt  }
0x49: {  	_ =	shalt  }
0x4a: {  	_ =	shalt  }
0x4b: {  	_ =	shalt  }
0x4c: {  	_ =	shalt  }
0x4d: {  	_ =	shalt  }
0x4e: {  	_ =	shalt  }
0x4f: {  	_ =	shalt  }
0x50: {  	_ =	shalt  }
0x51: {  	_ =	shalt  }
0x52: {  	_ =	shalt  }
0x53: {  	_ =	shalt  }
0x54: {  	_ =	shalt  }
0x55: {  	_ =	shalt  }
0x56: {  	_ =	shalt  }
0x57: {  	_ =	shalt  }
0x58: {  	_ =	shalt  }
0x59: {  	_ =	shalt  }
0x5a: {  	_ =	shalt  }
0x5b: {  	_ =	shalt  }
0x5c: {  	_ =	shalt  }
0x5d: {  	_ =	shalt  }
0x5e: {  	_ =	shalt  }
0x5f: {  	_ =	shalt  }
0x60: {  	_ =	shalt  }
0x61: {  	_ =	shalt  }
0x62: {  	_ =	shalt  }
0x63: {  	_ =	shalt  }
0x64: {  	_ =	shalt  }
0x65: {  	_ =	shalt  }
0x66: {  	_ =	shalt  }
0x67: {  	_ =	shalt  }
0x68: {  	_ =	shalt  }
0x69: {  	_ =	shalt  }
0x6a: {  	_ =	shalt  }
0x6b: {  	_ =	shalt  }
0x6c: {  	_ =	shalt  }
0x6d: {  	_ =	shalt  }
0x6e: {  	_ =	shalt  }
0x6f: {  	_ =	shalt  }
0x70: {  	_ =	shalt  }
0x71: {  	_ =	shalt  }
0x72: {  	_ =	shalt  }
0x73: {  	_ =	shalt  }
0x74: {  	_ =	shalt  }
0x75: {  	_ =	shalt  }
0x76: {  	_ =	shalt  }
0x77: {  	_ =	shalt  }
0x78: {  	_ =	shalt  }
0x79: {  	_ =	shalt  }
0x7a: {  	_ =	shalt  }
0x7b: {  	_ =	shalt  }
0x7c: {  	_ =	shalt  }
0x7d: {  	_ =	shalt  }
0x7e: {  	_ =	shalt  }
0x7f: {  	_ =	shalt  }
0x80: {  	_ =	shalt  }
0x81: {  	_ =	shalt  }
0x82: {  	_ =	shalt  }
0x83: {  	_ =	shalt  }
0x84: {  	_ =	shalt  }
0x85: {  	_ =	shalt  }
0x86: {  	_ =	shalt  }
0x87: {  	_ =	shalt  }
.Lfunc_end0:
.L_simem_size_0:
called_computation_lowered:
.L_overlay_start_0:
0x88: {  	s2 =	sld [smem:$0x3FD9]  }
0x89: {  	s3 =	sld [smem:$0x3FFE];
	_ =	sdelay $0x1  }
0x8a: {  	s1 =	srdreg.scid  }
0x8b: {  	s0 =	sand.u32 $0x1, s1  }
0x8c: {  	s17 =	sshll.u32 s0, $0xA;
	s2 =	sadd.s32 s3, s2  }
0x8d: {  	s2 =	sadd.s32 s2, s17  }
0x8e: {  	[smem:$0x3FA1] =	sst s2  }
0x8f: {  	_ = 	snop  }
0x90: {  	s2 =	sld [smem:$0x3FD0];
	(tm) =	ssettm $0x1  }
0x91: {  	s18 =	sld [smem:$0x3FFB];
	_ =	sdelay $0x3  }
0x92: {  	_ =	strace s18  }
0x93: {  	s3 =	sld [smem:$0x3FFC];
	_ =	sdelay $0x3  }
0x94: {  	_ =	strace s3  }
0x95: {  	s3 =	sld [smem:$0x3FFD];
	_ =	sdelay $0x3  }
0x96: {  	_ =	strace s3  }
0x97: {  	_ =	strace $0x8FFFFFFF  }
0x98: {  	s19 =	sld [smem:$0x3FDB];
	_ =	sdelay $0x1  }
0x99: {  	s4 =	simm.s32 $_scs_section_size  }
0x9a: {  	s5 =	simm.s32 $_size__tile_overlayer_lowered;
	s6 =	simm.s32 $_tile_overlayer_lowered  }
0x9b: {  	s22 =	simm.s32 $0x1BFF;
	s21 =	sshll.u32 s6, $0x1;
	s3 =	sadd.s32 s4, s19  }
0x9c: {  	s7 =	simm.s32 $0x0;
	s20 =	sshll.u32 s5, $0x1;
	s5 =	sadd.s32 s21, s3  }
0x9d: {  	[timem:s7], [sflag:s22] =	dma.local [hbm:s5], s20  }
0x9e: {  	_ =	swait.ge [sflag:s22], s20  }
0x9f: {  	s4 =	ssub.s32 $0x0, s20;
	[sflag:s22] =	ssyncset.done $0x0  }
0xa0: {  	[sflag:s22] =	ssyncadd.s32 s4;
	_ =	sdelay $0x1  }
0xa1: {  	s23 =	simm.s32 $0x1B8B  }
0xa2: {  	_ =	swait.ge [sflag:s23], $0x1  }
0xa3: {  	[sflag:s23] =	ssyncset.done $0x0  }
0xa4: {  	s25 =	simm.s32 $0x1B8E;
	s24 =	sld [smem:$0x3FFE];
	[sflag:s23] =	ssyncadd.s32 $0xFFFFFFFF  }
0xa5: {  	s26 =	simm.s32 $execute0_lowered;
	[smem:$0x3FD2] =	sst s25  }
0xa6: {  	s5 =	sshll.u32 s26, $0x1;
	_ =	strace $0x80000046;
	[dreg:$0x1] =	wrdreg $0xFFFFFFFF  }
0xa7: {  	s28 =	simm.s32 $_size_execute0_lowered;
	s3 =	sadd.s32 s3, s5;
	[dreg:$0x0] =	wrdreg $0x0  }
0xa8: {  	s5 =	sshll.u32 s28, $0x1;
	[dreg:$0x2] =	wrdreg s3  }
0xa9: {  	[dreg:$0x3] =	wrdreg s5  }
0xaa: {  	[dreg:$0x4] =	wrdreg $0xC0  }
0xab: {  	_ =	task [dreg:s7], $0x5FFFF  }
0xac: {  	[dreg:$0x1] =	wrdreg $0xFFFFFFFF  }
0xad: {  	[dreg:$0x0] =	wrdreg $0x60  }
0xae: {  	[dreg:$0x2] =	wrdreg s2  }
0xaf: {  	[dreg:$0x3] =	wrdreg s24  }
0xb0: {  	[dreg:$0x4] =	wrdreg $0x9  }
0xb1: {  	_ =	task.clear_ibuf [dreg:s7], $0x5FFFF;
	_ =	strace $0x90000046  }
0xb2: {  	s29 =	simm.s32 $0x9;
	_ =	strace $0x80000048  }
0xb3: {  	_ =	swait.ge [sflag:s29], $0x1  }
0xb4: {  	[sflag:s29] =	ssyncadd.s32 $0xFFFFFFFF  }
0xb5: {  	_ =	strace $0x90000048  }
0xb6: {  	_ =	sfence  }
0xb7: {  	s30 =	sld [smem:$0x0];
	_ =	sdelay $0x2  }
0xb8: {  	s31 =	sshll.u32 s1, $0xD;
	s1 =	sshrl.u32 s1, $0x2  }
0xb9: {  	s3 =	sand.u32 $0x4000, s31;
	s1 =	sadd.s32 s1, s30  }
0xba: {  	s0 =	sor.u32 s3, s0;
	s1 =	sshll.u32 s1, $0x11  }
0xbb: {  	s0 =	sor.u32 s1, s0  }
0xbc: {  	s0 =	sadd.s32 $0x8F2B, s0  }
0xbd: {  	[sflag:s0] =	ssyncadd.remote.s32 $0x1  }
0xbe: {  	_ =	sfence.sel $0xFFFF  }
0xbf: {  	[dreg:$0x0] =	wrdreg $0xFFFFFFFF;
	(pc) =	sbr.abs _section_cstart, $3  }
0xc0: {  	[dreg:$0x1] =	wrdreg $0xFFFFFFFF  }
0xc1: {  	_ =	task.clear_ibuf [dreg:s7], $0x2FFFF;
	_ =	strace $0x9FFFFFFF  }
0xc2: {  	(tm) =	ssettm $0x7FFFFFFF  }
0xc3: {  	_ =	shalt  }
tec
execute0_lowered:
.L_overlay_start_1:
0x0: {  	(tag) =	ssettag $0x1  }
0x1: {  	s1 =	rddreg [dreg:$0x0]  }
0x2: {  	s4 =	rddreg [dreg:$0x1];
	s5 =	srdreg.scid;
	s3 =	simm.s32 $0x0  }
0x3: {  	s2 =	stileid.u32;
	s12 =	simm.s32 $0x5;
	s13 =	simm.s32 $0x80  }
0x4: {  	s14 =	simm.s32 $0x2400;
	s15 =	simm.s32 $0x280;
	s16 =	simm.s32 $0x2C00  }
0x5: {  	s17 =	simm.s32 $0x300;
	s18 =	simm.s32 $0x3400;
	s19 =	simm.s32 $0x380  }
0x6: {  	s20 =	simm.s32 $0x3C00;
	s21 =	simm.s32 $0x1;
	s22 =	simm.s32 $0x400  }
0x7: {  	s23 =	simm.s32 $0x0;
	s7 =	sand.u32 $0x1, s5;
	[smem:$0x7FF] =	sst s3  }
0x8: {  	s29 =	sshll.u32 s2, $0x7;
	s5 =	sshll.u32 s2, $0x1;
	s31 =	sshll.u32 s2, $0xB  }
0x9: {  	s6 =	ssub.s32 $0x2, s7;
	_ =	strace $0x80000047;
	s8 =	sadd.s32 s29, s4  }
.Ltmp0:
0xa: {  	s4 =	sadd.s32 $0x8400, s4;
	s9 =	sor.u32 s7, s5;
	(pc) =	sbr.rel .LBB2_1-.Ltmp0, $4  }
0xb: {  	s10 =	sshll.u32 s7, $0x6;
	s11 =	sshll.u32 s7, $0xA;
	s30 =	sshrl.u32 s6, $0x1  }
0xc: {  	s8 =	sadd.s32 s10, s8;
	s7 =	sor.u32 $0x20, s9;
	s10 =	sor.u32 s11, s31  }
0xd: {  	s11 =	simm.s32 $0x200;
	s6 =	ssub.s32 s6, s30;
	s8 =	sadd.s32 $0x2800, s8  }
0xe: {  	s9 =	sadd.s32 s10, s4;
	s10 =	sor.u32 $0xFFF8000, s10;
	s6 =	smax.u32 s6, $0x1  }
.LBB2_7:
0xf: {  	s23 =	sadd.s32 $0x1, s23  }
0x10: {  	p0 =	sne.s32 s23, s6  }
.Ltmp1:
0x11: {  	_ = 	snop;
	(pc) =	sbr.rel @!p0 .LBB2_8-.Ltmp1, $1  }
0x12: {  	_ =	sdelay $0x3  }
.LBB2_1:
.Ltmp2:
0x13: {  	(pc) =	sbr.rel .LBB2_2-.Ltmp2, $3  }
0x14: {  	_ =	sdelay $0x1  }
0x15: {  	s24 =	smov.u32 s10  }
0x16: {  	s25 =	smov.u32 s9;
	s26 =	smov.u32 s8;
	s28 =	simm.s32 $0x0  }
.LBB2_3:
0x17: {  	[tilespmem:s11], [sflag:$0x5] =	stream.linear.gather [hbm4b:s26+s3], $0x200, $0x38;
	[tilespmem:$0x4400] =	vst v63  }
0x18: {  	_ =	swait.ge [sflag:s12], $0x200  }
0x19: {  	[sflag:s12] =	ssyncset.done $0x0  }
0x1a: {  	[sflag:s12] =	ssyncadd.s32 $0xFFFFFE00  }
0x1b: {  	[tilespmem:s14], [sflag:$0x2] =	stream.indirect.gather [hbm4b:s1+s13], $0x10, s11, s13, $0xb8;
	[tilespmem:$0x4400] =	vst v63  }
0x1c: {  	_ = 	snop  }
0x1d: {  	[tilespmem:s16], [sflag:$0x2] =	stream.indirect.gather [hbm4b:s1+s13], $0x10, s15, s13, $0xb8;
	[tilespmem:$0x4400] =	vst v63  }
0x1e: {  	_ = 	snop  }
0x1f: {  	[tilespmem:s18], [sflag:$0x2] =	stream.indirect.gather [hbm4b:s1+s13], $0x10, s17, s13, $0xb8;
	[tilespmem:$0x4400] =	vst v63  }
0x20: {  	_ = 	snop  }
0x21: {  	[tilespmem:s20], [sflag:$0x2] =	stream.indirect.gather [hbm4b:s1+s13], $0x10, s19, s13, $0xb8;
	[tilespmem:$0x4400] =	vst v63  }
.LBB2_5:
0x22: {  	_ =	swait.ge [sflag:s21], $0x2000  }
0x23: {  	[sflag:s21] =	ssyncset.done $0x0  }
0x24: {  	[sflag:s21] =	ssyncadd.s32 $0xFFFFE000  }
0x25: {  	[hbm4b:s25+s3] =	stream.linear.scatter [tilespmem:s22], [sflag:$0x3], $0x2000, $0x38;
	[tilespmem:$0x4400] =	vst v63  }
.LBB2_6:
0x26: {  	s28 =	sadd.s32 $0x40, s28  }
0x27: {  	p0 =	sne.s32 s28, $0x200  }
.Ltmp3:
0x28: {  	_ = 	snop;
	(pc) =	sbr.rel @!p0 .LBB2_7-.Ltmp3, $2  }
0x29: {  	_ =	sdelay $0x2  }
0x2a: {  	s26 =	sadd.s32 $0x1000, s26;
	s25 =	sadd.s32 $0x10000, s25;
	s24 =	sadd.s32 $0x10000, s24  }
.LBB2_2:
0x2b: {  	s29 =	sadd.s32 s28, s5;
	p0 =	seq.s32 s28, $0x0  }
0x2c: {  	p1 =	sgt.u32 @!p0 s29, $0x1C7  }
0x2d: {  	p2 =	por p1, p0  }
0x2e: {  	s30 =	simm.s32 @!p2 $0x3  }
0x2f: {  	_ =	swait.ge @!p2 [sflag:s30], $0x2000  }
0x30: {  	p1 =	sgt.u32 s29, $0x187;
	[sflag:s30] =	ssyncset.done @!p2 $0x0  }
0x31: {  	s31 =	simm.s32 @!p1 $0x0;
	[sflag:s30] =	ssyncadd.s32 @!p2 $0xFFFFE000;
	s30 =	sadd.s32 @!p1 $0xFFFFF800, s26  }
0x32: {  	[tilespmem:s31], [sflag:$0x5] =	stream.linear.gather @!p1 [hbm4b:s30+s31], $0x200, $0x38;
	[tilespmem:$0x4400] =	vst v63  }
0x33: {  	s30 =	simm.s32 @!p1 $0x5  }
0x34: {  	_ =	swait.ge @!p1 [sflag:s30], $0x200  }
0x35: {  	[sflag:s30] =	ssyncset.done @!p1 $0x0  }
0x36: {  	s0 =	simm.s32 @!p1 $0x400;
	[sflag:s30] =	ssyncadd.s32 @!p1 $0xFFFFFE00;
	s30 =	simm.s32 @!p1 $0x80  }
0x37: {  	[tilespmem:s0], [sflag:$0x1] =	stream.indirect.gather @!p1 [hbm4b:s1+s30], $0x10, s31, s30, $0xb8;
	[tilespmem:$0x4400] =	vst v63  }
0x38: {  	s0 =	simm.s32 @!p1 $0xC00  }
0x39: {  	[tilespmem:s0], [sflag:$0x1] =	stream.indirect.gather @!p1 [hbm4b:s1+s30], $0x10, s30, s30, $0xb8;
	[tilespmem:$0x4400] =	vst v63  }
0x3a: {  	s31 =	simm.s32 @!p1 $0x1400;
	s0 =	simm.s32 @!p1 $0x100  }
0x3b: {  	[tilespmem:s31], [sflag:$0x1] =	stream.indirect.gather @!p1 [hbm4b:s1+s30], $0x10, s0, s30, $0xb8;
	[tilespmem:$0x4400] =	vst v63  }
0x3c: {  	s0 =	simm.s32 @!p1 $0x180;
	s31 =	simm.s32 @!p1 $0x1C00  }
0x3d: {  	[tilespmem:s31], [sflag:$0x1] =	stream.indirect.gather @!p1 [hbm4b:s1+s30], $0x10, s0, s30, $0xb8;
	[tilespmem:$0x4400] =	vst v63  }
0x3e: {  	p1 =	sgt.u32 @!p0 s29, $0x1A7  }
0x3f: {  	p1 =	por p1, p0  }
0x40: {  	s0 =	simm.s32 @!p1 $0x2  }
0x41: {  	_ =	swait.ge @!p1 [sflag:s0], $0x2000  }
0x42: {  	[sflag:s0] =	ssyncset.done @!p1 $0x0  }
0x43: {  	[sflag:s0] =	ssyncadd.s32 @!p1 $0xFFFFE000;
	s0 =	sand.u32 @!p1 $0xFFFFC00, s24  }
0x44: {  	s29 =	simm.s32 @!p1 $0x0;
	s30 =	simm.s32 @!p1 $0x2400;
	s0 =	sadd.s32 @!p1 s4, s0  }
0x45: {  	[hbm4b:s0+s29] =	stream.linear.scatter @!p1 [tilespmem:s30], [sflag:$0x4], $0x2000, $0x38;
	[tilespmem:$0x4400] =	vst v63  }
0x46: {  	s29 =	sadd.s32 s28, s7  }
0x47: {  	p1 =	sgt.u32 @!p0 s29, $0x1C7  }
0x48: {  	p0 =	por p1, p0;
	p1 =	sgt.u32 s29, $0x187  }
.Ltmp4:
0x49: {  	_ = 	snop;
	(pc) =	sbr.rel @!p1 .LBB2_3-.Ltmp4, $4  }
0x4a: {  	s0 =	simm.s32 @!p0 $0x4  }
0x4b: {  	_ =	swait.ge @!p0 [sflag:s0], $0x2000  }
0x4c: {  	[sflag:s0] =	ssyncset.done @!p0 $0x0  }
0x4d: {  	[sflag:s0] =	ssyncadd.s32 @!p0 $0xFFFFE000  }
0x4e: {  	p0 =	sgt.u32 s29, $0x1A7  }
.Ltmp5:
0x4f: {  	_ = 	snop;
	(pc) =	sbr.rel @p0 .LBB2_6-.Ltmp5, $4  }
.Ltmp6:
0x50: {  	_ = 	snop;
	(pc) =	sbr.rel @!p0 .LBB2_5-.Ltmp6, $4  }
0x51: {  	_ = 	snop  }
0x52: {  	_ = 	snop  }
0x53: {  	_ = 	snop  }
0x54: {  	_ = 	snop  }
.LBB2_8:
0x55: {  	_ =	sfence.sel $0x180000  }
0x56: {  	[bflag:$0x0] =	sbarrier.arrive $0xFFFF  }
0x57: {  	_ =	strace $0x90000047  }
0x58: {  	[bflag:$0x2] =	sbarrier.arrive $0xFFFF  }
0x59: {  	p0 =	sne.s32 s2, $0x0;
	s0 =	rddreg [dreg:$0x2]  }
0x5a: {  	s0 =	sadd.s32 @!p0 $0x100000, s0  }
0x5b: {  	[sflag:s0] =	ssyncadd.tile.s32 @!p0 $0x1;
	_ =	shalt  }
.Lfunc_end2:
_tile_overlayer_lowered:
.L_overlay_start_2:
0x5c: {  	(tag) =	ssettag $0x2  }
0x5d: {  	s0 =	rddreg [dreg:$0x0];
	s2 =	stileid.u32  }
0x5e: {  	s1 =	rddreg [dreg:$0x1];
	p0 =	sne.s32 s2, $0x0  }
0x5f: {  	s3 =	rddreg [dreg:$0x2];
	[bflag:$0x3] =	sbarrier.arrive $0xFFFF;
	s2 =	simm.s32 @!p0 $0x1C05  }
0x60: {  	[timem:s3], [sflag:s2] =	dma.local @!p0 [hbm:s0], s1  }
0x61: {  	s0 =	simm.s32 @!p0 $0x5  }
0x62: {  	_ =	swait.ge @!p0 [sflag:s0], s1  }
0x63: {  	s1 =	ssub.s32 @!p0 $0x0, s1;
	[sflag:s0] =	ssyncset.done @!p0 $0x0  }
0x64: {  	[sflag:s0] =	ssyncadd.s32 @!p0 s1  }
0x65: {  	[bflag:$0x3] =	sbarrier.arrive $0xFFFF  }
0x66: {  	_ =	shalt  }

</sc_bundles>
